<compile_context>
chip_gen: v7x
topology: tpu7x:2x2x1
jax: 0.10.2.dev20260603
libtpu: 0.0.44.dev20260713+nightly
codegen_flags: <defaults>
</compile_context>

<pallas_src>
import jax
import jax.numpy as jnp
from jax import lax
from jax.experimental import pallas as pl
from jax.experimental.pallas import tpu as pltpu
from jax.experimental.pallas import tpu_sc as plsc

N_NODES = 10000
N_FEAT = 128
HIDDEN = 128
N_GRAPHS = 512
N_EDGES = 320000

NC = 2
NS = 16
CHUNK = 128
E_PAD = 327680
ECH = E_PAD // NC // NS // CHUNK
NCHT = E_PAD // CHUNK
PCH0 = NCHT // 2
PCH1 = NCHT - PCH0
DUMP = N_NODES
TROWS = 10112
NB = 512
NBLK = 20

_mesh = plsc.VectorSubcoreMesh(
    core_axis_name="c", subcore_axis_name="s", num_cores=NC, num_subcores=NS)



def _deg_body(zeros_hbm, ones_hbm, dst_hbm, out_hbm, acc, ones_v, dA, dB,
              isA, isB):
    c = lax.axis_index("c")
    s = lax.axis_index("s")
    rpt = TROWS // NS
    pltpu.sync_copy(zeros_hbm.at[pl.ds(s * rpt, rpt)], acc.at[pl.ds(s * rpt, rpt)])

    pltpu.sync_copy(ones_hbm, ones_v)
    plsc.subcore_barrier()

    pltpu.sync_copy(dst_hbm.at[c, s, 0], dA)
    pltpu.async_copy(dst_hbm.at[c, s, 1], dB, isB)

    def _step(j, dC, isC, dN, isN):
        @pl.when(j + 1 < ECH)
        def _():
            pltpu.make_async_copy(dst_hbm.at[c, s, j + 1], dN, isN).wait()

        pltpu.sync_copy(ones_v, acc.at[dC], add=True)

        @pl.when(j + 2 < ECH)
        def _():
            pltpu.async_copy(dst_hbm.at[c, s, j + 2], dC, isC)

    def body(j, carry):
        @pl.when(j % 2 == 0)
        def _():
            _step(j, dA, isA, dB, isB)

        @pl.when(j % 2 == 1)
        def _():
            _step(j, dB, isB, dA, isA)

        return carry

    lax.fori_loop(0, ECH, body, 0)
    plsc.subcore_barrier()
    pltpu.sync_copy(acc.at[pl.ds(s * rpt, rpt)], out_hbm.at[c, pl.ds(s * rpt, rpt)])


_deg_call = pl.kernel(
    _deg_body,
    out_type=jax.ShapeDtypeStruct((NC, TROWS, 128), jnp.float32),
    mesh=_mesh,
    scratch_types=[
        pltpu.VMEM_SHARED((TROWS, 128), jnp.float32),
        pltpu.VMEM((CHUNK, 128), jnp.float32),
        pltpu.VMEM((CHUNK,), jnp.int32),
        pltpu.VMEM((CHUNK,), jnp.int32),
        pltpu.SemaphoreType.DMA,
        pltpu.SemaphoreType.DMA,
    ],
)



def _prop_body(z_hbm, zeros_hbm, src_hbm, dst_hbm, out_hbm, acc,
               sA, dA, sB, dB, rowsA, rowsB, gsA, gsB, isA, isB):
    c = lax.axis_index("c")
    s = lax.axis_index("s")
    rpt = TROWS // NS
    @pl.when(c == 0)
    def _():
        pltpu.sync_copy(z_hbm.at[pl.ds(s * rpt, rpt)], acc.at[pl.ds(s * rpt, rpt)])

    @pl.when(c != 0)
    def _():
        pltpu.sync_copy(zeros_hbm.at[pl.ds(s * rpt, rpt)],
                        acc.at[pl.ds(s * rpt, rpt)])

    plsc.subcore_barrier()

    n0 = PCH0 // NS
    n1 = PCH1 // NS
    cnt = jnp.where(c == 0, n0, n1)
    base = jnp.where(c == 0, s * n0, PCH0 + s * n1)

    pltpu.sync_copy(src_hbm.at[base], sA)
    pltpu.sync_copy(dst_hbm.at[base], dA)
    pltpu.async_copy(z_hbm.at[sA], rowsA, gsA)
    pltpu.async_copy(src_hbm.at[base + 1], sB, isB)
    pltpu.async_copy(dst_hbm.at[base + 1], dB, isB)

    def _step(j, sC, dC, rowsC, gsC, isC, sN, dN, rowsN, gsN, isN):
        @pl.when(j + 1 < cnt)
        def _():
            pltpu.make_async_copy(src_hbm.at[base + j + 1], sN, isN).wait()
            pltpu.make_async_copy(dst_hbm.at[base + j + 1], dN, isN).wait()
            pltpu.async_copy(z_hbm.at[sN], rowsN, gsN)

        pltpu.make_async_copy(z_hbm.at[sC], rowsC, gsC).wait()
        pltpu.sync_copy(rowsC, acc.at[dC], add=True)

        @pl.when(j + 2 < cnt)
        def _():
            pltpu.async_copy(src_hbm.at[base + j + 2], sC, isC)
            pltpu.async_copy(dst_hbm.at[base + j + 2], dC, isC)

    def body(j, carry):
        @pl.when(j % 2 == 0)
        def _():
            _step(j, sA, dA, rowsA, gsA, isA, sB, dB, rowsB, gsB, isB)

        @pl.when(j % 2 == 1)
        def _():
            _step(j, sB, dB, rowsB, gsB, isB, sA, dA, rowsA, gsA, isA)

        return carry

    lax.fori_loop(0, cnt, body, 0)
    plsc.subcore_barrier()
    pltpu.sync_copy(acc.at[pl.ds(s * rpt, rpt)], out_hbm.at[c, pl.ds(s * rpt, rpt)])


_prop_call = pl.kernel(
    _prop_body,
    out_type=jax.ShapeDtypeStruct((NC, TROWS, 128), jnp.float32),
    mesh=_mesh,
    scratch_types=[
        pltpu.VMEM_SHARED((TROWS, 128), jnp.float32),
        pltpu.VMEM((CHUNK,), jnp.int32),
        pltpu.VMEM((CHUNK,), jnp.int32),
        pltpu.VMEM((CHUNK,), jnp.int32),
        pltpu.VMEM((CHUNK,), jnp.int32),
        pltpu.VMEM((CHUNK, 128), jnp.float32),
        pltpu.VMEM((CHUNK, 128), jnp.float32),
        pltpu.SemaphoreType.DMA,
        pltpu.SemaphoreType.DMA,
        pltpu.SemaphoreType.DMA,
        pltpu.SemaphoreType.DMA,
    ],
)



def _tc1_body(x_ref, w_ref, deg_ref, z_ref, dinv_ref):
    a = deg_ref[...]
    deg = jnp.max(a[0], axis=-1) + jnp.max(a[1], axis=-1) + 1.0
    dv = lax.rsqrt(deg)
    dinv_ref[...] = dv
    z_ref[...] = dv[:, None] * jnp.dot(x_ref[...], w_ref[...],
                                       preferred_element_type=jnp.float32)


def _tc1(x, w1, degp):
    return pl.pallas_call(
        _tc1_body,
        grid=(NBLK,),
        in_specs=[
            pl.BlockSpec((NB, N_FEAT), lambda i: (i, 0)),
            pl.BlockSpec((N_FEAT, HIDDEN), lambda i: (0, 0)),
            pl.BlockSpec((NC, NB, 128), lambda i: (0, i, 0)),
        ],
        out_specs=[
            pl.BlockSpec((NB, HIDDEN), lambda i: (i, 0)),
            pl.BlockSpec((NB,), lambda i: (i,)),
        ],
        out_shape=[
            jax.ShapeDtypeStruct((TROWS, HIDDEN), jnp.float32),
            jax.ShapeDtypeStruct((N_NODES,), jnp.float32),
        ],
    )(x, w1, degp)



def _tc2_body(s_ref, dinv_ref, b_ref, w_ref, z_ref):
    a = s_ref[...]
    f = a[0] + a[1]
    dv = dinv_ref[...][:, None]
    f = jnp.maximum(dv * f + b_ref[...][None, :], 0.0)
    z_ref[...] = dv * jnp.dot(f, w_ref[...], preferred_element_type=jnp.float32)


def _tc2(sp, dinv, b, w):
    return pl.pallas_call(
        _tc2_body,
        grid=(NBLK,),
        in_specs=[
            pl.BlockSpec((NC, NB, HIDDEN), lambda i: (0, i, 0)),
            pl.BlockSpec((NB,), lambda i: (i,)),
            pl.BlockSpec((HIDDEN,), lambda i: (0,)),
            pl.BlockSpec((HIDDEN, HIDDEN), lambda i: (0, 0)),
        ],
        out_specs=pl.BlockSpec((NB, HIDDEN), lambda i: (i, 0)),
        out_shape=jax.ShapeDtypeStruct((TROWS, HIDDEN), jnp.float32),
    )(sp, dinv, b, w)



def _tcf_body(s_ref, dinv_ref, b_ref, batch_ref, wl_ref, bl_ref, wo_ref,
              bo_ref, out_ref, sums_ref, cnt_ref):
    i = pl.program_id(0)
    nblocks = pl.num_programs(0)

    @pl.when(i == 0)
    def _():
        sums_ref[...] = jnp.zeros_like(sums_ref)
        cnt_ref[...] = jnp.zeros_like(cnt_ref)

    a = s_ref[...]
    f = a[0] + a[1]
    dv = dinv_ref[...][:, None]
    f = jnp.maximum(dv * f + b_ref[...][None, :], 0.0)
    rowf = i * NB + lax.broadcasted_iota(jnp.int32, (NB, HIDDEN), 0)
    f = jnp.where(rowf < N_NODES, f, 0.0)

    ids = batch_ref[...][:, None]
    gid = lax.broadcasted_iota(jnp.int32, (NB, N_GRAPHS), 1)
    row = i * NB + lax.broadcasted_iota(jnp.int32, (NB, N_GRAPHS), 0)
    m = ((ids == gid) & (row < N_NODES)).astype(jnp.float32)
    sums_ref[...] += lax.dot_general(m, f, (((0,), (0,)), ((), ())),
                                     preferred_element_type=jnp.float32)
    cnt_ref[...] += jnp.sum(m, axis=0)

    @pl.when(i == nblocks - 1)
    def _():
        pooled = sums_ref[...] / jnp.clip(cnt_ref[...], 1.0, None)[:, None]
        g = jnp.maximum(
            jnp.dot(pooled, wl_ref[...], preferred_element_type=jnp.float32)
            + bl_ref[...][None, :], 0.0)
        out_ref[...] = (jnp.dot(g, wo_ref[...],
                                preferred_element_type=jnp.float32)
                        + bo_ref[...][None, :])


def _tcf(sp, dinv, b, batch, wl, bl, wo, bo):
    return pl.pallas_call(
        _tcf_body,
        grid=(NBLK,),
        in_specs=[
            pl.BlockSpec((NC, NB, HIDDEN), lambda i: (0, i, 0)),
            pl.BlockSpec((NB,), lambda i: (i,)),
            pl.BlockSpec((HIDDEN,), lambda i: (0,)),
            pl.BlockSpec((NB,), lambda i: (i,)),
            pl.BlockSpec((HIDDEN, HIDDEN // 2), lambda i: (0, 0)),
            pl.BlockSpec((HIDDEN // 2,), lambda i: (0,)),
            pl.BlockSpec((HIDDEN // 2, 1), lambda i: (0, 0)),
            pl.BlockSpec((1,), lambda i: (0,)),
        ],
        out_specs=pl.BlockSpec((N_GRAPHS, 1), lambda i: (0, 0)),
        out_shape=jax.ShapeDtypeStruct((N_GRAPHS, 1), jnp.float32),
        scratch_shapes=[
            pltpu.VMEM((N_GRAPHS, HIDDEN), jnp.float32),
            pltpu.VMEM((N_GRAPHS,), jnp.float32),
        ],
    )(sp, dinv, b, batch, wl, bl, wo, bo)



@jax.jit
def _run(x, edge_index, batch, W1, b1, W2, b2, W3, b3, Wl, bl, Wo, bo):
    src = edge_index[0].astype(jnp.int32)
    dst = edge_index[1].astype(jnp.int32)
    pad = E_PAD - N_EDGES
    fill = DUMP + jnp.arange(pad, dtype=jnp.int32) % (TROWS - N_NODES)
    src_p = jnp.concatenate([src, fill])
    dst_p = jnp.concatenate([dst, fill])
    src_c = src_p.reshape(NC, NS, ECH, CHUNK)
    dst_c = dst_p.reshape(NC, NS, ECH, CHUNK)
    src_t = src_p.reshape(NCHT, CHUNK)
    dst_t = dst_p.reshape(NCHT, CHUNK)
    zeros = jnp.zeros((TROWS, 128), jnp.float32)
    ones = jnp.ones((CHUNK, 128), jnp.float32)
    batch_i = batch.astype(jnp.int32)

    degp = _deg_call(zeros, ones, dst_c)
    z1, dinv = _tc1(x, W1, degp)
    s1 = _prop_call(z1, zeros, src_t, dst_t)
    z2 = _tc2(s1, dinv, b1, W2)
    s2 = _prop_call(z2, zeros, src_t, dst_t)
    z3 = _tc2(s2, dinv, b2, W3)
    s3 = _prop_call(z3, zeros, src_t, dst_t)
    return _tcf(s3, dinv, b3, batch_i, Wl, bl, Wo, bo)


def kernel(x, edge_index, batch, W1, b1, W2, b2, W3, b3, Wl, bl, Wo, bo):
    return _run(x, edge_index, batch, W1, b1, W2, b2, W3, b3, Wl, bl, Wo, bo)

# --- scband reference (transcript-rebuilt; emitter-appended) ---
"""Pipeline reference for scband-aq-sol-model-22333829939473 (READ-ONLY COPY).

The authoritative reference and input builder live on the scoring server;
editing this copy changes nothing except your own understanding.
"""

import jax, jax.numpy as jnp
import numpy as np

N_NODES = 10000
N_EDGES = 320000
N_FEAT = 128
HIDDEN = 128
N_GRAPHS = 512


def setup_inputs(seed: int = 0) -> dict:
    key = jax.random.key(seed)
    ks = jax.random.split(key, 16)
    x = jax.random.normal(ks[0], (N_NODES, N_FEAT), dtype=jnp.float32)
    edge_index = jax.random.randint(ks[1], (2, N_EDGES), 0, N_NODES, dtype=jnp.int64)
    batch = jnp.sort(jax.random.randint(ks[2], (N_NODES,), 0, N_GRAPHS, dtype=jnp.int64))
    def glorot(k, shape):
        lim = np.sqrt(6.0 / (shape[0] + shape[1]))
        return jax.random.uniform(k, shape, dtype=jnp.float32, minval=-lim, maxval=lim)
    # GCNConv layers: conv (in->hidden), conv_layers[0], conv_layers[1] (hidden->hidden)
    W1 = glorot(ks[3], (N_FEAT, HIDDEN)); b1 = jnp.zeros((HIDDEN,), jnp.float32)
    W2 = glorot(ks[4], (HIDDEN, HIDDEN)); b2 = jnp.zeros((HIDDEN,), jnp.float32)
    W3 = glorot(ks[5], (HIDDEN, HIDDEN)); b3 = jnp.zeros((HIDDEN,), jnp.float32)
    # lin_layers: Linear(128, 64); out: Linear(64, 1)
    Wl = glorot(ks[6], (HIDDEN, HIDDEN // 2)); bl = jnp.zeros((HIDDEN // 2,), jnp.float32)
    Wo = glorot(ks[7], (HIDDEN // 2, 1)); bo = jnp.zeros((1,), jnp.float32)
    return {"x": x, "edge_index": edge_index, "batch": batch,
            "W1": W1, "b1": b1, "W2": W2, "b2": b2, "W3": W3, "b3": b3,
            "Wl": Wl, "bl": bl, "Wo": Wo, "bo": bo}


def _gcn_conv(x, src, dst, norm, W, b):
    # PyG GCNConv: X' = D^-1/2 (A+I) D^-1/2 X W + b
    h = x @ W
    msg = h[src] * norm[:, None]
    out = jnp.zeros_like(h).at[dst].add(msg)
    return out + b


def _gcn_norm(edge_index, num_nodes):
    loop = jnp.arange(num_nodes, dtype=edge_index.dtype)
    src = jnp.concatenate([edge_index[0], loop])
    dst = jnp.concatenate([edge_index[1], loop])
    deg = jnp.zeros((num_nodes,), jnp.float32).at[dst].add(1.0)
    dinv = jnp.where(deg > 0, 1.0 / jnp.sqrt(deg), 0.0)
    norm = dinv[src] * dinv[dst]
    return src, dst, norm


def reference(x, edge_index, batch, W1, b1, W2, b2, W3, b3, Wl, bl, Wo, bo):
    num_nodes = x.shape[0]
    src, dst, norm = _gcn_norm(edge_index, num_nodes)
    h = jax.nn.relu(_gcn_conv(x, src, dst, norm, W1, b1))
    # dropout is identity in eval mode
    h = jax.nn.relu(_gcn_conv(h, src, dst, norm, W2, b2))
    h = jax.nn.relu(_gcn_conv(h, src, dst, norm, W3, b3))
    # global_mean_pool over batch ids
    sums = jax.ops.segment_sum(h, batch, num_segments=N_GRAPHS)
    cnts = jax.ops.segment_sum(jnp.ones((num_nodes,), jnp.float32), batch, num_segments=N_GRAPHS)
    pooled = sums / jnp.clip(cnts, 1.0, None)[:, None]
    g = jax.nn.relu(pooled @ Wl + bl)
    return g @ Wo + bo

if __name__ == "__main__":
    import jax
    _d = setup_inputs()
    print(jax.jit(kernel)(*tuple(_d.values())))

</pallas_src>

<mosaic_0001>
#map = affine_map<(d0, d1) -> (0, 0)>
#map1 = affine_map<(d0, d1) -> (0, 0, 0)>
module attributes {stable_mosaic.version = 14 : i64} {
  func.func @_prop_body(%arg0: i32, %arg1: i32, %arg2: memref<10112x128xf32, #tpu.memory_space<hbm>>, %arg3: memref<10112x128xf32, #tpu.memory_space<hbm>>, %arg4: memref<2560x128xi32, #tpu.memory_space<hbm>>, %arg5: memref<2560x128xi32, #tpu.memory_space<hbm>>, %arg6: memref<2x10112x128xf32, #tpu.memory_space<hbm>>, %arg7: memref<10112x128xf32, #tpu.memory_space<vmem_shared>>, %arg8: memref<128xi32, #tpu.memory_space<vmem>>, %arg9: memref<128xi32, #tpu.memory_space<vmem>>, %arg10: memref<128xi32, #tpu.memory_space<vmem>>, %arg11: memref<128xi32, #tpu.memory_space<vmem>>, %arg12: memref<128x128xf32, #tpu.memory_space<vmem>>, %arg13: memref<128x128xf32, #tpu.memory_space<vmem>>, %arg14: memref<!tpu.dma_semaphore, #tpu.memory_space<semaphore_mem>>, %arg15: memref<!tpu.dma_semaphore, #tpu.memory_space<semaphore_mem>>, %arg16: memref<!tpu.dma_semaphore, #tpu.memory_space<semaphore_mem>>, %arg17: memref<!tpu.dma_semaphore, #tpu.memory_space<semaphore_mem>>) attributes {dimension_semantics = [#tpu.dimension_semantics<core_parallel>, #tpu.dimension_semantics<subcore_parallel>], iteration_bounds = array<i64: 2, 16>, scalar_prefetch = 0 : i64, scratch_operands = 11 : i64, tpu.core_type = #tpu.core_type<sc_vector_subcore>, window_params = [{transform_indices = #map}, {transform_indices = #map}, {transform_indices = #map}, {transform_indices = #map}, {transform_indices = #map1}]} {
    %eq3A = arith.constant 0 : i32
    %eq3A_0 = arith.cmpi eq, %arg0, %eq3A : i32
    %convert_element_type3A = arith.extui %eq3A_0 : i1 to i32
    %cond3A = arith.constant 0 : i32
    %cond3A_1 = arith.cmpi ne, %convert_element_type3A, %cond3A : i32
    scf.if %cond3A_1 {
      %mul3A_48 = arith.constant 632 : i32
      %mul3A_49 = arith.muli %arg1, %mul3A_48 : i32
      %mul3A_50 = arith.constant 632 : i32
      %mul3A_51 = arith.muli %arg1, %mul3A_50 : i32
      "tpu.region"() ({
        %run_scoped3A = tpu.sem_alloc : memref<!tpu.dma_semaphore, #tpu.memory_space<semaphore_mem>>
        %dma_start3A_52 = arith.constant 0 : i32
        %dma_start3A_53 = tpu.memref_slice %arg7[%mul3A_51, %dma_start3A_52] : memref<10112x128xf32, #tpu.memory_space<vmem_shared>> -> memref<632x128xf32, #tpu.memory_space<vmem_shared>>
        %dma_start3A_54 = arith.constant 0 : i32
        %dma_start3A_55 = tpu.memref_slice %arg2[%mul3A_49, %dma_start3A_54] : memref<10112x128xf32, #tpu.memory_space<hbm>> -> memref<632x128xf32, #tpu.memory_space<hbm>>
        tpu.enqueue_dma source(%dma_start3A_55 : memref<632x128xf32, #tpu.memory_space<hbm>>) target(%dma_start3A_53 : memref<632x128xf32, #tpu.memory_space<vmem_shared>>) target_semaphore(%run_scoped3A : memref<!tpu.dma_semaphore, #tpu.memory_space<semaphore_mem>>)
        %dma_wait3A = arith.constant 0 : i32
        %dma_wait3A_56 = tpu.memref_slice %arg7[%mul3A_51, %dma_wait3A] : memref<10112x128xf32, #tpu.memory_space<vmem_shared>> -> memref<632x128xf32, #tpu.memory_space<vmem_shared>>
        %dma_wait3A_57 = arith.constant 0 : i32
        %dma_wait3A_58 = tpu.memref_slice %arg2[%mul3A_49, %dma_wait3A_57] : memref<10112x128xf32, #tpu.memory_space<hbm>> -> memref<632x128xf32, #tpu.memory_space<hbm>>
        tpu.wait_dma2 semaphore(%run_scoped3A : memref<!tpu.dma_semaphore, #tpu.memory_space<semaphore_mem>>) src(%dma_wait3A_58 : memref<632x128xf32, #tpu.memory_space<hbm>>) dst(%dma_wait3A_56 : memref<632x128xf32, #tpu.memory_space<vmem_shared>>)
        tpu.yield
      }) : () -> ()
    } else {
    }
    %ne3A = arith.constant 0 : i32
    %ne3A_2 = arith.cmpi ne, %arg0, %ne3A : i32
    %convert_element_type3A_3 = arith.extui %ne3A_2 : i1 to i32
    %cond3A_4 = arith.constant 0 : i32
    %cond3A_5 = arith.cmpi ne, %convert_element_type3A_3, %cond3A_4 : i32
    scf.if %cond3A_5 {
      %mul3A_48 = arith.constant 632 : i32
      %mul3A_49 = arith.muli %arg1, %mul3A_48 : i32
      %mul3A_50 = arith.constant 632 : i32
      %mul3A_51 = arith.muli %arg1, %mul3A_50 : i32
      "tpu.region"() ({
        %run_scoped3A = tpu.sem_alloc : memref<!tpu.dma_semaphore, #tpu.memory_space<semaphore_mem>>
        %dma_start3A_52 = arith.constant 0 : i32
        %dma_start3A_53 = tpu.memref_slice %arg7[%mul3A_51, %dma_start3A_52] : memref<10112x128xf32, #tpu.memory_space<vmem_shared>> -> memref<632x128xf32, #tpu.memory_space<vmem_shared>>
        %dma_start3A_54 = arith.constant 0 : i32
        %dma_start3A_55 = tpu.memref_slice %arg3[%mul3A_49, %dma_start3A_54] : memref<10112x128xf32, #tpu.memory_space<hbm>> -> memref<632x128xf32, #tpu.memory_space<hbm>>
        tpu.enqueue_dma source(%dma_start3A_55 : memref<632x128xf32, #tpu.memory_space<hbm>>) target(%dma_start3A_53 : memref<632x128xf32, #tpu.memory_space<vmem_shared>>) target_semaphore(%run_scoped3A : memref<!tpu.dma_semaphore, #tpu.memory_space<semaphore_mem>>)
        %dma_wait3A = arith.constant 0 : i32
        %dma_wait3A_56 = tpu.memref_slice %arg7[%mul3A_51, %dma_wait3A] : memref<10112x128xf32, #tpu.memory_space<vmem_shared>> -> memref<632x128xf32, #tpu.memory_space<vmem_shared>>
        %dma_wait3A_57 = arith.constant 0 : i32
        %dma_wait3A_58 = tpu.memref_slice %arg3[%mul3A_49, %dma_wait3A_57] : memref<10112x128xf32, #tpu.memory_space<hbm>> -> memref<632x128xf32, #tpu.memory_space<hbm>>
        tpu.wait_dma2 semaphore(%run_scoped3A : memref<!tpu.dma_semaphore, #tpu.memory_space<semaphore_mem>>) src(%dma_wait3A_58 : memref<632x128xf32, #tpu.memory_space<hbm>>) dst(%dma_wait3A_56 : memref<632x128xf32, #tpu.memory_space<vmem_shared>>)
        tpu.yield
      }) : () -> ()
    } else {
    }
    %barrier3A = arith.constant 0 : index
    tpu.barrier barrier_id(%barrier3A)
    %eq3A_6 = arith.constant 0 : i32
    %eq3A_7 = arith.cmpi eq, %arg0, %eq3A_6 : i32
    %jit3A = arith.constant 80 : i32
    %jit3A_8 = arith.constant 80 : i32
    %select_n3A = arith.select %eq3A_7, %jit3A, %jit3A_8 : i32
    %eq3A_9 = arith.constant 0 : i32
    %eq3A_10 = arith.cmpi eq, %arg0, %eq3A_9 : i32
    %mul3A = arith.constant 80 : i32
    %mul3A_11 = arith.muli %arg1, %mul3A : i32
    %mul3A_12 = arith.constant 80 : i32
    %mul3A_13 = arith.muli %arg1, %mul3A_12 : i32
    %add3A = arith.constant 1280 : i32
    %add3A_14 = arith.addi %add3A, %mul3A_13 : i32
    %select_n3A_15 = arith.select %eq3A_10, %mul3A_11, %add3A_14 : i32
    "tpu.region"() ({
      %run_scoped3A = tpu.sem_alloc : memref<!tpu.dma_semaphore, #tpu.memory_space<semaphore_mem>>
      %dma_start3A_48 = arith.constant 0 : i32
      %dma_start3A_49 = tpu.memref_slice %arg4[%select_n3A_15, %dma_start3A_48] : memref<2560x128xi32, #tpu.memory_space<hbm>> -> memref<1x128xi32, #tpu.memory_space<hbm>>
      %dma_start3A_50 = tpu.memref_squeeze %dma_start3A_49 : memref<1x128xi32, #tpu.memory_space<hbm>> -> memref<128xi32, #tpu.memory_space<hbm>>
      %dma_start3A_51 = arith.constant 0 : i32
      %dma_start3A_52 = tpu.memref_slice %arg4[%select_n3A_15, %dma_start3A_51] : memref<2560x128xi32, #tpu.memory_space<hbm>> -> memref<1x128xi32, #tpu.memory_space<hbm>>
      %dma_start3A_53 = tpu.memref_squeeze %dma_start3A_52 : memref<1x128xi32, #tpu.memory_space<hbm>> -> memref<128xi32, #tpu.memory_space<hbm>>
      tpu.enqueue_dma source(%dma_start3A_53 : memref<128xi32, #tpu.memory_space<hbm>>) target(%arg8 : memref<128xi32, #tpu.memory_space<vmem>>) target_semaphore(%run_scoped3A : memref<!tpu.dma_semaphore, #tpu.memory_space<semaphore_mem>>)
      %dma_wait3A = arith.constant 0 : i32
      %dma_wait3A_54 = tpu.memref_slice %arg4[%select_n3A_15, %dma_wait3A] : memref<2560x128xi32, #tpu.memory_space<hbm>> -> memref<1x128xi32, #tpu.memory_space<hbm>>
      %dma_wait3A_55 = tpu.memref_squeeze %dma_wait3A_54 : memref<1x128xi32, #tpu.memory_space<hbm>> -> memref<128xi32, #tpu.memory_space<hbm>>
      %dma_wait3A_56 = arith.constant 0 : i32
      %dma_wait3A_57 = tpu.memref_slice %arg4[%select_n3A_15, %dma_wait3A_56] : memref<2560x128xi32, #tpu.memory_space<hbm>> -> memref<1x128xi32, #tpu.memory_space<hbm>>
      %dma_wait3A_58 = tpu.memref_squeeze %dma_wait3A_57 : memref<1x128xi32, #tpu.memory_space<hbm>> -> memref<128xi32, #tpu.memory_space<hbm>>
      tpu.wait_dma2 semaphore(%run_scoped3A : memref<!tpu.dma_semaphore, #tpu.memory_space<semaphore_mem>>) src(%dma_wait3A_58 : memref<128xi32, #tpu.memory_space<hbm>>) dst(%arg8 : memref<128xi32, #tpu.memory_space<vmem>>)
      tpu.yield
    }) : () -> ()
    "tpu.region"() ({
      %run_scoped3A = tpu.sem_alloc : memref<!tpu.dma_semaphore, #tpu.memory_space<semaphore_mem>>
      %dma_start3A_48 = arith.constant 0 : i32
      %dma_start3A_49 = tpu.memref_slice %arg5[%select_n3A_15, %dma_start3A_48] : memref<2560x128xi32, #tpu.memory_space<hbm>> -> memref<1x128xi32, #tpu.memory_space<hbm>>
      %dma_start3A_50 = tpu.memref_squeeze %dma_start3A_49 : memref<1x128xi32, #tpu.memory_space<hbm>> -> memref<128xi32, #tpu.memory_space<hbm>>
      %dma_start3A_51 = arith.constant 0 : i32
      %dma_start3A_52 = tpu.memref_slice %arg5[%select_n3A_15, %dma_start3A_51] : memref<2560x128xi32, #tpu.memory_space<hbm>> -> memref<1x128xi32, #tpu.memory_space<hbm>>
      %dma_start3A_53 = tpu.memref_squeeze %dma_start3A_52 : memref<1x128xi32, #tpu.memory_space<hbm>> -> memref<128xi32, #tpu.memory_space<hbm>>
      tpu.enqueue_dma source(%dma_start3A_53 : memref<128xi32, #tpu.memory_space<hbm>>) target(%arg9 : memref<128xi32, #tpu.memory_space<vmem>>) target_semaphore(%run_scoped3A : memref<!tpu.dma_semaphore, #tpu.memory_space<semaphore_mem>>)
      %dma_wait3A = arith.constant 0 : i32
      %dma_wait3A_54 = tpu.memref_slice %arg5[%select_n3A_15, %dma_wait3A] : memref<2560x128xi32, #tpu.memory_space<hbm>> -> memref<1x128xi32, #tpu.memory_space<hbm>>
      %dma_wait3A_55 = tpu.memref_squeeze %dma_wait3A_54 : memref<1x128xi32, #tpu.memory_space<hbm>> -> memref<128xi32, #tpu.memory_space<hbm>>
      %dma_wait3A_56 = arith.constant 0 : i32
      %dma_wait3A_57 = tpu.memref_slice %arg5[%select_n3A_15, %dma_wait3A_56] : memref<2560x128xi32, #tpu.memory_space<hbm>> -> memref<1x128xi32, #tpu.memory_space<hbm>>
      %dma_wait3A_58 = tpu.memref_squeeze %dma_wait3A_57 : memref<1x128xi32, #tpu.memory_space<hbm>> -> memref<128xi32, #tpu.memory_space<hbm>>
      tpu.wait_dma2 semaphore(%run_scoped3A : memref<!tpu.dma_semaphore, #tpu.memory_space<semaphore_mem>>) src(%dma_wait3A_58 : memref<128xi32, #tpu.memory_space<hbm>>) dst(%arg9 : memref<128xi32, #tpu.memory_space<vmem>>)
      tpu.yield
    }) : () -> ()
    %dma_start3A = arith.constant 0 : i32
    %dma_start3A_16 = arith.constant 0 : i32
    %dma_start3A_17 = tpu.memref_slice %arg2[%dma_start3A, %dma_start3A_16] : memref<10112x128xf32, #tpu.memory_space<hbm>> -> memref<10112x128xf32, #tpu.memory_space<hbm>>
    tpu.enqueue_indirect_dma source(%dma_start3A_17 : memref<10112x128xf32, #tpu.memory_space<hbm>>) target(%arg12 : memref<128x128xf32, #tpu.memory_space<vmem>>) offsets(%arg8 : memref<128xi32, #tpu.memory_space<vmem>>) semaphore(%arg14 : memref<!tpu.dma_semaphore, #tpu.memory_space<semaphore_mem>>)
    %add3A_18 = arith.constant 1 : i32
    %add3A_19 = arith.addi %select_n3A_15, %add3A_18 : i32
    %dma_start3A_20 = arith.constant 0 : i32
    %dma_start3A_21 = tpu.memref_slice %arg4[%add3A_19, %dma_start3A_20] : memref<2560x128xi32, #tpu.memory_space<hbm>> -> memref<1x128xi32, #tpu.memory_space<hbm>>
    %dma_start3A_22 = tpu.memref_squeeze %dma_start3A_21 : memref<1x128xi32, #tpu.memory_space<hbm>> -> memref<128xi32, #tpu.memory_space<hbm>>
    %dma_start3A_23 = arith.constant 0 : i32
    %dma_start3A_24 = tpu.memref_slice %arg4[%add3A_19, %dma_start3A_23] : memref<2560x128xi32, #tpu.memory_space<hbm>> -> memref<1x128xi32, #tpu.memory_space<hbm>>
    %dma_start3A_25 = tpu.memref_squeeze %dma_start3A_24 : memref<1x128xi32, #tpu.memory_space<hbm>> -> memref<128xi32, #tpu.memory_space<hbm>>
    tpu.enqueue_dma source(%dma_start3A_25 : memref<128xi32, #tpu.memory_space<hbm>>) target(%arg10 : memref<128xi32, #tpu.memory_space<vmem>>) target_semaphore(%arg17 : memref<!tpu.dma_semaphore, #tpu.memory_space<semaphore_mem>>)
    %add3A_26 = arith.constant 1 : i32
    %add3A_27 = arith.addi %select_n3A_15, %add3A_26 : i32
    %dma_start3A_28 = arith.constant 0 : i32
    %dma_start3A_29 = tpu.memref_slice %arg5[%add3A_27, %dma_start3A_28] : memref<2560x128xi32, #tpu.memory_space<hbm>> -> memref<1x128xi32, #tpu.memory_space<hbm>>
    %dma_start3A_30 = tpu.memref_squeeze %dma_start3A_29 : memref<1x128xi32, #tpu.memory_space<hbm>> -> memref<128xi32, #tpu.memory_space<hbm>>
    %dma_start3A_31 = arith.constant 0 : i32
    %dma_start3A_32 = tpu.memref_slice %arg5[%add3A_27, %dma_start3A_31] : memref<2560x128xi32, #tpu.memory_space<hbm>> -> memref<1x128xi32, #tpu.memory_space<hbm>>
    %dma_start3A_33 = tpu.memref_squeeze %dma_start3A_32 : memref<1x128xi32, #tpu.memory_space<hbm>> -> memref<128xi32, #tpu.memory_space<hbm>>
    tpu.enqueue_dma source(%dma_start3A_33 : memref<128xi32, #tpu.memory_space<hbm>>) target(%arg11 : memref<128xi32, #tpu.memory_space<vmem>>) target_semaphore(%arg17 : memref<!tpu.dma_semaphore, #tpu.memory_space<semaphore_mem>>)
    %while3A = arith.constant 0 : i32
    %while3A_34 = arith.constant 0 : i32
    %while3A_35 = arith.subi %select_n3A, %while3A_34 : i32
    %while3A_36 = arith.addi %while3A_34, %while3A_35 : i32
    %while3A_37 = arith.constant 1 : i32
    %while3A_38 = arith.divsi %while3A_35, %while3A_37 : i32
    %while3A_39 = arith.muli %while3A_38, %while3A_37 : i32
    %while3A_40 = arith.addi %while3A_34, %while3A_39 : i32
    %while3A_41 = arith.constant 1 : i32
    scf.for %while3A_48 = %while3A_34 to %while3A_40 step %while3A_41  : i32 {
      %jit3A_49 = arith.constant 2 : i32
      %eq3A_50 = arith.constant 0 : i32
      %eq3A_51 = arith.cmpi eq, %jit3A_49, %eq3A_50 : i32
      %jit3A_52 = arith.constant 1 : i32
      %select_n3A_53 = arith.select %eq3A_51, %jit3A_52, %jit3A_49 : i32
      %rem3A = arith.remsi %while3A_48, %select_n3A_53 : i32
      %ne3A_54 = arith.constant 0 : i32
      %ne3A_55 = arith.cmpi ne, %rem3A, %ne3A_54 : i32
      %lt3A = arith.constant 0 : i32
      %lt3A_56 = arith.cmpi slt, %rem3A, %lt3A : i32
      %lt3A_57 = arith.constant 0 : i32
      %lt3A_58 = arith.cmpi slt, %select_n3A_53, %lt3A_57 : i32
      %ne3A_59 = arith.xori %lt3A_56, %lt3A_58 : i1
      %and3A = arith.andi %ne3A_59, %ne3A_55 : i1
      %add3A_60 = arith.addi %rem3A, %select_n3A_53 : i32
      %select_n3A_61 = arith.select %and3A, %add3A_60, %rem3A : i32
      %eq3A_62 = arith.constant 0 : i32
      %eq3A_63 = arith.cmpi eq, %select_n3A_61, %eq3A_62 : i32
      %convert_element_type3A_64 = arith.extui %eq3A_63 : i1 to i32
      %cond3A_65 = arith.constant 0 : i32
      %cond3A_66 = arith.cmpi ne, %convert_element_type3A_64, %cond3A_65 : i32
      scf.if %cond3A_66 {
        %add3A_88 = arith.constant 1 : i32
        %add3A_89 = arith.addi %while3A_48, %add3A_88 : i32
        %lt3A_90 = arith.cmpi slt, %add3A_89, %select_n3A : i32
        %convert_element_type3A_91 = arith.extui %lt3A_90 : i1 to i32
        %cond3A_92 = arith.constant 0 : i32
        %cond3A_93 = arith.cmpi ne, %convert_element_type3A_91, %cond3A_92 : i32
        scf.if %cond3A_93 {
          %add3A_102 = arith.addi %select_n3A_15, %while3A_48 : i32
          %add3A_103 = arith.constant 1 : i32
          %add3A_104 = arith.addi %add3A_102, %add3A_103 : i32
          %dma_wait3A_105 = arith.constant 0 : i32
          %dma_wait3A_106 = tpu.memref_slice %arg4[%add3A_104, %dma_wait3A_105] : memref<2560x128xi32, #tpu.memory_space<hbm>> -> memref<1x128xi32, #tpu.memory_space<hbm>>
          %dma_wait3A_107 = tpu.memref_squeeze %dma_wait3A_106 : memref<1x128xi32, #tpu.memory_space<hbm>> -> memref<128xi32, #tpu.memory_space<hbm>>
          %dma_wait3A_108 = arith.constant 0 : i32
          %dma_wait3A_109 = tpu.memref_slice %arg4[%add3A_104, %dma_wait3A_108] : memref<2560x128xi32, #tpu.memory_space<hbm>> -> memref<1x128xi32, #tpu.memory_space<hbm>>
          %dma_wait3A_110 = tpu.memref_squeeze %dma_wait3A_109 : memref<1x128xi32, #tpu.memory_space<hbm>> -> memref<128xi32, #tpu.memory_space<hbm>>
          tpu.wait_dma2 semaphore(%arg17 : memref<!tpu.dma_semaphore, #tpu.memory_space<semaphore_mem>>) src(%dma_wait3A_110 : memref<128xi32, #tpu.memory_space<hbm>>) dst(%arg10 : memref<128xi32, #tpu.memory_space<vmem>>)
          %add3A_111 = arith.addi %select_n3A_15, %while3A_48 : i32
          %add3A_112 = arith.constant 1 : i32
          %add3A_113 = arith.addi %add3A_111, %add3A_112 : i32
          %dma_wait3A_114 = arith.constant 0 : i32
          %dma_wait3A_115 = tpu.memref_slice %arg5[%add3A_113, %dma_wait3A_114] : memref<2560x128xi32, #tpu.memory_space<hbm>> -> memref<1x128xi32, #tpu.memory_space<hbm>>
          %dma_wait3A_116 = tpu.memref_squeeze %dma_wait3A_115 : memref<1x128xi32, #tpu.memory_space<hbm>> -> memref<128xi32, #tpu.memory_space<hbm>>
          %dma_wait3A_117 = arith.constant 0 : i32
          %dma_wait3A_118 = tpu.memref_slice %arg5[%add3A_113, %dma_wait3A_117] : memref<2560x128xi32, #tpu.memory_space<hbm>> -> memref<1x128xi32, #tpu.memory_space<hbm>>
          %dma_wait3A_119 = tpu.memref_squeeze %dma_wait3A_118 : memref<1x128xi32, #tpu.memory_space<hbm>> -> memref<128xi32, #tpu.memory_space<hbm>>
          tpu.wait_dma2 semaphore(%arg17 : memref<!tpu.dma_semaphore, #tpu.memory_space<semaphore_mem>>) src(%dma_wait3A_119 : memref<128xi32, #tpu.memory_space<hbm>>) dst(%arg11 : memref<128xi32, #tpu.memory_space<vmem>>)
          %dma_start3A_120 = arith.constant 0 : i32
          %dma_start3A_121 = arith.constant 0 : i32
          %dma_start3A_122 = tpu.memref_slice %arg2[%dma_start3A_120, %dma_start3A_121] : memref<10112x128xf32, #tpu.memory_space<hbm>> -> memref<10112x128xf32, #tpu.memory_space<hbm>>
          tpu.enqueue_indirect_dma source(%dma_start3A_122 : memref<10112x128xf32, #tpu.memory_space<hbm>>) target(%arg13 : memref<128x128xf32, #tpu.memory_space<vmem>>) offsets(%arg10 : memref<128xi32, #tpu.memory_space<vmem>>) semaphore(%arg15 : memref<!tpu.dma_semaphore, #tpu.memory_space<semaphore_mem>>)
        } else {
        }
        %dma_wait3A = arith.constant 0 : i32
        %dma_wait3A_94 = arith.constant 0 : i32
        %dma_wait3A_95 = tpu.memref_slice %arg2[%dma_wait3A, %dma_wait3A_94] : memref<10112x128xf32, #tpu.memory_space<hbm>> -> memref<10112x128xf32, #tpu.memory_space<hbm>>
        tpu.wait_indirect_dma semaphore(%arg14 : memref<!tpu.dma_semaphore, #tpu.memory_space<semaphore_mem>>) src(%dma_wait3A_95 : memref<10112x128xf32, #tpu.memory_space<hbm>>) dst(%arg12 : memref<128x128xf32, #tpu.memory_space<vmem>>)
        "tpu.region"() ({
          %run_scoped3A = tpu.sem_alloc : memref<!tpu.dma_semaphore, #tpu.memory_space<semaphore_mem>>
          %dma_start3A_102 = arith.constant 0 : i32
          %dma_start3A_103 = arith.constant 0 : i32
          %dma_start3A_104 = tpu.memref_slice %arg7[%dma_start3A_102, %dma_start3A_103] : memref<10112x128xf32, #tpu.memory_space<vmem_shared>> -> memref<10112x128xf32, #tpu.memory_space<vmem_shared>>
          tpu.enqueue_indirect_dma source(%arg12 : memref<128x128xf32, #tpu.memory_space<vmem>>) target(%dma_start3A_104 : memref<10112x128xf32, #tpu.memory_space<vmem_shared>>) offsets(%arg9 : memref<128xi32, #tpu.memory_space<vmem>>) semaphore(%run_scoped3A : memref<!tpu.dma_semaphore, #tpu.memory_space<semaphore_mem>>) {add = true}
          %dma_wait3A_105 = arith.constant 0 : i32
          %dma_wait3A_106 = arith.constant 0 : i32
          %dma_wait3A_107 = tpu.memref_slice %arg7[%dma_wait3A_105, %dma_wait3A_106] : memref<10112x128xf32, #tpu.memory_space<vmem_shared>> -> memref<10112x128xf32, #tpu.memory_space<vmem_shared>>
          tpu.wait_indirect_dma semaphore(%run_scoped3A : memref<!tpu.dma_semaphore, #tpu.memory_space<semaphore_mem>>) src(%arg12 : memref<128x128xf32, #tpu.memory_space<vmem>>) dst(%dma_wait3A_107 : memref<10112x128xf32, #tpu.memory_space<vmem_shared>>)
          tpu.yield
        }) : () -> ()
        %add3A_96 = arith.constant 2 : i32
        %add3A_97 = arith.addi %while3A_48, %add3A_96 : i32
        %lt3A_98 = arith.cmpi slt, %add3A_97, %select_n3A : i32
        %convert_element_type3A_99 = arith.extui %lt3A_98 : i1 to i32
        %cond3A_100 = arith.constant 0 : i32
        %cond3A_101 = arith.cmpi ne, %convert_element_type3A_99, %cond3A_100 : i32
        scf.if %cond3A_101 {
          %add3A_102 = arith.addi %select_n3A_15, %while3A_48 : i32
          %add3A_103 = arith.constant 2 : i32
          %add3A_104 = arith.addi %add3A_102, %add3A_103 : i32
          %dma_start3A_105 = arith.constant 0 : i32
          %dma_start3A_106 = tpu.memref_slice %arg4[%add3A_104, %dma_start3A_105] : memref<2560x128xi32, #tpu.memory_space<hbm>> -> memref<1x128xi32, #tpu.memory_space<hbm>>
          %dma_start3A_107 = tpu.memref_squeeze %dma_start3A_106 : memref<1x128xi32, #tpu.memory_space<hbm>> -> memref<128xi32, #tpu.memory_space<hbm>>
          %dma_start3A_108 = arith.constant 0 : i32
          %dma_start3A_109 = tpu.memref_slice %arg4[%add3A_104, %dma_start3A_108] : memref<2560x128xi32, #tpu.memory_space<hbm>> -> memref<1x128xi32, #tpu.memory_space<hbm>>
          %dma_start3A_110 = tpu.memref_squeeze %dma_start3A_109 : memref<1x128xi32, #tpu.memory_space<hbm>> -> memref<128xi32, #tpu.memory_space<hbm>>
          tpu.enqueue_dma source(%dma_start3A_110 : memref<128xi32, #tpu.memory_space<hbm>>) target(%arg8 : memref<128xi32, #tpu.memory_space<vmem>>) target_semaphore(%arg16 : memref<!tpu.dma_semaphore, #tpu.memory_space<semaphore_mem>>)
          %add3A_111 = arith.addi %select_n3A_15, %while3A_48 : i32
          %add3A_112 = arith.constant 2 : i32
          %add3A_113 = arith.addi %add3A_111, %add3A_112 : i32
          %dma_start3A_114 = arith.constant 0 : i32
          %dma_start3A_115 = tpu.memref_slice %arg5[%add3A_113, %dma_start3A_114] : memref<2560x128xi32, #tpu.memory_space<hbm>> -> memref<1x128xi32, #tpu.memory_space<hbm>>
          %dma_start3A_116 = tpu.memref_squeeze %dma_start3A_115 : memref<1x128xi32, #tpu.memory_space<hbm>> -> memref<128xi32, #tpu.memory_space<hbm>>
          %dma_start3A_117 = arith.constant 0 : i32
          %dma_start3A_118 = tpu.memref_slice %arg5[%add3A_113, %dma_start3A_117] : memref<2560x128xi32, #tpu.memory_space<hbm>> -> memref<1x128xi32, #tpu.memory_space<hbm>>
          %dma_start3A_119 = tpu.memref_squeeze %dma_start3A_118 : memref<1x128xi32, #tpu.memory_space<hbm>> -> memref<128xi32, #tpu.memory_space<hbm>>
          tpu.enqueue_dma source(%dma_start3A_119 : memref<128xi32, #tpu.memory_space<hbm>>) target(%arg9 : memref<128xi32, #tpu.memory_space<vmem>>) target_semaphore(%arg16 : memref<!tpu.dma_semaphore, #tpu.memory_space<semaphore_mem>>)
        } else {
        }
      } else {
      }
      %jit3A_67 = arith.constant 2 : i32
      %eq3A_68 = arith.constant 0 : i32
      %eq3A_69 = arith.cmpi eq, %jit3A_67, %eq3A_68 : i32
      %jit3A_70 = arith.constant 1 : i32
      %select_n3A_71 = arith.select %eq3A_69, %jit3A_70, %jit3A_67 : i32
      %rem3A_72 = arith.remsi %while3A_48, %select_n3A_71 : i32
      %ne3A_73 = arith.constant 0 : i32
      %ne3A_74 = arith.cmpi ne, %rem3A_72, %ne3A_73 : i32
      %lt3A_75 = arith.constant 0 : i32
      %lt3A_76 = arith.cmpi slt, %rem3A_72, %lt3A_75 : i32
      %lt3A_77 = arith.constant 0 : i32
      %lt3A_78 = arith.cmpi slt, %select_n3A_71, %lt3A_77 : i32
      %ne3A_79 = arith.xori %lt3A_76, %lt3A_78 : i1
      %and3A_80 = arith.andi %ne3A_79, %ne3A_74 : i1
      %add3A_81 = arith.addi %rem3A_72, %select_n3A_71 : i32
      %select_n3A_82 = arith.select %and3A_80, %add3A_81, %rem3A_72 : i32
      %eq3A_83 = arith.constant 1 : i32
      %eq3A_84 = arith.cmpi eq, %select_n3A_82, %eq3A_83 : i32
      %convert_element_type3A_85 = arith.extui %eq3A_84 : i1 to i32
      %cond3A_86 = arith.constant 0 : i32
      %cond3A_87 = arith.cmpi ne, %convert_element_type3A_85, %cond3A_86 : i32
      scf.if %cond3A_87 {
        %add3A_88 = arith.constant 1 : i32
        %add3A_89 = arith.addi %while3A_48, %add3A_88 : i32
        %lt3A_90 = arith.cmpi slt, %add3A_89, %select_n3A : i32
        %convert_element_type3A_91 = arith.extui %lt3A_90 : i1 to i32
        %cond3A_92 = arith.constant 0 : i32
        %cond3A_93 = arith.cmpi ne, %convert_element_type3A_91, %cond3A_92 : i32
        scf.if %cond3A_93 {
          %add3A_102 = arith.addi %select_n3A_15, %while3A_48 : i32
          %add3A_103 = arith.constant 1 : i32
          %add3A_104 = arith.addi %add3A_102, %add3A_103 : i32
          %dma_wait3A_105 = arith.constant 0 : i32
          %dma_wait3A_106 = tpu.memref_slice %arg4[%add3A_104, %dma_wait3A_105] : memref<2560x128xi32, #tpu.memory_space<hbm>> -> memref<1x128xi32, #tpu.memory_space<hbm>>
          %dma_wait3A_107 = tpu.memref_squeeze %dma_wait3A_106 : memref<1x128xi32, #tpu.memory_space<hbm>> -> memref<128xi32, #tpu.memory_space<hbm>>
          %dma_wait3A_108 = arith.constant 0 : i32
          %dma_wait3A_109 = tpu.memref_slice %arg4[%add3A_104, %dma_wait3A_108] : memref<2560x128xi32, #tpu.memory_space<hbm>> -> memref<1x128xi32, #tpu.memory_space<hbm>>
          %dma_wait3A_110 = tpu.memref_squeeze %dma_wait3A_109 : memref<1x128xi32, #tpu.memory_space<hbm>> -> memref<128xi32, #tpu.memory_space<hbm>>
          tpu.wait_dma2 semaphore(%arg16 : memref<!tpu.dma_semaphore, #tpu.memory_space<semaphore_mem>>) src(%dma_wait3A_110 : memref<128xi32, #tpu.memory_space<hbm>>) dst(%arg8 : memref<128xi32, #tpu.memory_space<vmem>>)
          %add3A_111 = arith.addi %select_n3A_15, %while3A_48 : i32
          %add3A_112 = arith.constant 1 : i32
          %add3A_113 = arith.addi %add3A_111, %add3A_112 : i32
          %dma_wait3A_114 = arith.constant 0 : i32
          %dma_wait3A_115 = tpu.memref_slice %arg5[%add3A_113, %dma_wait3A_114] : memref<2560x128xi32, #tpu.memory_space<hbm>> -> memref<1x128xi32, #tpu.memory_space<hbm>>
          %dma_wait3A_116 = tpu.memref_squeeze %dma_wait3A_115 : memref<1x128xi32, #tpu.memory_space<hbm>> -> memref<128xi32, #tpu.memory_space<hbm>>
          %dma_wait3A_117 = arith.constant 0 : i32
          %dma_wait3A_118 = tpu.memref_slice %arg5[%add3A_113, %dma_wait3A_117] : memref<2560x128xi32, #tpu.memory_space<hbm>> -> memref<1x128xi32, #tpu.memory_space<hbm>>
          %dma_wait3A_119 = tpu.memref_squeeze %dma_wait3A_118 : memref<1x128xi32, #tpu.memory_space<hbm>> -> memref<128xi32, #tpu.memory_space<hbm>>
          tpu.wait_dma2 semaphore(%arg16 : memref<!tpu.dma_semaphore, #tpu.memory_space<semaphore_mem>>) src(%dma_wait3A_119 : memref<128xi32, #tpu.memory_space<hbm>>) dst(%arg9 : memref<128xi32, #tpu.memory_space<vmem>>)
          %dma_start3A_120 = arith.constant 0 : i32
          %dma_start3A_121 = arith.constant 0 : i32
          %dma_start3A_122 = tpu.memref_slice %arg2[%dma_start3A_120, %dma_start3A_121] : memref<10112x128xf32, #tpu.memory_space<hbm>> -> memref<10112x128xf32, #tpu.memory_space<hbm>>
          tpu.enqueue_indirect_dma source(%dma_start3A_122 : memref<10112x128xf32, #tpu.memory_space<hbm>>) target(%arg12 : memref<128x128xf32, #tpu.memory_space<vmem>>) offsets(%arg8 : memref<128xi32, #tpu.memory_space<vmem>>) semaphore(%arg14 : memref<!tpu.dma_semaphore, #tpu.memory_space<semaphore_mem>>)
        } else {
        }
        %dma_wait3A = arith.constant 0 : i32
        %dma_wait3A_94 = arith.constant 0 : i32
        %dma_wait3A_95 = tpu.memref_slice %arg2[%dma_wait3A, %dma_wait3A_94] : memref<10112x128xf32, #tpu.memory_space<hbm>> -> memref<10112x128xf32, #tpu.memory_space<hbm>>
        tpu.wait_indirect_dma semaphore(%arg15 : memref<!tpu.dma_semaphore, #tpu.memory_space<semaphore_mem>>) src(%dma_wait3A_95 : memref<10112x128xf32, #tpu.memory_space<hbm>>) dst(%arg13 : memref<128x128xf32, #tpu.memory_space<vmem>>)
        "tpu.region"() ({
          %run_scoped3A = tpu.sem_alloc : memref<!tpu.dma_semaphore, #tpu.memory_space<semaphore_mem>>
          %dma_start3A_102 = arith.constant 0 : i32
          %dma_start3A_103 = arith.constant 0 : i32
          %dma_start3A_104 = tpu.memref_slice %arg7[%dma_start3A_102, %dma_start3A_103] : memref<10112x128xf32, #tpu.memory_space<vmem_shared>> -> memref<10112x128xf32, #tpu.memory_space<vmem_shared>>
          tpu.enqueue_indirect_dma source(%arg13 : memref<128x128xf32, #tpu.memory_space<vmem>>) target(%dma_start3A_104 : memref<10112x128xf32, #tpu.memory_space<vmem_shared>>) offsets(%arg11 : memref<128xi32, #tpu.memory_space<vmem>>) semaphore(%run_scoped3A : memref<!tpu.dma_semaphore, #tpu.memory_space<semaphore_mem>>) {add = true}
          %dma_wait3A_105 = arith.constant 0 : i32
          %dma_wait3A_106 = arith.constant 0 : i32
          %dma_wait3A_107 = tpu.memref_slice %arg7[%dma_wait3A_105, %dma_wait3A_106] : memref<10112x128xf32, #tpu.memory_space<vmem_shared>> -> memref<10112x128xf32, #tpu.memory_space<vmem_shared>>
          tpu.wait_indirect_dma semaphore(%run_scoped3A : memref<!tpu.dma_semaphore, #tpu.memory_space<semaphore_mem>>) src(%arg13 : memref<128x128xf32, #tpu.memory_space<vmem>>) dst(%dma_wait3A_107 : memref<10112x128xf32, #tpu.memory_space<vmem_shared>>)
          tpu.yield
        }) : () -> ()
        %add3A_96 = arith.constant 2 : i32
        %add3A_97 = arith.addi %while3A_48, %add3A_96 : i32
        %lt3A_98 = arith.cmpi slt, %add3A_97, %select_n3A : i32
        %convert_element_type3A_99 = arith.extui %lt3A_98 : i1 to i32
        %cond3A_100 = arith.constant 0 : i32
        %cond3A_101 = arith.cmpi ne, %convert_element_type3A_99, %cond3A_100 : i32
        scf.if %cond3A_101 {
          %add3A_102 = arith.addi %select_n3A_15, %while3A_48 : i32
          %add3A_103 = arith.constant 2 : i32
          %add3A_104 = arith.addi %add3A_102, %add3A_103 : i32
          %dma_start3A_105 = arith.constant 0 : i32
          %dma_start3A_106 = tpu.memref_slice %arg4[%add3A_104, %dma_start3A_105] : memref<2560x128xi32, #tpu.memory_space<hbm>> -> memref<1x128xi32, #tpu.memory_space<hbm>>
          %dma_start3A_107 = tpu.memref_squeeze %dma_start3A_106 : memref<1x128xi32, #tpu.memory_space<hbm>> -> memref<128xi32, #tpu.memory_space<hbm>>
          %dma_start3A_108 = arith.constant 0 : i32
          %dma_start3A_109 = tpu.memref_slice %arg4[%add3A_104, %dma_start3A_108] : memref<2560x128xi32, #tpu.memory_space<hbm>> -> memref<1x128xi32, #tpu.memory_space<hbm>>
          %dma_start3A_110 = tpu.memref_squeeze %dma_start3A_109 : memref<1x128xi32, #tpu.memory_space<hbm>> -> memref<128xi32, #tpu.memory_space<hbm>>
          tpu.enqueue_dma source(%dma_start3A_110 : memref<128xi32, #tpu.memory_space<hbm>>) target(%arg10 : memref<128xi32, #tpu.memory_space<vmem>>) target_semaphore(%arg17 : memref<!tpu.dma_semaphore, #tpu.memory_space<semaphore_mem>>)
          %add3A_111 = arith.addi %select_n3A_15, %while3A_48 : i32
          %add3A_112 = arith.constant 2 : i32
          %add3A_113 = arith.addi %add3A_111, %add3A_112 : i32
          %dma_start3A_114 = arith.constant 0 : i32
          %dma_start3A_115 = tpu.memref_slice %arg5[%add3A_113, %dma_start3A_114] : memref<2560x128xi32, #tpu.memory_space<hbm>> -> memref<1x128xi32, #tpu.memory_space<hbm>>
          %dma_start3A_116 = tpu.memref_squeeze %dma_start3A_115 : memref<1x128xi32, #tpu.memory_space<hbm>> -> memref<128xi32, #tpu.memory_space<hbm>>
          %dma_start3A_117 = arith.constant 0 : i32
          %dma_start3A_118 = tpu.memref_slice %arg5[%add3A_113, %dma_start3A_117] : memref<2560x128xi32, #tpu.memory_space<hbm>> -> memref<1x128xi32, #tpu.memory_space<hbm>>
          %dma_start3A_119 = tpu.memref_squeeze %dma_start3A_118 : memref<1x128xi32, #tpu.memory_space<hbm>> -> memref<128xi32, #tpu.memory_space<hbm>>
          tpu.enqueue_dma source(%dma_start3A_119 : memref<128xi32, #tpu.memory_space<hbm>>) target(%arg11 : memref<128xi32, #tpu.memory_space<vmem>>) target_semaphore(%arg17 : memref<!tpu.dma_semaphore, #tpu.memory_space<semaphore_mem>>)
        } else {
        }
      } else {
      }
    }
    %while3A_42 = arith.constant 1 : i32
    scf.for %while3A_48 = %while3A_40 to %while3A_36 step %while3A_42  : i32 {
      %jit3A_49 = arith.constant 2 : i32
      %eq3A_50 = arith.constant 0 : i32
      %eq3A_51 = arith.cmpi eq, %jit3A_49, %eq3A_50 : i32
      %jit3A_52 = arith.constant 1 : i32
      %select_n3A_53 = arith.select %eq3A_51, %jit3A_52, %jit3A_49 : i32
      %rem3A = arith.remsi %while3A_48, %select_n3A_53 : i32
      %ne3A_54 = arith.constant 0 : i32
      %ne3A_55 = arith.cmpi ne, %rem3A, %ne3A_54 : i32
      %lt3A = arith.constant 0 : i32
      %lt3A_56 = arith.cmpi slt, %rem3A, %lt3A : i32
      %lt3A_57 = arith.constant 0 : i32
      %lt3A_58 = arith.cmpi slt, %select_n3A_53, %lt3A_57 : i32
      %ne3A_59 = arith.xori %lt3A_56, %lt3A_58 : i1
      %and3A = arith.andi %ne3A_59, %ne3A_55 : i1
      %add3A_60 = arith.addi %rem3A, %select_n3A_53 : i32
      %select_n3A_61 = arith.select %and3A, %add3A_60, %rem3A : i32
      %eq3A_62 = arith.constant 0 : i32
      %eq3A_63 = arith.cmpi eq, %select_n3A_61, %eq3A_62 : i32
      %convert_element_type3A_64 = arith.extui %eq3A_63 : i1 to i32
      %cond3A_65 = arith.constant 0 : i32
      %cond3A_66 = arith.cmpi ne, %convert_element_type3A_64, %cond3A_65 : i32
      scf.if %cond3A_66 {
        %add3A_88 = arith.constant 1 : i32
        %add3A_89 = arith.addi %while3A_48, %add3A_88 : i32
        %lt3A_90 = arith.cmpi slt, %add3A_89, %select_n3A : i32
        %convert_element_type3A_91 = arith.extui %lt3A_90 : i1 to i32
        %cond3A_92 = arith.constant 0 : i32
        %cond3A_93 = arith.cmpi ne, %convert_element_type3A_91, %cond3A_92 : i32
        scf.if %cond3A_93 {
          %add3A_102 = arith.addi %select_n3A_15, %while3A_48 : i32
          %add3A_103 = arith.constant 1 : i32
          %add3A_104 = arith.addi %add3A_102, %add3A_103 : i32
          %dma_wait3A_105 = arith.constant 0 : i32
          %dma_wait3A_106 = tpu.memref_slice %arg4[%add3A_104, %dma_wait3A_105] : memref<2560x128xi32, #tpu.memory_space<hbm>> -> memref<1x128xi32, #tpu.memory_space<hbm>>
          %dma_wait3A_107 = tpu.memref_squeeze %dma_wait3A_106 : memref<1x128xi32, #tpu.memory_space<hbm>> -> memref<128xi32, #tpu.memory_space<hbm>>
          %dma_wait3A_108 = arith.constant 0 : i32
          %dma_wait3A_109 = tpu.memref_slice %arg4[%add3A_104, %dma_wait3A_108] : memref<2560x128xi32, #tpu.memory_space<hbm>> -> memref<1x128xi32, #tpu.memory_space<hbm>>
          %dma_wait3A_110 = tpu.memref_squeeze %dma_wait3A_109 : memref<1x128xi32, #tpu.memory_space<hbm>> -> memref<128xi32, #tpu.memory_space<hbm>>
          tpu.wait_dma2 semaphore(%arg17 : memref<!tpu.dma_semaphore, #tpu.memory_space<semaphore_mem>>) src(%dma_wait3A_110 : memref<128xi32, #tpu.memory_space<hbm>>) dst(%arg10 : memref<128xi32, #tpu.memory_space<vmem>>)
          %add3A_111 = arith.addi %select_n3A_15, %while3A_48 : i32
          %add3A_112 = arith.constant 1 : i32
          %add3A_113 = arith.addi %add3A_111, %add3A_112 : i32
          %dma_wait3A_114 = arith.constant 0 : i32
          %dma_wait3A_115 = tpu.memref_slice %arg5[%add3A_113, %dma_wait3A_114] : memref<2560x128xi32, #tpu.memory_space<hbm>> -> memref<1x128xi32, #tpu.memory_space<hbm>>
          %dma_wait3A_116 = tpu.memref_squeeze %dma_wait3A_115 : memref<1x128xi32, #tpu.memory_space<hbm>> -> memref<128xi32, #tpu.memory_space<hbm>>
          %dma_wait3A_117 = arith.constant 0 : i32
          %dma_wait3A_118 = tpu.memref_slice %arg5[%add3A_113, %dma_wait3A_117] : memref<2560x128xi32, #tpu.memory_space<hbm>> -> memref<1x128xi32, #tpu.memory_space<hbm>>
          %dma_wait3A_119 = tpu.memref_squeeze %dma_wait3A_118 : memref<1x128xi32, #tpu.memory_space<hbm>> -> memref<128xi32, #tpu.memory_space<hbm>>
          tpu.wait_dma2 semaphore(%arg17 : memref<!tpu.dma_semaphore, #tpu.memory_space<semaphore_mem>>) src(%dma_wait3A_119 : memref<128xi32, #tpu.memory_space<hbm>>) dst(%arg11 : memref<128xi32, #tpu.memory_space<vmem>>)
          %dma_start3A_120 = arith.constant 0 : i32
          %dma_start3A_121 = arith.constant 0 : i32
          %dma_start3A_122 = tpu.memref_slice %arg2[%dma_start3A_120, %dma_start3A_121] : memref<10112x128xf32, #tpu.memory_space<hbm>> -> memref<10112x128xf32, #tpu.memory_space<hbm>>
          tpu.enqueue_indirect_dma source(%dma_start3A_122 : memref<10112x128xf32, #tpu.memory_space<hbm>>) target(%arg13 : memref<128x128xf32, #tpu.memory_space<vmem>>) offsets(%arg10 : memref<128xi32, #tpu.memory_space<vmem>>) semaphore(%arg15 : memref<!tpu.dma_semaphore, #tpu.memory_space<semaphore_mem>>)
        } else {
        }
        %dma_wait3A = arith.constant 0 : i32
        %dma_wait3A_94 = arith.constant 0 : i32
        %dma_wait3A_95 = tpu.memref_slice %arg2[%dma_wait3A, %dma_wait3A_94] : memref<10112x128xf32, #tpu.memory_space<hbm>> -> memref<10112x128xf32, #tpu.memory_space<hbm>>
        tpu.wait_indirect_dma semaphore(%arg14 : memref<!tpu.dma_semaphore, #tpu.memory_space<semaphore_mem>>) src(%dma_wait3A_95 : memref<10112x128xf32, #tpu.memory_space<hbm>>) dst(%arg12 : memref<128x128xf32, #tpu.memory_space<vmem>>)
        "tpu.region"() ({
          %run_scoped3A = tpu.sem_alloc : memref<!tpu.dma_semaphore, #tpu.memory_space<semaphore_mem>>
          %dma_start3A_102 = arith.constant 0 : i32
          %dma_start3A_103 = arith.constant 0 : i32
          %dma_start3A_104 = tpu.memref_slice %arg7[%dma_start3A_102, %dma_start3A_103] : memref<10112x128xf32, #tpu.memory_space<vmem_shared>> -> memref<10112x128xf32, #tpu.memory_space<vmem_shared>>
          tpu.enqueue_indirect_dma source(%arg12 : memref<128x128xf32, #tpu.memory_space<vmem>>) target(%dma_start3A_104 : memref<10112x128xf32, #tpu.memory_space<vmem_shared>>) offsets(%arg9 : memref<128xi32, #tpu.memory_space<vmem>>) semaphore(%run_scoped3A : memref<!tpu.dma_semaphore, #tpu.memory_space<semaphore_mem>>) {add = true}
          %dma_wait3A_105 = arith.constant 0 : i32
          %dma_wait3A_106 = arith.constant 0 : i32
          %dma_wait3A_107 = tpu.memref_slice %arg7[%dma_wait3A_105, %dma_wait3A_106] : memref<10112x128xf32, #tpu.memory_space<vmem_shared>> -> memref<10112x128xf32, #tpu.memory_space<vmem_shared>>
          tpu.wait_indirect_dma semaphore(%run_scoped3A : memref<!tpu.dma_semaphore, #tpu.memory_space<semaphore_mem>>) src(%arg12 : memref<128x128xf32, #tpu.memory_space<vmem>>) dst(%dma_wait3A_107 : memref<10112x128xf32, #tpu.memory_space<vmem_shared>>)
          tpu.yield
        }) : () -> ()
        %add3A_96 = arith.constant 2 : i32
        %add3A_97 = arith.addi %while3A_48, %add3A_96 : i32
        %lt3A_98 = arith.cmpi slt, %add3A_97, %select_n3A : i32
        %convert_element_type3A_99 = arith.extui %lt3A_98 : i1 to i32
        %cond3A_100 = arith.constant 0 : i32
        %cond3A_101 = arith.cmpi ne, %convert_element_type3A_99, %cond3A_100 : i32
        scf.if %cond3A_101 {
          %add3A_102 = arith.addi %select_n3A_15, %while3A_48 : i32
          %add3A_103 = arith.constant 2 : i32
          %add3A_104 = arith.addi %add3A_102, %add3A_103 : i32
          %dma_start3A_105 = arith.constant 0 : i32
          %dma_start3A_106 = tpu.memref_slice %arg4[%add3A_104, %dma_start3A_105] : memref<2560x128xi32, #tpu.memory_space<hbm>> -> memref<1x128xi32, #tpu.memory_space<hbm>>
          %dma_start3A_107 = tpu.memref_squeeze %dma_start3A_106 : memref<1x128xi32, #tpu.memory_space<hbm>> -> memref<128xi32, #tpu.memory_space<hbm>>
          %dma_start3A_108 = arith.constant 0 : i32
          %dma_start3A_109 = tpu.memref_slice %arg4[%add3A_104, %dma_start3A_108] : memref<2560x128xi32, #tpu.memory_space<hbm>> -> memref<1x128xi32, #tpu.memory_space<hbm>>
          %dma_start3A_110 = tpu.memref_squeeze %dma_start3A_109 : memref<1x128xi32, #tpu.memory_space<hbm>> -> memref<128xi32, #tpu.memory_space<hbm>>
          tpu.enqueue_dma source(%dma_start3A_110 : memref<128xi32, #tpu.memory_space<hbm>>) target(%arg8 : memref<128xi32, #tpu.memory_space<vmem>>) target_semaphore(%arg16 : memref<!tpu.dma_semaphore, #tpu.memory_space<semaphore_mem>>)
          %add3A_111 = arith.addi %select_n3A_15, %while3A_48 : i32
          %add3A_112 = arith.constant 2 : i32
          %add3A_113 = arith.addi %add3A_111, %add3A_112 : i32
          %dma_start3A_114 = arith.constant 0 : i32
          %dma_start3A_115 = tpu.memref_slice %arg5[%add3A_113, %dma_start3A_114] : memref<2560x128xi32, #tpu.memory_space<hbm>> -> memref<1x128xi32, #tpu.memory_space<hbm>>
          %dma_start3A_116 = tpu.memref_squeeze %dma_start3A_115 : memref<1x128xi32, #tpu.memory_space<hbm>> -> memref<128xi32, #tpu.memory_space<hbm>>
          %dma_start3A_117 = arith.constant 0 : i32
          %dma_start3A_118 = tpu.memref_slice %arg5[%add3A_113, %dma_start3A_117] : memref<2560x128xi32, #tpu.memory_space<hbm>> -> memref<1x128xi32, #tpu.memory_space<hbm>>
          %dma_start3A_119 = tpu.memref_squeeze %dma_start3A_118 : memref<1x128xi32, #tpu.memory_space<hbm>> -> memref<128xi32, #tpu.memory_space<hbm>>
          tpu.enqueue_dma source(%dma_start3A_119 : memref<128xi32, #tpu.memory_space<hbm>>) target(%arg9 : memref<128xi32, #tpu.memory_space<vmem>>) target_semaphore(%arg16 : memref<!tpu.dma_semaphore, #tpu.memory_space<semaphore_mem>>)
        } else {
        }
      } else {
      }
      %jit3A_67 = arith.constant 2 : i32
      %eq3A_68 = arith.constant 0 : i32
      %eq3A_69 = arith.cmpi eq, %jit3A_67, %eq3A_68 : i32
      %jit3A_70 = arith.constant 1 : i32
      %select_n3A_71 = arith.select %eq3A_69, %jit3A_70, %jit3A_67 : i32
      %rem3A_72 = arith.remsi %while3A_48, %select_n3A_71 : i32
      %ne3A_73 = arith.constant 0 : i32
      %ne3A_74 = arith.cmpi ne, %rem3A_72, %ne3A_73 : i32
      %lt3A_75 = arith.constant 0 : i32
      %lt3A_76 = arith.cmpi slt, %rem3A_72, %lt3A_75 : i32
      %lt3A_77 = arith.constant 0 : i32
      %lt3A_78 = arith.cmpi slt, %select_n3A_71, %lt3A_77 : i32
      %ne3A_79 = arith.xori %lt3A_76, %lt3A_78 : i1
      %and3A_80 = arith.andi %ne3A_79, %ne3A_74 : i1
      %add3A_81 = arith.addi %rem3A_72, %select_n3A_71 : i32
      %select_n3A_82 = arith.select %and3A_80, %add3A_81, %rem3A_72 : i32
      %eq3A_83 = arith.constant 1 : i32
      %eq3A_84 = arith.cmpi eq, %select_n3A_82, %eq3A_83 : i32
      %convert_element_type3A_85 = arith.extui %eq3A_84 : i1 to i32
      %cond3A_86 = arith.constant 0 : i32
      %cond3A_87 = arith.cmpi ne, %convert_element_type3A_85, %cond3A_86 : i32
      scf.if %cond3A_87 {
        %add3A_88 = arith.constant 1 : i32
        %add3A_89 = arith.addi %while3A_48, %add3A_88 : i32
        %lt3A_90 = arith.cmpi slt, %add3A_89, %select_n3A : i32
        %convert_element_type3A_91 = arith.extui %lt3A_90 : i1 to i32
        %cond3A_92 = arith.constant 0 : i32
        %cond3A_93 = arith.cmpi ne, %convert_element_type3A_91, %cond3A_92 : i32
        scf.if %cond3A_93 {
          %add3A_102 = arith.addi %select_n3A_15, %while3A_48 : i32
          %add3A_103 = arith.constant 1 : i32
          %add3A_104 = arith.addi %add3A_102, %add3A_103 : i32
          %dma_wait3A_105 = arith.constant 0 : i32
          %dma_wait3A_106 = tpu.memref_slice %arg4[%add3A_104, %dma_wait3A_105] : memref<2560x128xi32, #tpu.memory_space<hbm>> -> memref<1x128xi32, #tpu.memory_space<hbm>>
          %dma_wait3A_107 = tpu.memref_squeeze %dma_wait3A_106 : memref<1x128xi32, #tpu.memory_space<hbm>> -> memref<128xi32, #tpu.memory_space<hbm>>
          %dma_wait3A_108 = arith.constant 0 : i32
          %dma_wait3A_109 = tpu.memref_slice %arg4[%add3A_104, %dma_wait3A_108] : memref<2560x128xi32, #tpu.memory_space<hbm>> -> memref<1x128xi32, #tpu.memory_space<hbm>>
          %dma_wait3A_110 = tpu.memref_squeeze %dma_wait3A_109 : memref<1x128xi32, #tpu.memory_space<hbm>> -> memref<128xi32, #tpu.memory_space<hbm>>
          tpu.wait_dma2 semaphore(%arg16 : memref<!tpu.dma_semaphore, #tpu.memory_space<semaphore_mem>>) src(%dma_wait3A_110 : memref<128xi32, #tpu.memory_space<hbm>>) dst(%arg8 : memref<128xi32, #tpu.memory_space<vmem>>)
          %add3A_111 = arith.addi %select_n3A_15, %while3A_48 : i32
          %add3A_112 = arith.constant 1 : i32
          %add3A_113 = arith.addi %add3A_111, %add3A_112 : i32
          %dma_wait3A_114 = arith.constant 0 : i32
          %dma_wait3A_115 = tpu.memref_slice %arg5[%add3A_113, %dma_wait3A_114] : memref<2560x128xi32, #tpu.memory_space<hbm>> -> memref<1x128xi32, #tpu.memory_space<hbm>>
          %dma_wait3A_116 = tpu.memref_squeeze %dma_wait3A_115 : memref<1x128xi32, #tpu.memory_space<hbm>> -> memref<128xi32, #tpu.memory_space<hbm>>
          %dma_wait3A_117 = arith.constant 0 : i32
          %dma_wait3A_118 = tpu.memref_slice %arg5[%add3A_113, %dma_wait3A_117] : memref<2560x128xi32, #tpu.memory_space<hbm>> -> memref<1x128xi32, #tpu.memory_space<hbm>>
          %dma_wait3A_119 = tpu.memref_squeeze %dma_wait3A_118 : memref<1x128xi32, #tpu.memory_space<hbm>> -> memref<128xi32, #tpu.memory_space<hbm>>
          tpu.wait_dma2 semaphore(%arg16 : memref<!tpu.dma_semaphore, #tpu.memory_space<semaphore_mem>>) src(%dma_wait3A_119 : memref<128xi32, #tpu.memory_space<hbm>>) dst(%arg9 : memref<128xi32, #tpu.memory_space<vmem>>)
          %dma_start3A_120 = arith.constant 0 : i32
          %dma_start3A_121 = arith.constant 0 : i32
          %dma_start3A_122 = tpu.memref_slice %arg2[%dma_start3A_120, %dma_start3A_121] : memref<10112x128xf32, #tpu.memory_space<hbm>> -> memref<10112x128xf32, #tpu.memory_space<hbm>>
          tpu.enqueue_indirect_dma source(%dma_start3A_122 : memref<10112x128xf32, #tpu.memory_space<hbm>>) target(%arg12 : memref<128x128xf32, #tpu.memory_space<vmem>>) offsets(%arg8 : memref<128xi32, #tpu.memory_space<vmem>>) semaphore(%arg14 : memref<!tpu.dma_semaphore, #tpu.memory_space<semaphore_mem>>)
        } else {
        }
        %dma_wait3A = arith.constant 0 : i32
        %dma_wait3A_94 = arith.constant 0 : i32
        %dma_wait3A_95 = tpu.memref_slice %arg2[%dma_wait3A, %dma_wait3A_94] : memref<10112x128xf32, #tpu.memory_space<hbm>> -> memref<10112x128xf32, #tpu.memory_space<hbm>>
        tpu.wait_indirect_dma semaphore(%arg15 : memref<!tpu.dma_semaphore, #tpu.memory_space<semaphore_mem>>) src(%dma_wait3A_95 : memref<10112x128xf32, #tpu.memory_space<hbm>>) dst(%arg13 : memref<128x128xf32, #tpu.memory_space<vmem>>)
        "tpu.region"() ({
          %run_scoped3A = tpu.sem_alloc : memref<!tpu.dma_semaphore, #tpu.memory_space<semaphore_mem>>
          %dma_start3A_102 = arith.constant 0 : i32
          %dma_start3A_103 = arith.constant 0 : i32
          %dma_start3A_104 = tpu.memref_slice %arg7[%dma_start3A_102, %dma_start3A_103] : memref<10112x128xf32, #tpu.memory_space<vmem_shared>> -> memref<10112x128xf32, #tpu.memory_space<vmem_shared>>
          tpu.enqueue_indirect_dma source(%arg13 : memref<128x128xf32, #tpu.memory_space<vmem>>) target(%dma_start3A_104 : memref<10112x128xf32, #tpu.memory_space<vmem_shared>>) offsets(%arg11 : memref<128xi32, #tpu.memory_space<vmem>>) semaphore(%run_scoped3A : memref<!tpu.dma_semaphore, #tpu.memory_space<semaphore_mem>>) {add = true}
          %dma_wait3A_105 = arith.constant 0 : i32
          %dma_wait3A_106 = arith.constant 0 : i32
          %dma_wait3A_107 = tpu.memref_slice %arg7[%dma_wait3A_105, %dma_wait3A_106] : memref<10112x128xf32, #tpu.memory_space<vmem_shared>> -> memref<10112x128xf32, #tpu.memory_space<vmem_shared>>
          tpu.wait_indirect_dma semaphore(%run_scoped3A : memref<!tpu.dma_semaphore, #tpu.memory_space<semaphore_mem>>) src(%arg13 : memref<128x128xf32, #tpu.memory_space<vmem>>) dst(%dma_wait3A_107 : memref<10112x128xf32, #tpu.memory_space<vmem_shared>>)
          tpu.yield
        }) : () -> ()
        %add3A_96 = arith.constant 2 : i32
        %add3A_97 = arith.addi %while3A_48, %add3A_96 : i32
        %lt3A_98 = arith.cmpi slt, %add3A_97, %select_n3A : i32
        %convert_element_type3A_99 = arith.extui %lt3A_98 : i1 to i32
        %cond3A_100 = arith.constant 0 : i32
        %cond3A_101 = arith.cmpi ne, %convert_element_type3A_99, %cond3A_100 : i32
        scf.if %cond3A_101 {
          %add3A_102 = arith.addi %select_n3A_15, %while3A_48 : i32
          %add3A_103 = arith.constant 2 : i32
          %add3A_104 = arith.addi %add3A_102, %add3A_103 : i32
          %dma_start3A_105 = arith.constant 0 : i32
          %dma_start3A_106 = tpu.memref_slice %arg4[%add3A_104, %dma_start3A_105] : memref<2560x128xi32, #tpu.memory_space<hbm>> -> memref<1x128xi32, #tpu.memory_space<hbm>>
          %dma_start3A_107 = tpu.memref_squeeze %dma_start3A_106 : memref<1x128xi32, #tpu.memory_space<hbm>> -> memref<128xi32, #tpu.memory_space<hbm>>
          %dma_start3A_108 = arith.constant 0 : i32
          %dma_start3A_109 = tpu.memref_slice %arg4[%add3A_104, %dma_start3A_108] : memref<2560x128xi32, #tpu.memory_space<hbm>> -> memref<1x128xi32, #tpu.memory_space<hbm>>
          %dma_start3A_110 = tpu.memref_squeeze %dma_start3A_109 : memref<1x128xi32, #tpu.memory_space<hbm>> -> memref<128xi32, #tpu.memory_space<hbm>>
          tpu.enqueue_dma source(%dma_start3A_110 : memref<128xi32, #tpu.memory_space<hbm>>) target(%arg10 : memref<128xi32, #tpu.memory_space<vmem>>) target_semaphore(%arg17 : memref<!tpu.dma_semaphore, #tpu.memory_space<semaphore_mem>>)
          %add3A_111 = arith.addi %select_n3A_15, %while3A_48 : i32
          %add3A_112 = arith.constant 2 : i32
          %add3A_113 = arith.addi %add3A_111, %add3A_112 : i32
          %dma_start3A_114 = arith.constant 0 : i32
          %dma_start3A_115 = tpu.memref_slice %arg5[%add3A_113, %dma_start3A_114] : memref<2560x128xi32, #tpu.memory_space<hbm>> -> memref<1x128xi32, #tpu.memory_space<hbm>>
          %dma_start3A_116 = tpu.memref_squeeze %dma_start3A_115 : memref<1x128xi32, #tpu.memory_space<hbm>> -> memref<128xi32, #tpu.memory_space<hbm>>
          %dma_start3A_117 = arith.constant 0 : i32
          %dma_start3A_118 = tpu.memref_slice %arg5[%add3A_113, %dma_start3A_117] : memref<2560x128xi32, #tpu.memory_space<hbm>> -> memref<1x128xi32, #tpu.memory_space<hbm>>
          %dma_start3A_119 = tpu.memref_squeeze %dma_start3A_118 : memref<1x128xi32, #tpu.memory_space<hbm>> -> memref<128xi32, #tpu.memory_space<hbm>>
          tpu.enqueue_dma source(%dma_start3A_119 : memref<128xi32, #tpu.memory_space<hbm>>) target(%arg11 : memref<128xi32, #tpu.memory_space<vmem>>) target_semaphore(%arg17 : memref<!tpu.dma_semaphore, #tpu.memory_space<semaphore_mem>>)
        } else {
        }
      } else {
      }
    }
    %barrier3A_43 = arith.constant 0 : index
    tpu.barrier barrier_id(%barrier3A_43)
    %mul3A_44 = arith.constant 632 : i32
    %mul3A_45 = arith.muli %arg1, %mul3A_44 : i32
    %mul3A_46 = arith.constant 632 : i32
    %mul3A_47 = arith.muli %arg1, %mul3A_46 : i32
    "tpu.region"() ({
      %run_scoped3A = tpu.sem_alloc : memref<!tpu.dma_semaphore, #tpu.memory_space<semaphore_mem>>
      %dma_start3A_48 = arith.constant 0 : i32
      %dma_start3A_49 = tpu.memref_slice %arg6[%arg0, %mul3A_47, %dma_start3A_48] : memref<2x10112x128xf32, #tpu.memory_space<hbm>> -> memref<1x632x128xf32, #tpu.memory_space<hbm>>
      %dma_start3A_50 = tpu.memref_squeeze %dma_start3A_49 : memref<1x632x128xf32, #tpu.memory_space<hbm>> -> memref<632x128xf32, #tpu.memory_space<hbm>>
      %dma_start3A_51 = arith.constant 0 : i32
      %dma_start3A_52 = tpu.memref_slice %arg7[%mul3A_45, %dma_start3A_51] : memref<10112x128xf32, #tpu.memory_space<vmem_shared>> -> memref<632x128xf32, #tpu.memory_space<vmem_shared>>
      tpu.enqueue_dma source(%dma_start3A_52 : memref<632x128xf32, #tpu.memory_space<vmem_shared>>) target(%dma_start3A_50 : memref<632x128xf32, #tpu.memory_space<hbm>>) target_semaphore(%run_scoped3A : memref<!tpu.dma_semaphore, #tpu.memory_space<semaphore_mem>>)
      %dma_wait3A = arith.constant 0 : i32
      %dma_wait3A_53 = tpu.memref_slice %arg6[%arg0, %mul3A_47, %dma_wait3A] : memref<2x10112x128xf32, #tpu.memory_space<hbm>> -> memref<1x632x128xf32, #tpu.memory_space<hbm>>
      %dma_wait3A_54 = tpu.memref_squeeze %dma_wait3A_53 : memref<1x632x128xf32, #tpu.memory_space<hbm>> -> memref<632x128xf32, #tpu.memory_space<hbm>>
      %dma_wait3A_55 = arith.constant 0 : i32
      %dma_wait3A_56 = tpu.memref_slice %arg7[%mul3A_45, %dma_wait3A_55] : memref<10112x128xf32, #tpu.memory_space<vmem_shared>> -> memref<632x128xf32, #tpu.memory_space<vmem_shared>>
      tpu.wait_dma2 semaphore(%run_scoped3A : memref<!tpu.dma_semaphore, #tpu.memory_space<semaphore_mem>>) src(%dma_wait3A_56 : memref<632x128xf32, #tpu.memory_space<vmem_shared>>) dst(%dma_wait3A_54 : memref<632x128xf32, #tpu.memory_space<hbm>>)
      tpu.yield
    }) : () -> ()
    return
  }
}

#map = affine_map<(d0, d1) -> (0, 0)>
#map1 = affine_map<(d0, d1) -> (0, 0, 0, 0)>
#map2 = affine_map<(d0, d1) -> (0, 0, 0)>
module attributes {stable_mosaic.version = 14 : i64} {
  func.func @_deg_body(%arg0: i32, %arg1: i32, %arg2: memref<10112x128xf32, #tpu.memory_space<hbm>>, %arg3: memref<128x128xf32, #tpu.memory_space<hbm>>, %arg4: memref<2x16x80x128xi32, #tpu.memory_space<hbm>>, %arg5: memref<2x10112x128xf32, #tpu.memory_space<hbm>>, %arg6: memref<10112x128xf32, #tpu.memory_space<vmem_shared>>, %arg7: memref<128x128xf32, #tpu.memory_space<vmem>>, %arg8: memref<128xi32, #tpu.memory_space<vmem>>, %arg9: memref<128xi32, #tpu.memory_space<vmem>>, %arg10: memref<!tpu.dma_semaphore, #tpu.memory_space<semaphore_mem>>, %arg11: memref<!tpu.dma_semaphore, #tpu.memory_space<semaphore_mem>>) attributes {dimension_semantics = [#tpu.dimension_semantics<core_parallel>, #tpu.dimension_semantics<subcore_parallel>], iteration_bounds = array<i64: 2, 16>, scalar_prefetch = 0 : i64, scratch_operands = 6 : i64, tpu.core_type = #tpu.core_type<sc_vector_subcore>, window_params = [{transform_indices = #map}, {transform_indices = #map}, {transform_indices = #map1}, {transform_indices = #map2}]} {
    %mul3A = arith.constant 632 : i32
    %mul3A_0 = arith.muli %arg1, %mul3A : i32
    %mul3A_1 = arith.constant 632 : i32
    %mul3A_2 = arith.muli %arg1, %mul3A_1 : i32
    "tpu.region"() ({
      %run_scoped3A_19 = tpu.sem_alloc : memref<!tpu.dma_semaphore, #tpu.memory_space<semaphore_mem>>
      %dma_start3A_20 = arith.constant 0 : i32
      %dma_start3A_21 = tpu.memref_slice %arg6[%mul3A_2, %dma_start3A_20] : memref<10112x128xf32, #tpu.memory_space<vmem_shared>> -> memref<632x128xf32, #tpu.memory_space<vmem_shared>>
      %dma_start3A_22 = arith.constant 0 : i32
      %dma_start3A_23 = tpu.memref_slice %arg2[%mul3A_0, %dma_start3A_22] : memref<10112x128xf32, #tpu.memory_space<hbm>> -> memref<632x128xf32, #tpu.memory_space<hbm>>
      tpu.enqueue_dma source(%dma_start3A_23 : memref<632x128xf32, #tpu.memory_space<hbm>>) target(%dma_start3A_21 : memref<632x128xf32, #tpu.memory_space<vmem_shared>>) target_semaphore(%run_scoped3A_19 : memref<!tpu.dma_semaphore, #tpu.memory_space<semaphore_mem>>)
      %dma_wait3A = arith.constant 0 : i32
      %dma_wait3A_24 = tpu.memref_slice %arg6[%mul3A_2, %dma_wait3A] : memref<10112x128xf32, #tpu.memory_space<vmem_shared>> -> memref<632x128xf32, #tpu.memory_space<vmem_shared>>
      %dma_wait3A_25 = arith.constant 0 : i32
      %dma_wait3A_26 = tpu.memref_slice %arg2[%mul3A_0, %dma_wait3A_25] : memref<10112x128xf32, #tpu.memory_space<hbm>> -> memref<632x128xf32, #tpu.memory_space<hbm>>
      tpu.wait_dma2 semaphore(%run_scoped3A_19 : memref<!tpu.dma_semaphore, #tpu.memory_space<semaphore_mem>>) src(%dma_wait3A_26 : memref<632x128xf32, #tpu.memory_space<hbm>>) dst(%dma_wait3A_24 : memref<632x128xf32, #tpu.memory_space<vmem_shared>>)
      tpu.yield
    }) : () -> ()
    "tpu.region"() ({
      %run_scoped3A_19 = tpu.sem_alloc : memref<!tpu.dma_semaphore, #tpu.memory_space<semaphore_mem>>
      tpu.enqueue_dma source(%arg3 : memref<128x128xf32, #tpu.memory_space<hbm>>) target(%arg7 : memref<128x128xf32, #tpu.memory_space<vmem>>) target_semaphore(%run_scoped3A_19 : memref<!tpu.dma_semaphore, #tpu.memory_space<semaphore_mem>>)
      tpu.wait_dma2 semaphore(%run_scoped3A_19 : memref<!tpu.dma_semaphore, #tpu.memory_space<semaphore_mem>>) src(%arg3 : memref<128x128xf32, #tpu.memory_space<hbm>>) dst(%arg7 : memref<128x128xf32, #tpu.memory_space<vmem>>)
      tpu.yield
    }) : () -> ()
    %barrier3A = arith.constant 0 : index
    tpu.barrier barrier_id(%barrier3A)
    %run_scoped3A = arith.constant 0 : i32
    "tpu.region"() ({
      %run_scoped3A_19 = tpu.sem_alloc : memref<!tpu.dma_semaphore, #tpu.memory_space<semaphore_mem>>
      %dma_start3A_20 = arith.constant 0 : i32
      %dma_start3A_21 = tpu.memref_slice %arg4[%arg0, %arg1, %run_scoped3A, %dma_start3A_20] : memref<2x16x80x128xi32, #tpu.memory_space<hbm>> -> memref<1x1x1x128xi32, #tpu.memory_space<hbm>>
      %dma_start3A_22 = tpu.memref_squeeze %dma_start3A_21 : memref<1x1x1x128xi32, #tpu.memory_space<hbm>> -> memref<128xi32, #tpu.memory_space<hbm>>
      %dma_start3A_23 = arith.constant 0 : i32
      %dma_start3A_24 = tpu.memref_slice %arg4[%arg0, %arg1, %run_scoped3A, %dma_start3A_23] : memref<2x16x80x128xi32, #tpu.memory_space<hbm>> -> memref<1x1x1x128xi32, #tpu.memory_space<hbm>>
      %dma_start3A_25 = tpu.memref_squeeze %dma_start3A_24 : memref<1x1x1x128xi32, #tpu.memory_space<hbm>> -> memref<128xi32, #tpu.memory_space<hbm>>
      tpu.enqueue_dma source(%dma_start3A_25 : memref<128xi32, #tpu.memory_space<hbm>>) target(%arg8 : memref<128xi32, #tpu.memory_space<vmem>>) target_semaphore(%run_scoped3A_19 : memref<!tpu.dma_semaphore, #tpu.memory_space<semaphore_mem>>)
      %dma_wait3A = arith.constant 0 : i32
      %dma_wait3A_26 = tpu.memref_slice %arg4[%arg0, %arg1, %run_scoped3A, %dma_wait3A] : memref<2x16x80x128xi32, #tpu.memory_space<hbm>> -> memref<1x1x1x128xi32, #tpu.memory_space<hbm>>
      %dma_wait3A_27 = tpu.memref_squeeze %dma_wait3A_26 : memref<1x1x1x128xi32, #tpu.memory_space<hbm>> -> memref<128xi32, #tpu.memory_space<hbm>>
      %dma_wait3A_28 = arith.constant 0 : i32
      %dma_wait3A_29 = tpu.memref_slice %arg4[%arg0, %arg1, %run_scoped3A, %dma_wait3A_28] : memref<2x16x80x128xi32, #tpu.memory_space<hbm>> -> memref<1x1x1x128xi32, #tpu.memory_space<hbm>>
      %dma_wait3A_30 = tpu.memref_squeeze %dma_wait3A_29 : memref<1x1x1x128xi32, #tpu.memory_space<hbm>> -> memref<128xi32, #tpu.memory_space<hbm>>
      tpu.wait_dma2 semaphore(%run_scoped3A_19 : memref<!tpu.dma_semaphore, #tpu.memory_space<semaphore_mem>>) src(%dma_wait3A_30 : memref<128xi32, #tpu.memory_space<hbm>>) dst(%arg8 : memref<128xi32, #tpu.memory_space<vmem>>)
      tpu.yield
    }) : () -> ()
    %dma_start3A = arith.constant 1 : i32
    %dma_start3A_3 = arith.constant 0 : i32
    %dma_start3A_4 = tpu.memref_slice %arg4[%arg0, %arg1, %dma_start3A, %dma_start3A_3] : memref<2x16x80x128xi32, #tpu.memory_space<hbm>> -> memref<1x1x1x128xi32, #tpu.memory_space<hbm>>
    %dma_start3A_5 = tpu.memref_squeeze %dma_start3A_4 : memref<1x1x1x128xi32, #tpu.memory_space<hbm>> -> memref<128xi32, #tpu.memory_space<hbm>>
    %dma_start3A_6 = arith.constant 0 : i32
    %dma_start3A_7 = tpu.memref_slice %arg4[%arg0, %arg1, %dma_start3A, %dma_start3A_6] : memref<2x16x80x128xi32, #tpu.memory_space<hbm>> -> memref<1x1x1x128xi32, #tpu.memory_space<hbm>>
    %dma_start3A_8 = tpu.memref_squeeze %dma_start3A_7 : memref<1x1x1x128xi32, #tpu.memory_space<hbm>> -> memref<128xi32, #tpu.memory_space<hbm>>
    tpu.enqueue_dma source(%dma_start3A_8 : memref<128xi32, #tpu.memory_space<hbm>>) target(%arg9 : memref<128xi32, #tpu.memory_space<vmem>>) target_semaphore(%arg11 : memref<!tpu.dma_semaphore, #tpu.memory_space<semaphore_mem>>)
    %scan3A = arith.constant 0 : i32
    %scan3A_9 = arith.constant 0 : i32
    %scan3A_10 = arith.constant 80 : i32
    %scan3A_11 = arith.addi %scan3A_9, %scan3A_10 : i32
    %scan3A_12 = arith.constant 1 : i32
    scf.for %scan3A_19 = %scan3A_9 to %scan3A_11 step %scan3A_12  : i32 {
      %jit3A = arith.constant 2 : i32
      %eq3A = arith.constant 0 : i32
      %eq3A_20 = arith.cmpi eq, %jit3A, %eq3A : i32
      %jit3A_21 = arith.constant 1 : i32
      %select_n3A = arith.select %eq3A_20, %jit3A_21, %jit3A : i32
      %rem3A = arith.remsi %scan3A_19, %select_n3A : i32
      %ne3A = arith.constant 0 : i32
      %ne3A_22 = arith.cmpi ne, %rem3A, %ne3A : i32
      %lt3A = arith.constant 0 : i32
      %lt3A_23 = arith.cmpi slt, %rem3A, %lt3A : i32
      %lt3A_24 = arith.constant 0 : i32
      %lt3A_25 = arith.cmpi slt, %select_n3A, %lt3A_24 : i32
      %ne3A_26 = arith.xori %lt3A_23, %lt3A_25 : i1
      %and3A = arith.andi %ne3A_26, %ne3A_22 : i1
      %add3A = arith.addi %rem3A, %select_n3A : i32
      %select_n3A_27 = arith.select %and3A, %add3A, %rem3A : i32
      %eq3A_28 = arith.constant 0 : i32
      %eq3A_29 = arith.cmpi eq, %select_n3A_27, %eq3A_28 : i32
      %convert_element_type3A = arith.extui %eq3A_29 : i1 to i32
      %cond3A = arith.constant 0 : i32
      %cond3A_30 = arith.cmpi ne, %convert_element_type3A, %cond3A : i32
      scf.if %cond3A_30 {
        %add3A_52 = arith.constant 1 : i32
        %add3A_53 = arith.addi %scan3A_19, %add3A_52 : i32
        %lt3A_54 = arith.constant 80 : i32
        %lt3A_55 = arith.cmpi slt, %add3A_53, %lt3A_54 : i32
        %convert_element_type3A_56 = arith.extui %lt3A_55 : i1 to i32
        %cond3A_57 = arith.constant 0 : i32
        %cond3A_58 = arith.cmpi ne, %convert_element_type3A_56, %cond3A_57 : i32
        scf.if %cond3A_58 {
          %add3A_66 = arith.constant 1 : i32
          %add3A_67 = arith.addi %scan3A_19, %add3A_66 : i32
          %dma_wait3A = arith.constant 0 : i32
          %dma_wait3A_68 = tpu.memref_slice %arg4[%arg0, %arg1, %add3A_67, %dma_wait3A] : memref<2x16x80x128xi32, #tpu.memory_space<hbm>> -> memref<1x1x1x128xi32, #tpu.memory_space<hbm>>
          %dma_wait3A_69 = tpu.memref_squeeze %dma_wait3A_68 : memref<1x1x1x128xi32, #tpu.memory_space<hbm>> -> memref<128xi32, #tpu.memory_space<hbm>>
          %dma_wait3A_70 = arith.constant 0 : i32
          %dma_wait3A_71 = tpu.memref_slice %arg4[%arg0, %arg1, %add3A_67, %dma_wait3A_70] : memref<2x16x80x128xi32, #tpu.memory_space<hbm>> -> memref<1x1x1x128xi32, #tpu.memory_space<hbm>>
          %dma_wait3A_72 = tpu.memref_squeeze %dma_wait3A_71 : memref<1x1x1x128xi32, #tpu.memory_space<hbm>> -> memref<128xi32, #tpu.memory_space<hbm>>
          tpu.wait_dma2 semaphore(%arg11 : memref<!tpu.dma_semaphore, #tpu.memory_space<semaphore_mem>>) src(%dma_wait3A_72 : memref<128xi32, #tpu.memory_space<hbm>>) dst(%arg9 : memref<128xi32, #tpu.memory_space<vmem>>)
        } else {
        }
        "tpu.region"() ({
          %run_scoped3A_66 = tpu.sem_alloc : memref<!tpu.dma_semaphore, #tpu.memory_space<semaphore_mem>>
          %dma_start3A_67 = arith.constant 0 : i32
          %dma_start3A_68 = arith.constant 0 : i32
          %dma_start3A_69 = tpu.memref_slice %arg6[%dma_start3A_67, %dma_start3A_68] : memref<10112x128xf32, #tpu.memory_space<vmem_shared>> -> memref<10112x128xf32, #tpu.memory_space<vmem_shared>>
          tpu.enqueue_indirect_dma source(%arg7 : memref<128x128xf32, #tpu.memory_space<vmem>>) target(%dma_start3A_69 : memref<10112x128xf32, #tpu.memory_space<vmem_shared>>) offsets(%arg8 : memref<128xi32, #tpu.memory_space<vmem>>) semaphore(%run_scoped3A_66 : memref<!tpu.dma_semaphore, #tpu.memory_space<semaphore_mem>>) {add = true}
          %dma_wait3A = arith.constant 0 : i32
          %dma_wait3A_70 = arith.constant 0 : i32
          %dma_wait3A_71 = tpu.memref_slice %arg6[%dma_wait3A, %dma_wait3A_70] : memref<10112x128xf32, #tpu.memory_space<vmem_shared>> -> memref<10112x128xf32, #tpu.memory_space<vmem_shared>>
          tpu.wait_indirect_dma semaphore(%run_scoped3A_66 : memref<!tpu.dma_semaphore, #tpu.memory_space<semaphore_mem>>) src(%arg7 : memref<128x128xf32, #tpu.memory_space<vmem>>) dst(%dma_wait3A_71 : memref<10112x128xf32, #tpu.memory_space<vmem_shared>>)
          tpu.yield
        }) : () -> ()
        %add3A_59 = arith.constant 2 : i32
        %add3A_60 = arith.addi %scan3A_19, %add3A_59 : i32
        %lt3A_61 = arith.constant 80 : i32
        %lt3A_62 = arith.cmpi slt, %add3A_60, %lt3A_61 : i32
        %convert_element_type3A_63 = arith.extui %lt3A_62 : i1 to i32
        %cond3A_64 = arith.constant 0 : i32
        %cond3A_65 = arith.cmpi ne, %convert_element_type3A_63, %cond3A_64 : i32
        scf.if %cond3A_65 {
          %add3A_66 = arith.constant 2 : i32
          %add3A_67 = arith.addi %scan3A_19, %add3A_66 : i32
          %dma_start3A_68 = arith.constant 0 : i32
          %dma_start3A_69 = tpu.memref_slice %arg4[%arg0, %arg1, %add3A_67, %dma_start3A_68] : memref<2x16x80x128xi32, #tpu.memory_space<hbm>> -> memref<1x1x1x128xi32, #tpu.memory_space<hbm>>
          %dma_start3A_70 = tpu.memref_squeeze %dma_start3A_69 : memref<1x1x1x128xi32, #tpu.memory_space<hbm>> -> memref<128xi32, #tpu.memory_space<hbm>>
          %dma_start3A_71 = arith.constant 0 : i32
          %dma_start3A_72 = tpu.memref_slice %arg4[%arg0, %arg1, %add3A_67, %dma_start3A_71] : memref<2x16x80x128xi32, #tpu.memory_space<hbm>> -> memref<1x1x1x128xi32, #tpu.memory_space<hbm>>
          %dma_start3A_73 = tpu.memref_squeeze %dma_start3A_72 : memref<1x1x1x128xi32, #tpu.memory_space<hbm>> -> memref<128xi32, #tpu.memory_space<hbm>>
          tpu.enqueue_dma source(%dma_start3A_73 : memref<128xi32, #tpu.memory_space<hbm>>) target(%arg8 : memref<128xi32, #tpu.memory_space<vmem>>) target_semaphore(%arg10 : memref<!tpu.dma_semaphore, #tpu.memory_space<semaphore_mem>>)
        } else {
        }
      } else {
      }
      %jit3A_31 = arith.constant 2 : i32
      %eq3A_32 = arith.constant 0 : i32
      %eq3A_33 = arith.cmpi eq, %jit3A_31, %eq3A_32 : i32
      %jit3A_34 = arith.constant 1 : i32
      %select_n3A_35 = arith.select %eq3A_33, %jit3A_34, %jit3A_31 : i32
      %rem3A_36 = arith.remsi %scan3A_19, %select_n3A_35 : i32
      %ne3A_37 = arith.constant 0 : i32
      %ne3A_38 = arith.cmpi ne, %rem3A_36, %ne3A_37 : i32
      %lt3A_39 = arith.constant 0 : i32
      %lt3A_40 = arith.cmpi slt, %rem3A_36, %lt3A_39 : i32
      %lt3A_41 = arith.constant 0 : i32
      %lt3A_42 = arith.cmpi slt, %select_n3A_35, %lt3A_41 : i32
      %ne3A_43 = arith.xori %lt3A_40, %lt3A_42 : i1
      %and3A_44 = arith.andi %ne3A_43, %ne3A_38 : i1
      %add3A_45 = arith.addi %rem3A_36, %select_n3A_35 : i32
      %select_n3A_46 = arith.select %and3A_44, %add3A_45, %rem3A_36 : i32
      %eq3A_47 = arith.constant 1 : i32
      %eq3A_48 = arith.cmpi eq, %select_n3A_46, %eq3A_47 : i32
      %convert_element_type3A_49 = arith.extui %eq3A_48 : i1 to i32
      %cond3A_50 = arith.constant 0 : i32
      %cond3A_51 = arith.cmpi ne, %convert_element_type3A_49, %cond3A_50 : i32
      scf.if %cond3A_51 {
        %add3A_52 = arith.constant 1 : i32
        %add3A_53 = arith.addi %scan3A_19, %add3A_52 : i32
        %lt3A_54 = arith.constant 80 : i32
        %lt3A_55 = arith.cmpi slt, %add3A_53, %lt3A_54 : i32
        %convert_element_type3A_56 = arith.extui %lt3A_55 : i1 to i32
        %cond3A_57 = arith.constant 0 : i32
        %cond3A_58 = arith.cmpi ne, %convert_element_type3A_56, %cond3A_57 : i32
        scf.if %cond3A_58 {
          %add3A_66 = arith.constant 1 : i32
          %add3A_67 = arith.addi %scan3A_19, %add3A_66 : i32
          %dma_wait3A = arith.constant 0 : i32
          %dma_wait3A_68 = tpu.memref_slice %arg4[%arg0, %arg1, %add3A_67, %dma_wait3A] : memref<2x16x80x128xi32, #tpu.memory_space<hbm>> -> memref<1x1x1x128xi32, #tpu.memory_space<hbm>>
          %dma_wait3A_69 = tpu.memref_squeeze %dma_wait3A_68 : memref<1x1x1x128xi32, #tpu.memory_space<hbm>> -> memref<128xi32, #tpu.memory_space<hbm>>
          %dma_wait3A_70 = arith.constant 0 : i32
          %dma_wait3A_71 = tpu.memref_slice %arg4[%arg0, %arg1, %add3A_67, %dma_wait3A_70] : memref<2x16x80x128xi32, #tpu.memory_space<hbm>> -> memref<1x1x1x128xi32, #tpu.memory_space<hbm>>
          %dma_wait3A_72 = tpu.memref_squeeze %dma_wait3A_71 : memref<1x1x1x128xi32, #tpu.memory_space<hbm>> -> memref<128xi32, #tpu.memory_space<hbm>>
          tpu.wait_dma2 semaphore(%arg10 : memref<!tpu.dma_semaphore, #tpu.memory_space<semaphore_mem>>) src(%dma_wait3A_72 : memref<128xi32, #tpu.memory_space<hbm>>) dst(%arg8 : memref<128xi32, #tpu.memory_space<vmem>>)
        } else {
        }
        "tpu.region"() ({
          %run_scoped3A_66 = tpu.sem_alloc : memref<!tpu.dma_semaphore, #tpu.memory_space<semaphore_mem>>
          %dma_start3A_67 = arith.constant 0 : i32
          %dma_start3A_68 = arith.constant 0 : i32
          %dma_start3A_69 = tpu.memref_slice %arg6[%dma_start3A_67, %dma_start3A_68] : memref<10112x128xf32, #tpu.memory_space<vmem_shared>> -> memref<10112x128xf32, #tpu.memory_space<vmem_shared>>
          tpu.enqueue_indirect_dma source(%arg7 : memref<128x128xf32, #tpu.memory_space<vmem>>) target(%dma_start3A_69 : memref<10112x128xf32, #tpu.memory_space<vmem_shared>>) offsets(%arg9 : memref<128xi32, #tpu.memory_space<vmem>>) semaphore(%run_scoped3A_66 : memref<!tpu.dma_semaphore, #tpu.memory_space<semaphore_mem>>) {add = true}
          %dma_wait3A = arith.constant 0 : i32
          %dma_wait3A_70 = arith.constant 0 : i32
          %dma_wait3A_71 = tpu.memref_slice %arg6[%dma_wait3A, %dma_wait3A_70] : memref<10112x128xf32, #tpu.memory_space<vmem_shared>> -> memref<10112x128xf32, #tpu.memory_space<vmem_shared>>
          tpu.wait_indirect_dma semaphore(%run_scoped3A_66 : memref<!tpu.dma_semaphore, #tpu.memory_space<semaphore_mem>>) src(%arg7 : memref<128x128xf32, #tpu.memory_space<vmem>>) dst(%dma_wait3A_71 : memref<10112x128xf32, #tpu.memory_space<vmem_shared>>)
          tpu.yield
        }) : () -> ()
        %add3A_59 = arith.constant 2 : i32
        %add3A_60 = arith.addi %scan3A_19, %add3A_59 : i32
        %lt3A_61 = arith.constant 80 : i32
        %lt3A_62 = arith.cmpi slt, %add3A_60, %lt3A_61 : i32
        %convert_element_type3A_63 = arith.extui %lt3A_62 : i1 to i32
        %cond3A_64 = arith.constant 0 : i32
        %cond3A_65 = arith.cmpi ne, %convert_element_type3A_63, %cond3A_64 : i32
        scf.if %cond3A_65 {
          %add3A_66 = arith.constant 2 : i32
          %add3A_67 = arith.addi %scan3A_19, %add3A_66 : i32
          %dma_start3A_68 = arith.constant 0 : i32
          %dma_start3A_69 = tpu.memref_slice %arg4[%arg0, %arg1, %add3A_67, %dma_start3A_68] : memref<2x16x80x128xi32, #tpu.memory_space<hbm>> -> memref<1x1x1x128xi32, #tpu.memory_space<hbm>>
          %dma_start3A_70 = tpu.memref_squeeze %dma_start3A_69 : memref<1x1x1x128xi32, #tpu.memory_space<hbm>> -> memref<128xi32, #tpu.memory_space<hbm>>
          %dma_start3A_71 = arith.constant 0 : i32
          %dma_start3A_72 = tpu.memref_slice %arg4[%arg0, %arg1, %add3A_67, %dma_start3A_71] : memref<2x16x80x128xi32, #tpu.memory_space<hbm>> -> memref<1x1x1x128xi32, #tpu.memory_space<hbm>>
          %dma_start3A_73 = tpu.memref_squeeze %dma_start3A_72 : memref<1x1x1x128xi32, #tpu.memory_space<hbm>> -> memref<128xi32, #tpu.memory_space<hbm>>
          tpu.enqueue_dma source(%dma_start3A_73 : memref<128xi32, #tpu.memory_space<hbm>>) target(%arg9 : memref<128xi32, #tpu.memory_space<vmem>>) target_semaphore(%arg11 : memref<!tpu.dma_semaphore, #tpu.memory_space<semaphore_mem>>)
        } else {
        }
      } else {
      }
    }
    %scan3A_13 = arith.constant 80 : i32
    %barrier3A_14 = arith.constant 0 : index
    tpu.barrier barrier_id(%barrier3A_14)
    %mul3A_15 = arith.constant 632 : i32
    %mul3A_16 = arith.muli %arg1, %mul3A_15 : i32
    %mul3A_17 = arith.constant 632 : i32
    %mul3A_18 = arith.muli %arg1, %mul3A_17 : i32
    "tpu.region"() ({
      %run_scoped3A_19 = tpu.sem_alloc : memref<!tpu.dma_semaphore, #tpu.memory_space<semaphore_mem>>
      %dma_start3A_20 = arith.constant 0 : i32
      %dma_start3A_21 = tpu.memref_slice %arg5[%arg0, %mul3A_18, %dma_start3A_20] : memref<2x10112x128xf32, #tpu.memory_space<hbm>> -> memref<1x632x128xf32, #tpu.memory_space<hbm>>
      %dma_start3A_22 = tpu.memref_squeeze %dma_start3A_21 : memref<1x632x128xf32, #tpu.memory_space<hbm>> -> memref<632x128xf32, #tpu.memory_space<hbm>>
      %dma_start3A_23 = arith.constant 0 : i32
      %dma_start3A_24 = tpu.memref_slice %arg6[%mul3A_16, %dma_start3A_23] : memref<10112x128xf32, #tpu.memory_space<vmem_shared>> -> memref<632x128xf32, #tpu.memory_space<vmem_shared>>
      tpu.enqueue_dma source(%dma_start3A_24 : memref<632x128xf32, #tpu.memory_space<vmem_shared>>) target(%dma_start3A_22 : memref<632x128xf32, #tpu.memory_space<hbm>>) target_semaphore(%run_scoped3A_19 : memref<!tpu.dma_semaphore, #tpu.memory_space<semaphore_mem>>)
      %dma_wait3A = arith.constant 0 : i32
      %dma_wait3A_25 = tpu.memref_slice %arg5[%arg0, %mul3A_18, %dma_wait3A] : memref<2x10112x128xf32, #tpu.memory_space<hbm>> -> memref<1x632x128xf32, #tpu.memory_space<hbm>>
      %dma_wait3A_26 = tpu.memref_squeeze %dma_wait3A_25 : memref<1x632x128xf32, #tpu.memory_space<hbm>> -> memref<632x128xf32, #tpu.memory_space<hbm>>
      %dma_wait3A_27 = arith.constant 0 : i32
      %dma_wait3A_28 = tpu.memref_slice %arg6[%mul3A_16, %dma_wait3A_27] : memref<10112x128xf32, #tpu.memory_space<vmem_shared>> -> memref<632x128xf32, #tpu.memory_space<vmem_shared>>
      tpu.wait_dma2 semaphore(%run_scoped3A_19 : memref<!tpu.dma_semaphore, #tpu.memory_space<semaphore_mem>>) src(%dma_wait3A_28 : memref<632x128xf32, #tpu.memory_space<vmem_shared>>) dst(%dma_wait3A_26 : memref<632x128xf32, #tpu.memory_space<hbm>>)
      tpu.yield
    }) : () -> ()
    return
  }
}

#map = affine_map<(d0, d1) -> (0, 0)>
#map1 = affine_map<(d0, d1) -> (0, 0, 0)>
module attributes {stable_mosaic.version = 14 : i64} {
  func.func @_prop_body(%arg0: i32, %arg1: i32, %arg2: memref<10112x128xf32, #tpu.memory_space<hbm>>, %arg3: memref<10112x128xf32, #tpu.memory_space<hbm>>, %arg4: memref<2560x128xi32, #tpu.memory_space<hbm>>, %arg5: memref<2560x128xi32, #tpu.memory_space<hbm>>, %arg6: memref<2x10112x128xf32, #tpu.memory_space<hbm>>, %arg7: memref<10112x128xf32, #tpu.memory_space<vmem_shared>>, %arg8: memref<128xi32, #tpu.memory_space<vmem>>, %arg9: memref<128xi32, #tpu.memory_space<vmem>>, %arg10: memref<128xi32, #tpu.memory_space<vmem>>, %arg11: memref<128xi32, #tpu.memory_space<vmem>>, %arg12: memref<128x128xf32, #tpu.memory_space<vmem>>, %arg13: memref<128x128xf32, #tpu.memory_space<vmem>>, %arg14: memref<!tpu.dma_semaphore, #tpu.memory_space<semaphore_mem>>, %arg15: memref<!tpu.dma_semaphore, #tpu.memory_space<semaphore_mem>>, %arg16: memref<!tpu.dma_semaphore, #tpu.memory_space<semaphore_mem>>, %arg17: memref<!tpu.dma_semaphore, #tpu.memory_space<semaphore_mem>>) attributes {dimension_semantics = [#tpu.dimension_semantics<core_parallel>, #tpu.dimension_semantics<subcore_parallel>], iteration_bounds = array<i64: 2, 16>, scalar_prefetch = 0 : i64, scratch_operands = 11 : i64, tpu.core_type = #tpu.core_type<sc_vector_subcore>, window_params = [{transform_indices = #map}, {transform_indices = #map}, {transform_indices = #map}, {transform_indices = #map}, {transform_indices = #map1}]} {
    %eq3A = arith.constant 0 : i32
    %eq3A_0 = arith.cmpi eq, %arg0, %eq3A : i32
    %convert_element_type3A = arith.extui %eq3A_0 : i1 to i32
    %cond3A = arith.constant 0 : i32
    %cond3A_1 = arith.cmpi ne, %convert_element_type3A, %cond3A : i32
    scf.if %cond3A_1 {
      %mul3A_48 = arith.constant 632 : i32
      %mul3A_49 = arith.muli %arg1, %mul3A_48 : i32
      %mul3A_50 = arith.constant 632 : i32
      %mul3A_51 = arith.muli %arg1, %mul3A_50 : i32
      "tpu.region"() ({
        %run_scoped3A = tpu.sem_alloc : memref<!tpu.dma_semaphore, #tpu.memory_space<semaphore_mem>>
        %dma_start3A_52 = arith.constant 0 : i32
        %dma_start3A_53 = tpu.memref_slice %arg7[%mul3A_51, %dma_start3A_52] : memref<10112x128xf32, #tpu.memory_space<vmem_shared>> -> memref<632x128xf32, #tpu.memory_space<vmem_shared>>
        %dma_start3A_54 = arith.constant 0 : i32
        %dma_start3A_55 = tpu.memref_slice %arg2[%mul3A_49, %dma_start3A_54] : memref<10112x128xf32, #tpu.memory_space<hbm>> -> memref<632x128xf32, #tpu.memory_space<hbm>>
        tpu.enqueue_dma source(%dma_start3A_55 : memref<632x128xf32, #tpu.memory_space<hbm>>) target(%dma_start3A_53 : memref<632x128xf32, #tpu.memory_space<vmem_shared>>) target_semaphore(%run_scoped3A : memref<!tpu.dma_semaphore, #tpu.memory_space<semaphore_mem>>)
        %dma_wait3A = arith.constant 0 : i32
        %dma_wait3A_56 = tpu.memref_slice %arg7[%mul3A_51, %dma_wait3A] : memref<10112x128xf32, #tpu.memory_space<vmem_shared>> -> memref<632x128xf32, #tpu.memory_space<vmem_shared>>
        %dma_wait3A_57 = arith.constant 0 : i32
        %dma_wait3A_58 = tpu.memref_slice %arg2[%mul3A_49, %dma_wait3A_57] : memref<10112x128xf32, #tpu.memory_space<hbm>> -> memref<632x128xf32, #tpu.memory_space<hbm>>
        tpu.wait_dma2 semaphore(%run_scoped3A : memref<!tpu.dma_semaphore, #tpu.memory_space<semaphore_mem>>) src(%dma_wait3A_58 : memref<632x128xf32, #tpu.memory_space<hbm>>) dst(%dma_wait3A_56 : memref<632x128xf32, #tpu.memory_space<vmem_shared>>)
        tpu.yield
      }) : () -> ()
    } else {
    }
    %ne3A = arith.constant 0 : i32
    %ne3A_2 = arith.cmpi ne, %arg0, %ne3A : i32
    %convert_element_type3A_3 = arith.extui %ne3A_2 : i1 to i32
    %cond3A_4 = arith.constant 0 : i32
    %cond3A_5 = arith.cmpi ne, %convert_element_type3A_3, %cond3A_4 : i32
    scf.if %cond3A_5 {
      %mul3A_48 = arith.constant 632 : i32
      %mul3A_49 = arith.muli %arg1, %mul3A_48 : i32
      %mul3A_50 = arith.constant 632 : i32
      %mul3A_51 = arith.muli %arg1, %mul3A_50 : i32
      "tpu.region"() ({
        %run_scoped3A = tpu.sem_alloc : memref<!tpu.dma_semaphore, #tpu.memory_space<semaphore_mem>>
        %dma_start3A_52 = arith.constant 0 : i32
        %dma_start3A_53 = tpu.memref_slice %arg7[%mul3A_51, %dma_start3A_52] : memref<10112x128xf32, #tpu.memory_space<vmem_shared>> -> memref<632x128xf32, #tpu.memory_space<vmem_shared>>
        %dma_start3A_54 = arith.constant 0 : i32
        %dma_start3A_55 = tpu.memref_slice %arg3[%mul3A_49, %dma_start3A_54] : memref<10112x128xf32, #tpu.memory_space<hbm>> -> memref<632x128xf32, #tpu.memory_space<hbm>>
        tpu.enqueue_dma source(%dma_start3A_55 : memref<632x128xf32, #tpu.memory_space<hbm>>) target(%dma_start3A_53 : memref<632x128xf32, #tpu.memory_space<vmem_shared>>) target_semaphore(%run_scoped3A : memref<!tpu.dma_semaphore, #tpu.memory_space<semaphore_mem>>)
        %dma_wait3A = arith.constant 0 : i32
        %dma_wait3A_56 = tpu.memref_slice %arg7[%mul3A_51, %dma_wait3A] : memref<10112x128xf32, #tpu.memory_space<vmem_shared>> -> memref<632x128xf32, #tpu.memory_space<vmem_shared>>
        %dma_wait3A_57 = arith.constant 0 : i32
        %dma_wait3A_58 = tpu.memref_slice %arg3[%mul3A_49, %dma_wait3A_57] : memref<10112x128xf32, #tpu.memory_space<hbm>> -> memref<632x128xf32, #tpu.memory_space<hbm>>
        tpu.wait_dma2 semaphore(%run_scoped3A : memref<!tpu.dma_semaphore, #tpu.memory_space<semaphore_mem>>) src(%dma_wait3A_58 : memref<632x128xf32, #tpu.memory_space<hbm>>) dst(%dma_wait3A_56 : memref<632x128xf32, #tpu.memory_space<vmem_shared>>)
        tpu.yield
      }) : () -> ()
    } else {
    }
    %barrier3A = arith.constant 0 : index
    tpu.barrier barrier_id(%barrier3A)
    %eq3A_6 = arith.constant 0 : i32
    %eq3A_7 = arith.cmpi eq, %arg0, %eq3A_6 : i32
    %jit3A = arith.constant 80 : i32
    %jit3A_8 = arith.constant 80 : i32
    %select_n3A = arith.select %eq3A_7, %jit3A, %jit3A_8 : i32
    %eq3A_9 = arith.constant 0 : i32
    %eq3A_10 = arith.cmpi eq, %arg0, %eq3A_9 : i32
    %mul3A = arith.constant 80 : i32
    %mul3A_11 = arith.muli %arg1, %mul3A : i32
    %mul3A_12 = arith.constant 80 : i32
    %mul3A_13 = arith.muli %arg1, %mul3A_12 : i32
    %add3A = arith.constant 1280 : i32
    %add3A_14 = arith.addi %add3A, %mul3A_13 : i32
    %select_n3A_15 = arith.select %eq3A_10, %mul3A_11, %add3A_14 : i32
    "tpu.region"() ({
      %run_scoped3A = tpu.sem_alloc : memref<!tpu.dma_semaphore, #tpu.memory_space<semaphore_mem>>
      %dma_start3A_48 = arith.constant 0 : i32
      %dma_start3A_49 = tpu.memref_slice %arg4[%select_n3A_15, %dma_start3A_48] : memref<2560x128xi32, #tpu.memory_space<hbm>> -> memref<1x128xi32, #tpu.memory_space<hbm>>
      %dma_start3A_50 = tpu.memref_squeeze %dma_start3A_49 : memref<1x128xi32, #tpu.memory_space<hbm>> -> memref<128xi32, #tpu.memory_space<hbm>>
      %dma_start3A_51 = arith.constant 0 : i32
      %dma_start3A_52 = tpu.memref_slice %arg4[%select_n3A_15, %dma_start3A_51] : memref<2560x128xi32, #tpu.memory_space<hbm>> -> memref<1x128xi32, #tpu.memory_space<hbm>>
      %dma_start3A_53 = tpu.memref_squeeze %dma_start3A_52 : memref<1x128xi32, #tpu.memory_space<hbm>> -> memref<128xi32, #tpu.memory_space<hbm>>
      tpu.enqueue_dma source(%dma_start3A_53 : memref<128xi32, #tpu.memory_space<hbm>>) target(%arg8 : memref<128xi32, #tpu.memory_space<vmem>>) target_semaphore(%run_scoped3A : memref<!tpu.dma_semaphore, #tpu.memory_space<semaphore_mem>>)
      %dma_wait3A = arith.constant 0 : i32
      %dma_wait3A_54 = tpu.memref_slice %arg4[%select_n3A_15, %dma_wait3A] : memref<2560x128xi32, #tpu.memory_space<hbm>> -> memref<1x128xi32, #tpu.memory_space<hbm>>
      %dma_wait3A_55 = tpu.memref_squeeze %dma_wait3A_54 : memref<1x128xi32, #tpu.memory_space<hbm>> -> memref<128xi32, #tpu.memory_space<hbm>>
      %dma_wait3A_56 = arith.constant 0 : i32
      %dma_wait3A_57 = tpu.memref_slice %arg4[%select_n3A_15, %dma_wait3A_56] : memref<2560x128xi32, #tpu.memory_space<hbm>> -> memref<1x128xi32, #tpu.memory_space<hbm>>
      %dma_wait3A_58 = tpu.memref_squeeze %dma_wait3A_57 : memref<1x128xi32, #tpu.memory_space<hbm>> -> memref<128xi32, #tpu.memory_space<hbm>>
      tpu.wait_dma2 semaphore(%run_scoped3A : memref<!tpu.dma_semaphore, #tpu.memory_space<semaphore_mem>>) src(%dma_wait3A_58 : memref<128xi32, #tpu.memory_space<hbm>>) dst(%arg8 : memref<128xi32, #tpu.memory_space<vmem>>)
      tpu.yield
    }) : () -> ()
    "tpu.region"() ({
      %run_scoped3A = tpu.sem_alloc : memref<!tpu.dma_semaphore, #tpu.memory_space<semaphore_mem>>
      %dma_start3A_48 = arith.constant 0 : i32
      %dma_start3A_49 = tpu.memref_slice %arg5[%select_n3A_15, %dma_start3A_48] : memref<2560x128xi32, #tpu.memory_space<hbm>> -> memref<1x128xi32, #tpu.memory_space<hbm>>
      %dma_start3A_50 = tpu.memref_squeeze %dma_start3A_49 : memref<1x128xi32, #tpu.memory_space<hbm>> -> memref<128xi32, #tpu.memory_space<hbm>>
      %dma_start3A_51 = arith.constant 0 : i32
      %dma_start3A_52 = tpu.memref_slice %arg5[%select_n3A_15, %dma_start3A_51] : memref<2560x128xi32, #tpu.memory_space<hbm>> -> memref<1x128xi32, #tpu.memory_space<hbm>>
      %dma_start3A_53 = tpu.memref_squeeze %dma_start3A_52 : memref<1x128xi32, #tpu.memory_space<hbm>> -> memref<128xi32, #tpu.memory_space<hbm>>
      tpu.enqueue_dma source(%dma_start3A_53 : memref<128xi32, #tpu.memory_space<hbm>>) target(%arg9 : memref<128xi32, #tpu.memory_space<vmem>>) target_semaphore(%run_scoped3A : memref<!tpu.dma_semaphore, #tpu.memory_space<semaphore_mem>>)
      %dma_wait3A = arith.constant 0 : i32
      %dma_wait3A_54 = tpu.memref_slice %arg5[%select_n3A_15, %dma_wait3A] : memref<2560x128xi32, #tpu.memory_space<hbm>> -> memref<1x128xi32, #tpu.memory_space<hbm>>
      %dma_wait3A_55 = tpu.memref_squeeze %dma_wait3A_54 : memref<1x128xi32, #tpu.memory_space<hbm>> -> memref<128xi32, #tpu.memory_space<hbm>>
      %dma_wait3A_56 = arith.constant 0 : i32
      %dma_wait3A_57 = tpu.memref_slice %arg5[%select_n3A_15, %dma_wait3A_56] : memref<2560x128xi32, #tpu.memory_space<hbm>> -> memref<1x128xi32, #tpu.memory_space<hbm>>
      %dma_wait3A_58 = tpu.memref_squeeze %dma_wait3A_57 : memref<1x128xi32, #tpu.memory_space<hbm>> -> memref<128xi32, #tpu.memory_space<hbm>>
      tpu.wait_dma2 semaphore(%run_scoped3A : memref<!tpu.dma_semaphore, #tpu.memory_space<semaphore_mem>>) src(%dma_wait3A_58 : memref<128xi32, #tpu.memory_space<hbm>>) dst(%arg9 : memref<128xi32, #tpu.memory_space<vmem>>)
      tpu.yield
    }) : () -> ()
    %dma_start3A = arith.constant 0 : i32
    %dma_start3A_16 = arith.constant 0 : i32
    %dma_start3A_17 = tpu.memref_slice %arg2[%dma_start3A, %dma_start3A_16] : memref<10112x128xf32, #tpu.memory_space<hbm>> -> memref<10112x128xf32, #tpu.memory_space<hbm>>
    tpu.enqueue_indirect_dma source(%dma_start3A_17 : memref<10112x128xf32, #tpu.memory_space<hbm>>) target(%arg12 : memref<128x128xf32, #tpu.memory_space<vmem>>) offsets(%arg8 : memref<128xi32, #tpu.memory_space<vmem>>) semaphore(%arg14 : memref<!tpu.dma_semaphore, #tpu.memory_space<semaphore_mem>>)
    %add3A_18 = arith.constant 1 : i32
    %add3A_19 = arith.addi %select_n3A_15, %add3A_18 : i32
    %dma_start3A_20 = arith.constant 0 : i32
    %dma_start3A_21 = tpu.memref_slice %arg4[%add3A_19, %dma_start3A_20] : memref<2560x128xi32, #tpu.memory_space<hbm>> -> memref<1x128xi32, #tpu.memory_space<hbm>>
    %dma_start3A_22 = tpu.memref_squeeze %dma_start3A_21 : memref<1x128xi32, #tpu.memory_space<hbm>> -> memref<128xi32, #tpu.memory_space<hbm>>
    %dma_start3A_23 = arith.constant 0 : i32
    %dma_start3A_24 = tpu.memref_slice %arg4[%add3A_19, %dma_start3A_23] : memref<2560x128xi32, #tpu.memory_space<hbm>> -> memref<1x128xi32, #tpu.memory_space<hbm>>
    %dma_start3A_25 = tpu.memref_squeeze %dma_start3A_24 : memref<1x128xi32, #tpu.memory_space<hbm>> -> memref<128xi32, #tpu.memory_space<hbm>>
    tpu.enqueue_dma source(%dma_start3A_25 : memref<128xi32, #tpu.memory_space<hbm>>) target(%arg10 : memref<128xi32, #tpu.memory_space<vmem>>) target_semaphore(%arg17 : memref<!tpu.dma_semaphore, #tpu.memory_space<semaphore_mem>>)
    %add3A_26 = arith.constant 1 : i32
    %add3A_27 = arith.addi %select_n3A_15, %add3A_26 : i32
    %dma_start3A_28 = arith.constant 0 : i32
    %dma_start3A_29 = tpu.memref_slice %arg5[%add3A_27, %dma_start3A_28] : memref<2560x128xi32, #tpu.memory_space<hbm>> -> memref<1x128xi32, #tpu.memory_space<hbm>>
    %dma_start3A_30 = tpu.memref_squeeze %dma_start3A_29 : memref<1x128xi32, #tpu.memory_space<hbm>> -> memref<128xi32, #tpu.memory_space<hbm>>
    %dma_start3A_31 = arith.constant 0 : i32
    %dma_start3A_32 = tpu.memref_slice %arg5[%add3A_27, %dma_start3A_31] : memref<2560x128xi32, #tpu.memory_space<hbm>> -> memref<1x128xi32, #tpu.memory_space<hbm>>
    %dma_start3A_33 = tpu.memref_squeeze %dma_start3A_32 : memref<1x128xi32, #tpu.memory_space<hbm>> -> memref<128xi32, #tpu.memory_space<hbm>>
    tpu.enqueue_dma source(%dma_start3A_33 : memref<128xi32, #tpu.memory_space<hbm>>) target(%arg11 : memref<128xi32, #tpu.memory_space<vmem>>) target_semaphore(%arg17 : memref<!tpu.dma_semaphore, #tpu.memory_space<semaphore_mem>>)
    %while3A = arith.constant 0 : i32
    %while3A_34 = arith.constant 0 : i32
    %while3A_35 = arith.subi %select_n3A, %while3A_34 : i32
    %while3A_36 = arith.addi %while3A_34, %while3A_35 : i32
    %while3A_37 = arith.constant 1 : i32
    %while3A_38 = arith.divsi %while3A_35, %while3A_37 : i32
    %while3A_39 = arith.muli %while3A_38, %while3A_37 : i32
    %while3A_40 = arith.addi %while3A_34, %while3A_39 : i32
    %while3A_41 = arith.constant 1 : i32
    scf.for %while3A_48 = %while3A_34 to %while3A_40 step %while3A_41  : i32 {
      %jit3A_49 = arith.constant 2 : i32
      %eq3A_50 = arith.constant 0 : i32
      %eq3A_51 = arith.cmpi eq, %jit3A_49, %eq3A_50 : i32
      %jit3A_52 = arith.constant 1 : i32
      %select_n3A_53 = arith.select %eq3A_51, %jit3A_52, %jit3A_49 : i32
      %rem3A = arith.remsi %while3A_48, %select_n3A_53 : i32
      %ne3A_54 = arith.constant 0 : i32
      %ne3A_55 = arith.cmpi ne, %rem3A, %ne3A_54 : i32
      %lt3A = arith.constant 0 : i32
      %lt3A_56 = arith.cmpi slt, %rem3A, %lt3A : i32
      %lt3A_57 = arith.constant 0 : i32
      %lt3A_58 = arith.cmpi slt, %select_n3A_53, %lt3A_57 : i32
      %ne3A_59 = arith.xori %lt3A_56, %lt3A_58 : i1
      %and3A = arith.andi %ne3A_59, %ne3A_55 : i1
      %add3A_60 = arith.addi %rem3A, %select_n3A_53 : i32
      %select_n3A_61 = arith.select %and3A, %add3A_60, %rem3A : i32
      %eq3A_62 = arith.constant 0 : i32
      %eq3A_63 = arith.cmpi eq, %select_n3A_61, %eq3A_62 : i32
      %convert_element_type3A_64 = arith.extui %eq3A_63 : i1 to i32
      %cond3A_65 = arith.constant 0 : i32
      %cond3A_66 = arith.cmpi ne, %convert_element_type3A_64, %cond3A_65 : i32
      scf.if %cond3A_66 {
        %add3A_88 = arith.constant 1 : i32
        %add3A_89 = arith.addi %while3A_48, %add3A_88 : i32
        %lt3A_90 = arith.cmpi slt, %add3A_89, %select_n3A : i32
        %convert_element_type3A_91 = arith.extui %lt3A_90 : i1 to i32
        %cond3A_92 = arith.constant 0 : i32
        %cond3A_93 = arith.cmpi ne, %convert_element_type3A_91, %cond3A_92 : i32
        scf.if %cond3A_93 {
          %add3A_102 = arith.addi %select_n3A_15, %while3A_48 : i32
          %add3A_103 = arith.constant 1 : i32
          %add3A_104 = arith.addi %add3A_102, %add3A_103 : i32
          %dma_wait3A_105 = arith.constant 0 : i32
          %dma_wait3A_106 = tpu.memref_slice %arg4[%add3A_104, %dma_wait3A_105] : memref<2560x128xi32, #tpu.memory_space<hbm>> -> memref<1x128xi32, #tpu.memory_space<hbm>>
          %dma_wait3A_107 = tpu.memref_squeeze %dma_wait3A_106 : memref<1x128xi32, #tpu.memory_space<hbm>> -> memref<128xi32, #tpu.memory_space<hbm>>
          %dma_wait3A_108 = arith.constant 0 : i32
          %dma_wait3A_109 = tpu.memref_slice %arg4[%add3A_104, %dma_wait3A_108] : memref<2560x128xi32, #tpu.memory_space<hbm>> -> memref<1x128xi32, #tpu.memory_space<hbm>>
          %dma_wait3A_110 = tpu.memref_squeeze %dma_wait3A_109 : memref<1x128xi32, #tpu.memory_space<hbm>> -> memref<128xi32, #tpu.memory_space<hbm>>
          tpu.wait_dma2 semaphore(%arg17 : memref<!tpu.dma_semaphore, #tpu.memory_space<semaphore_mem>>) src(%dma_wait3A_110 : memref<128xi32, #tpu.memory_space<hbm>>) dst(%arg10 : memref<128xi32, #tpu.memory_space<vmem>>)
          %add3A_111 = arith.addi %select_n3A_15, %while3A_48 : i32
          %add3A_112 = arith.constant 1 : i32
          %add3A_113 = arith.addi %add3A_111, %add3A_112 : i32
          %dma_wait3A_114 = arith.constant 0 : i32
          %dma_wait3A_115 = tpu.memref_slice %arg5[%add3A_113, %dma_wait3A_114] : memref<2560x128xi32, #tpu.memory_space<hbm>> -> memref<1x128xi32, #tpu.memory_space<hbm>>
          %dma_wait3A_116 = tpu.memref_squeeze %dma_wait3A_115 : memref<1x128xi32, #tpu.memory_space<hbm>> -> memref<128xi32, #tpu.memory_space<hbm>>
          %dma_wait3A_117 = arith.constant 0 : i32
          %dma_wait3A_118 = tpu.memref_slice %arg5[%add3A_113, %dma_wait3A_117] : memref<2560x128xi32, #tpu.memory_space<hbm>> -> memref<1x128xi32, #tpu.memory_space<hbm>>
          %dma_wait3A_119 = tpu.memref_squeeze %dma_wait3A_118 : memref<1x128xi32, #tpu.memory_space<hbm>> -> memref<128xi32, #tpu.memory_space<hbm>>
          tpu.wait_dma2 semaphore(%arg17 : memref<!tpu.dma_semaphore, #tpu.memory_space<semaphore_mem>>) src(%dma_wait3A_119 : memref<128xi32, #tpu.memory_space<hbm>>) dst(%arg11 : memref<128xi32, #tpu.memory_space<vmem>>)
          %dma_start3A_120 = arith.constant 0 : i32
          %dma_start3A_121 = arith.constant 0 : i32
          %dma_start3A_122 = tpu.memref_slice %arg2[%dma_start3A_120, %dma_start3A_121] : memref<10112x128xf32, #tpu.memory_space<hbm>> -> memref<10112x128xf32, #tpu.memory_space<hbm>>
          tpu.enqueue_indirect_dma source(%dma_start3A_122 : memref<10112x128xf32, #tpu.memory_space<hbm>>) target(%arg13 : memref<128x128xf32, #tpu.memory_space<vmem>>) offsets(%arg10 : memref<128xi32, #tpu.memory_space<vmem>>) semaphore(%arg15 : memref<!tpu.dma_semaphore, #tpu.memory_space<semaphore_mem>>)
        } else {
        }
        %dma_wait3A = arith.constant 0 : i32
        %dma_wait3A_94 = arith.constant 0 : i32
        %dma_wait3A_95 = tpu.memref_slice %arg2[%dma_wait3A, %dma_wait3A_94] : memref<10112x128xf32, #tpu.memory_space<hbm>> -> memref<10112x128xf32, #tpu.memory_space<hbm>>
        tpu.wait_indirect_dma semaphore(%arg14 : memref<!tpu.dma_semaphore, #tpu.memory_space<semaphore_mem>>) src(%dma_wait3A_95 : memref<10112x128xf32, #tpu.memory_space<hbm>>) dst(%arg12 : memref<128x128xf32, #tpu.memory_space<vmem>>)
        "tpu.region"() ({
          %run_scoped3A = tpu.sem_alloc : memref<!tpu.dma_semaphore, #tpu.memory_space<semaphore_mem>>
          %dma_start3A_102 = arith.constant 0 : i32
          %dma_start3A_103 = arith.constant 0 : i32
          %dma_start3A_104 = tpu.memref_slice %arg7[%dma_start3A_102, %dma_start3A_103] : memref<10112x128xf32, #tpu.memory_space<vmem_shared>> -> memref<10112x128xf32, #tpu.memory_space<vmem_shared>>
          tpu.enqueue_indirect_dma source(%arg12 : memref<128x128xf32, #tpu.memory_space<vmem>>) target(%dma_start3A_104 : memref<10112x128xf32, #tpu.memory_space<vmem_shared>>) offsets(%arg9 : memref<128xi32, #tpu.memory_space<vmem>>) semaphore(%run_scoped3A : memref<!tpu.dma_semaphore, #tpu.memory_space<semaphore_mem>>) {add = true}
          %dma_wait3A_105 = arith.constant 0 : i32
          %dma_wait3A_106 = arith.constant 0 : i32
          %dma_wait3A_107 = tpu.memref_slice %arg7[%dma_wait3A_105, %dma_wait3A_106] : memref<10112x128xf32, #tpu.memory_space<vmem_shared>> -> memref<10112x128xf32, #tpu.memory_space<vmem_shared>>
          tpu.wait_indirect_dma semaphore(%run_scoped3A : memref<!tpu.dma_semaphore, #tpu.memory_space<semaphore_mem>>) src(%arg12 : memref<128x128xf32, #tpu.memory_space<vmem>>) dst(%dma_wait3A_107 : memref<10112x128xf32, #tpu.memory_space<vmem_shared>>)
          tpu.yield
        }) : () -> ()
        %add3A_96 = arith.constant 2 : i32
        %add3A_97 = arith.addi %while3A_48, %add3A_96 : i32
        %lt3A_98 = arith.cmpi slt, %add3A_97, %select_n3A : i32
        %convert_element_type3A_99 = arith.extui %lt3A_98 : i1 to i32
        %cond3A_100 = arith.constant 0 : i32
        %cond3A_101 = arith.cmpi ne, %convert_element_type3A_99, %cond3A_100 : i32
        scf.if %cond3A_101 {
          %add3A_102 = arith.addi %select_n3A_15, %while3A_48 : i32
          %add3A_103 = arith.constant 2 : i32
          %add3A_104 = arith.addi %add3A_102, %add3A_103 : i32
          %dma_start3A_105 = arith.constant 0 : i32
          %dma_start3A_106 = tpu.memref_slice %arg4[%add3A_104, %dma_start3A_105] : memref<2560x128xi32, #tpu.memory_space<hbm>> -> memref<1x128xi32, #tpu.memory_space<hbm>>
          %dma_start3A_107 = tpu.memref_squeeze %dma_start3A_106 : memref<1x128xi32, #tpu.memory_space<hbm>> -> memref<128xi32, #tpu.memory_space<hbm>>
          %dma_start3A_108 = arith.constant 0 : i32
          %dma_start3A_109 = tpu.memref_slice %arg4[%add3A_104, %dma_start3A_108] : memref<2560x128xi32, #tpu.memory_space<hbm>> -> memref<1x128xi32, #tpu.memory_space<hbm>>
          %dma_start3A_110 = tpu.memref_squeeze %dma_start3A_109 : memref<1x128xi32, #tpu.memory_space<hbm>> -> memref<128xi32, #tpu.memory_space<hbm>>
          tpu.enqueue_dma source(%dma_start3A_110 : memref<128xi32, #tpu.memory_space<hbm>>) target(%arg8 : memref<128xi32, #tpu.memory_space<vmem>>) target_semaphore(%arg16 : memref<!tpu.dma_semaphore, #tpu.memory_space<semaphore_mem>>)
          %add3A_111 = arith.addi %select_n3A_15, %while3A_48 : i32
          %add3A_112 = arith.constant 2 : i32
          %add3A_113 = arith.addi %add3A_111, %add3A_112 : i32
          %dma_start3A_114 = arith.constant 0 : i32
          %dma_start3A_115 = tpu.memref_slice %arg5[%add3A_113, %dma_start3A_114] : memref<2560x128xi32, #tpu.memory_space<hbm>> -> memref<1x128xi32, #tpu.memory_space<hbm>>
          %dma_start3A_116 = tpu.memref_squeeze %dma_start3A_115 : memref<1x128xi32, #tpu.memory_space<hbm>> -> memref<128xi32, #tpu.memory_space<hbm>>
          %dma_start3A_117 = arith.constant 0 : i32
          %dma_start3A_118 = tpu.memref_slice %arg5[%add3A_113, %dma_start3A_117] : memref<2560x128xi32, #tpu.memory_space<hbm>> -> memref<1x128xi32, #tpu.memory_space<hbm>>
          %dma_start3A_119 = tpu.memref_squeeze %dma_start3A_118 : memref<1x128xi32, #tpu.memory_space<hbm>> -> memref<128xi32, #tpu.memory_space<hbm>>
          tpu.enqueue_dma source(%dma_start3A_119 : memref<128xi32, #tpu.memory_space<hbm>>) target(%arg9 : memref<128xi32, #tpu.memory_space<vmem>>) target_semaphore(%arg16 : memref<!tpu.dma_semaphore, #tpu.memory_space<semaphore_mem>>)
        } else {
        }
      } else {
      }
      %jit3A_67 = arith.constant 2 : i32
      %eq3A_68 = arith.constant 0 : i32
      %eq3A_69 = arith.cmpi eq, %jit3A_67, %eq3A_68 : i32
      %jit3A_70 = arith.constant 1 : i32
      %select_n3A_71 = arith.select %eq3A_69, %jit3A_70, %jit3A_67 : i32
      %rem3A_72 = arith.remsi %while3A_48, %select_n3A_71 : i32
      %ne3A_73 = arith.constant 0 : i32
      %ne3A_74 = arith.cmpi ne, %rem3A_72, %ne3A_73 : i32
      %lt3A_75 = arith.constant 0 : i32
      %lt3A_76 = arith.cmpi slt, %rem3A_72, %lt3A_75 : i32
      %lt3A_77 = arith.constant 0 : i32
      %lt3A_78 = arith.cmpi slt, %select_n3A_71, %lt3A_77 : i32
      %ne3A_79 = arith.xori %lt3A_76, %lt3A_78 : i1
      %and3A_80 = arith.andi %ne3A_79, %ne3A_74 : i1
      %add3A_81 = arith.addi %rem3A_72, %select_n3A_71 : i32
      %select_n3A_82 = arith.select %and3A_80, %add3A_81, %rem3A_72 : i32
      %eq3A_83 = arith.constant 1 : i32
      %eq3A_84 = arith.cmpi eq, %select_n3A_82, %eq3A_83 : i32
      %convert_element_type3A_85 = arith.extui %eq3A_84 : i1 to i32
      %cond3A_86 = arith.constant 0 : i32
      %cond3A_87 = arith.cmpi ne, %convert_element_type3A_85, %cond3A_86 : i32
      scf.if %cond3A_87 {
        %add3A_88 = arith.constant 1 : i32
        %add3A_89 = arith.addi %while3A_48, %add3A_88 : i32
        %lt3A_90 = arith.cmpi slt, %add3A_89, %select_n3A : i32
        %convert_element_type3A_91 = arith.extui %lt3A_90 : i1 to i32
        %cond3A_92 = arith.constant 0 : i32
        %cond3A_93 = arith.cmpi ne, %convert_element_type3A_91, %cond3A_92 : i32
        scf.if %cond3A_93 {
          %add3A_102 = arith.addi %select_n3A_15, %while3A_48 : i32
          %add3A_103 = arith.constant 1 : i32
          %add3A_104 = arith.addi %add3A_102, %add3A_103 : i32
          %dma_wait3A_105 = arith.constant 0 : i32
          %dma_wait3A_106 = tpu.memref_slice %arg4[%add3A_104, %dma_wait3A_105] : memref<2560x128xi32, #tpu.memory_space<hbm>> -> memref<1x128xi32, #tpu.memory_space<hbm>>
          %dma_wait3A_107 = tpu.memref_squeeze %dma_wait3A_106 : memref<1x128xi32, #tpu.memory_space<hbm>> -> memref<128xi32, #tpu.memory_space<hbm>>
          %dma_wait3A_108 = arith.constant 0 : i32
          %dma_wait3A_109 = tpu.memref_slice %arg4[%add3A_104, %dma_wait3A_108] : memref<2560x128xi32, #tpu.memory_space<hbm>> -> memref<1x128xi32, #tpu.memory_space<hbm>>
          %dma_wait3A_110 = tpu.memref_squeeze %dma_wait3A_109 : memref<1x128xi32, #tpu.memory_space<hbm>> -> memref<128xi32, #tpu.memory_space<hbm>>
          tpu.wait_dma2 semaphore(%arg16 : memref<!tpu.dma_semaphore, #tpu.memory_space<semaphore_mem>>) src(%dma_wait3A_110 : memref<128xi32, #tpu.memory_space<hbm>>) dst(%arg8 : memref<128xi32, #tpu.memory_space<vmem>>)
          %add3A_111 = arith.addi %select_n3A_15, %while3A_48 : i32
          %add3A_112 = arith.constant 1 : i32
          %add3A_113 = arith.addi %add3A_111, %add3A_112 : i32
          %dma_wait3A_114 = arith.constant 0 : i32
          %dma_wait3A_115 = tpu.memref_slice %arg5[%add3A_113, %dma_wait3A_114] : memref<2560x128xi32, #tpu.memory_space<hbm>> -> memref<1x128xi32, #tpu.memory_space<hbm>>
          %dma_wait3A_116 = tpu.memref_squeeze %dma_wait3A_115 : memref<1x128xi32, #tpu.memory_space<hbm>> -> memref<128xi32, #tpu.memory_space<hbm>>
          %dma_wait3A_117 = arith.constant 0 : i32
          %dma_wait3A_118 = tpu.memref_slice %arg5[%add3A_113, %dma_wait3A_117] : memref<2560x128xi32, #tpu.memory_space<hbm>> -> memref<1x128xi32, #tpu.memory_space<hbm>>
          %dma_wait3A_119 = tpu.memref_squeeze %dma_wait3A_118 : memref<1x128xi32, #tpu.memory_space<hbm>> -> memref<128xi32, #tpu.memory_space<hbm>>
          tpu.wait_dma2 semaphore(%arg16 : memref<!tpu.dma_semaphore, #tpu.memory_space<semaphore_mem>>) src(%dma_wait3A_119 : memref<128xi32, #tpu.memory_space<hbm>>) dst(%arg9 : memref<128xi32, #tpu.memory_space<vmem>>)
          %dma_start3A_120 = arith.constant 0 : i32
          %dma_start3A_121 = arith.constant 0 : i32
          %dma_start3A_122 = tpu.memref_slice %arg2[%dma_start3A_120, %dma_start3A_121] : memref<10112x128xf32, #tpu.memory_space<hbm>> -> memref<10112x128xf32, #tpu.memory_space<hbm>>
          tpu.enqueue_indirect_dma source(%dma_start3A_122 : memref<10112x128xf32, #tpu.memory_space<hbm>>) target(%arg12 : memref<128x128xf32, #tpu.memory_space<vmem>>) offsets(%arg8 : memref<128xi32, #tpu.memory_space<vmem>>) semaphore(%arg14 : memref<!tpu.dma_semaphore, #tpu.memory_space<semaphore_mem>>)
        } else {
        }
        %dma_wait3A = arith.constant 0 : i32
        %dma_wait3A_94 = arith.constant 0 : i32
        %dma_wait3A_95 = tpu.memref_slice %arg2[%dma_wait3A, %dma_wait3A_94] : memref<10112x128xf32, #tpu.memory_space<hbm>> -> memref<10112x128xf32, #tpu.memory_space<hbm>>
        tpu.wait_indirect_dma semaphore(%arg15 : memref<!tpu.dma_semaphore, #tpu.memory_space<semaphore_mem>>) src(%dma_wait3A_95 : memref<10112x128xf32, #tpu.memory_space<hbm>>) dst(%arg13 : memref<128x128xf32, #tpu.memory_space<vmem>>)
        "tpu.region"() ({
          %run_scoped3A = tpu.sem_alloc : memref<!tpu.dma_semaphore, #tpu.memory_space<semaphore_mem>>
          %dma_start3A_102 = arith.constant 0 : i32
          %dma_start3A_103 = arith.constant 0 : i32
          %dma_start3A_104 = tpu.memref_slice %arg7[%dma_start3A_102, %dma_start3A_103] : memref<10112x128xf32, #tpu.memory_space<vmem_shared>> -> memref<10112x128xf32, #tpu.memory_space<vmem_shared>>
          tpu.enqueue_indirect_dma source(%arg13 : memref<128x128xf32, #tpu.memory_space<vmem>>) target(%dma_start3A_104 : memref<10112x128xf32, #tpu.memory_space<vmem_shared>>) offsets(%arg11 : memref<128xi32, #tpu.memory_space<vmem>>) semaphore(%run_scoped3A : memref<!tpu.dma_semaphore, #tpu.memory_space<semaphore_mem>>) {add = true}
          %dma_wait3A_105 = arith.constant 0 : i32
          %dma_wait3A_106 = arith.constant 0 : i32
          %dma_wait3A_107 = tpu.memref_slice %arg7[%dma_wait3A_105, %dma_wait3A_106] : memref<10112x128xf32, #tpu.memory_space<vmem_shared>> -> memref<10112x128xf32, #tpu.memory_space<vmem_shared>>
          tpu.wait_indirect_dma semaphore(%run_scoped3A : memref<!tpu.dma_semaphore, #tpu.memory_space<semaphore_mem>>) src(%arg13 : memref<128x128xf32, #tpu.memory_space<vmem>>) dst(%dma_wait3A_107 : memref<10112x128xf32, #tpu.memory_space<vmem_shared>>)
          tpu.yield
        }) : () -> ()
        %add3A_96 = arith.constant 2 : i32
        %add3A_97 = arith.addi %while3A_48, %add3A_96 : i32
        %lt3A_98 = arith.cmpi slt, %add3A_97, %select_n3A : i32
        %convert_element_type3A_99 = arith.extui %lt3A_98 : i1 to i32
        %cond3A_100 = arith.constant 0 : i32
        %cond3A_101 = arith.cmpi ne, %convert_element_type3A_99, %cond3A_100 : i32
        scf.if %cond3A_101 {
          %add3A_102 = arith.addi %select_n3A_15, %while3A_48 : i32
          %add3A_103 = arith.constant 2 : i32
          %add3A_104 = arith.addi %add3A_102, %add3A_103 : i32
          %dma_start3A_105 = arith.constant 0 : i32
          %dma_start3A_106 = tpu.memref_slice %arg4[%add3A_104, %dma_start3A_105] : memref<2560x128xi32, #tpu.memory_space<hbm>> -> memref<1x128xi32, #tpu.memory_space<hbm>>
          %dma_start3A_107 = tpu.memref_squeeze %dma_start3A_106 : memref<1x128xi32, #tpu.memory_space<hbm>> -> memref<128xi32, #tpu.memory_space<hbm>>
          %dma_start3A_108 = arith.constant 0 : i32
          %dma_start3A_109 = tpu.memref_slice %arg4[%add3A_104, %dma_start3A_108] : memref<2560x128xi32, #tpu.memory_space<hbm>> -> memref<1x128xi32, #tpu.memory_space<hbm>>
          %dma_start3A_110 = tpu.memref_squeeze %dma_start3A_109 : memref<1x128xi32, #tpu.memory_space<hbm>> -> memref<128xi32, #tpu.memory_space<hbm>>
          tpu.enqueue_dma source(%dma_start3A_110 : memref<128xi32, #tpu.memory_space<hbm>>) target(%arg10 : memref<128xi32, #tpu.memory_space<vmem>>) target_semaphore(%arg17 : memref<!tpu.dma_semaphore, #tpu.memory_space<semaphore_mem>>)
          %add3A_111 = arith.addi %select_n3A_15, %while3A_48 : i32
          %add3A_112 = arith.constant 2 : i32
          %add3A_113 = arith.addi %add3A_111, %add3A_112 : i32
          %dma_start3A_114 = arith.constant 0 : i32
          %dma_start3A_115 = tpu.memref_slice %arg5[%add3A_113, %dma_start3A_114] : memref<2560x128xi32, #tpu.memory_space<hbm>> -> memref<1x128xi32, #tpu.memory_space<hbm>>
          %dma_start3A_116 = tpu.memref_squeeze %dma_start3A_115 : memref<1x128xi32, #tpu.memory_space<hbm>> -> memref<128xi32, #tpu.memory_space<hbm>>
          %dma_start3A_117 = arith.constant 0 : i32
          %dma_start3A_118 = tpu.memref_slice %arg5[%add3A_113, %dma_start3A_117] : memref<2560x128xi32, #tpu.memory_space<hbm>> -> memref<1x128xi32, #tpu.memory_space<hbm>>
          %dma_start3A_119 = tpu.memref_squeeze %dma_start3A_118 : memref<1x128xi32, #tpu.memory_space<hbm>> -> memref<128xi32, #tpu.memory_space<hbm>>
          tpu.enqueue_dma source(%dma_start3A_119 : memref<128xi32, #tpu.memory_space<hbm>>) target(%arg11 : memref<128xi32, #tpu.memory_space<vmem>>) target_semaphore(%arg17 : memref<!tpu.dma_semaphore, #tpu.memory_space<semaphore_mem>>)
        } else {
        }
      } else {
      }
    }
    %while3A_42 = arith.constant 1 : i32
    scf.for %while3A_48 = %while3A_40 to %while3A_36 step %while3A_42  : i32 {
      %jit3A_49 = arith.constant 2 : i32
      %eq3A_50 = arith.constant 0 : i32
      %eq3A_51 = arith.cmpi eq, %jit3A_49, %eq3A_50 : i32
      %jit3A_52 = arith.constant 1 : i32
      %select_n3A_53 = arith.select %eq3A_51, %jit3A_52, %jit3A_49 : i32
      %rem3A = arith.remsi %while3A_48, %select_n3A_53 : i32
      %ne3A_54 = arith.constant 0 : i32
      %ne3A_55 = arith.cmpi ne, %rem3A, %ne3A_54 : i32
      %lt3A = arith.constant 0 : i32
      %lt3A_56 = arith.cmpi slt, %rem3A, %lt3A : i32
      %lt3A_57 = arith.constant 0 : i32
      %lt3A_58 = arith.cmpi slt, %select_n3A_53, %lt3A_57 : i32
      %ne3A_59 = arith.xori %lt3A_56, %lt3A_58 : i1
      %and3A = arith.andi %ne3A_59, %ne3A_55 : i1
      %add3A_60 = arith.addi %rem3A, %select_n3A_53 : i32
      %select_n3A_61 = arith.select %and3A, %add3A_60, %rem3A : i32
      %eq3A_62 = arith.constant 0 : i32
      %eq3A_63 = arith.cmpi eq, %select_n3A_61, %eq3A_62 : i32
      %convert_element_type3A_64 = arith.extui %eq3A_63 : i1 to i32
      %cond3A_65 = arith.constant 0 : i32
      %cond3A_66 = arith.cmpi ne, %convert_element_type3A_64, %cond3A_65 : i32
      scf.if %cond3A_66 {
        %add3A_88 = arith.constant 1 : i32
        %add3A_89 = arith.addi %while3A_48, %add3A_88 : i32
        %lt3A_90 = arith.cmpi slt, %add3A_89, %select_n3A : i32
        %convert_element_type3A_91 = arith.extui %lt3A_90 : i1 to i32
        %cond3A_92 = arith.constant 0 : i32
        %cond3A_93 = arith.cmpi ne, %convert_element_type3A_91, %cond3A_92 : i32
        scf.if %cond3A_93 {
          %add3A_102 = arith.addi %select_n3A_15, %while3A_48 : i32
          %add3A_103 = arith.constant 1 : i32
          %add3A_104 = arith.addi %add3A_102, %add3A_103 : i32
          %dma_wait3A_105 = arith.constant 0 : i32
          %dma_wait3A_106 = tpu.memref_slice %arg4[%add3A_104, %dma_wait3A_105] : memref<2560x128xi32, #tpu.memory_space<hbm>> -> memref<1x128xi32, #tpu.memory_space<hbm>>
          %dma_wait3A_107 = tpu.memref_squeeze %dma_wait3A_106 : memref<1x128xi32, #tpu.memory_space<hbm>> -> memref<128xi32, #tpu.memory_space<hbm>>
          %dma_wait3A_108 = arith.constant 0 : i32
          %dma_wait3A_109 = tpu.memref_slice %arg4[%add3A_104, %dma_wait3A_108] : memref<2560x128xi32, #tpu.memory_space<hbm>> -> memref<1x128xi32, #tpu.memory_space<hbm>>
          %dma_wait3A_110 = tpu.memref_squeeze %dma_wait3A_109 : memref<1x128xi32, #tpu.memory_space<hbm>> -> memref<128xi32, #tpu.memory_space<hbm>>
          tpu.wait_dma2 semaphore(%arg17 : memref<!tpu.dma_semaphore, #tpu.memory_space<semaphore_mem>>) src(%dma_wait3A_110 : memref<128xi32, #tpu.memory_space<hbm>>) dst(%arg10 : memref<128xi32, #tpu.memory_space<vmem>>)
          %add3A_111 = arith.addi %select_n3A_15, %while3A_48 : i32
          %add3A_112 = arith.constant 1 : i32
          %add3A_113 = arith.addi %add3A_111, %add3A_112 : i32
          %dma_wait3A_114 = arith.constant 0 : i32
          %dma_wait3A_115 = tpu.memref_slice %arg5[%add3A_113, %dma_wait3A_114] : memref<2560x128xi32, #tpu.memory_space<hbm>> -> memref<1x128xi32, #tpu.memory_space<hbm>>
          %dma_wait3A_116 = tpu.memref_squeeze %dma_wait3A_115 : memref<1x128xi32, #tpu.memory_space<hbm>> -> memref<128xi32, #tpu.memory_space<hbm>>
          %dma_wait3A_117 = arith.constant 0 : i32
          %dma_wait3A_118 = tpu.memref_slice %arg5[%add3A_113, %dma_wait3A_117] : memref<2560x128xi32, #tpu.memory_space<hbm>> -> memref<1x128xi32, #tpu.memory_space<hbm>>
          %dma_wait3A_119 = tpu.memref_squeeze %dma_wait3A_118 : memref<1x128xi32, #tpu.memory_space<hbm>> -> memref<128xi32, #tpu.memory_space<hbm>>
          tpu.wait_dma2 semaphore(%arg17 : memref<!tpu.dma_semaphore, #tpu.memory_space<semaphore_mem>>) src(%dma_wait3A_119 : memref<128xi32, #tpu.memory_space<hbm>>) dst(%arg11 : memref<128xi32, #tpu.memory_space<vmem>>)
          %dma_start3A_120 = arith.constant 0 : i32
          %dma_start3A_121 = arith.constant 0 : i32
          %dma_start3A_122 = tpu.memref_slice %arg2[%dma_start3A_120, %dma_start3A_121] : memref<10112x128xf32, #tpu.memory_space<hbm>> -> memref<10112x128xf32, #tpu.memory_space<hbm>>
          tpu.enqueue_indirect_dma source(%dma_start3A_122 : memref<10112x128xf32, #tpu.memory_space<hbm>>) target(%arg13 : memref<128x128xf32, #tpu.memory_space<vmem>>) offsets(%arg10 : memref<128xi32, #tpu.memory_space<vmem>>) semaphore(%arg15 : memref<!tpu.dma_semaphore, #tpu.memory_space<semaphore_mem>>)
        } else {
        }
        %dma_wait3A = arith.constant 0 : i32
        %dma_wait3A_94 = arith.constant 0 : i32
        %dma_wait3A_95 = tpu.memref_slice %arg2[%dma_wait3A, %dma_wait3A_94] : memref<10112x128xf32, #tpu.memory_space<hbm>> -> memref<10112x128xf32, #tpu.memory_space<hbm>>
        tpu.wait_indirect_dma semaphore(%arg14 : memref<!tpu.dma_semaphore, #tpu.memory_space<semaphore_mem>>) src(%dma_wait3A_95 : memref<10112x128xf32, #tpu.memory_space<hbm>>) dst(%arg12 : memref<128x128xf32, #tpu.memory_space<vmem>>)
        "tpu.region"() ({
          %run_scoped3A = tpu.sem_alloc : memref<!tpu.dma_semaphore, #tpu.memory_space<semaphore_mem>>
          %dma_start3A_102 = arith.constant 0 : i32
          %dma_start3A_103 = arith.constant 0 : i32
          %dma_start3A_104 = tpu.memref_slice %arg7[%dma_start3A_102, %dma_start3A_103] : memref<10112x128xf32, #tpu.memory_space<vmem_shared>> -> memref<10112x128xf32, #tpu.memory_space<vmem_shared>>
          tpu.enqueue_indirect_dma source(%arg12 : memref<128x128xf32, #tpu.memory_space<vmem>>) target(%dma_start3A_104 : memref<10112x128xf32, #tpu.memory_space<vmem_shared>>) offsets(%arg9 : memref<128xi32, #tpu.memory_space<vmem>>) semaphore(%run_scoped3A : memref<!tpu.dma_semaphore, #tpu.memory_space<semaphore_mem>>) {add = true}
          %dma_wait3A_105 = arith.constant 0 : i32
          %dma_wait3A_106 = arith.constant 0 : i32
          %dma_wait3A_107 = tpu.memref_slice %arg7[%dma_wait3A_105, %dma_wait3A_106] : memref<10112x128xf32, #tpu.memory_space<vmem_shared>> -> memref<10112x128xf32, #tpu.memory_space<vmem_shared>>
          tpu.wait_indirect_dma semaphore(%run_scoped3A : memref<!tpu.dma_semaphore, #tpu.memory_space<semaphore_mem>>) src(%arg12 : memref<128x128xf32, #tpu.memory_space<vmem>>) dst(%dma_wait3A_107 : memref<10112x128xf32, #tpu.memory_space<vmem_shared>>)
          tpu.yield
        }) : () -> ()
        %add3A_96 = arith.constant 2 : i32
        %add3A_97 = arith.addi %while3A_48, %add3A_96 : i32
        %lt3A_98 = arith.cmpi slt, %add3A_97, %select_n3A : i32
        %convert_element_type3A_99 = arith.extui %lt3A_98 : i1 to i32
        %cond3A_100 = arith.constant 0 : i32
        %cond3A_101 = arith.cmpi ne, %convert_element_type3A_99, %cond3A_100 : i32
        scf.if %cond3A_101 {
          %add3A_102 = arith.addi %select_n3A_15, %while3A_48 : i32
          %add3A_103 = arith.constant 2 : i32
          %add3A_104 = arith.addi %add3A_102, %add3A_103 : i32
          %dma_start3A_105 = arith.constant 0 : i32
          %dma_start3A_106 = tpu.memref_slice %arg4[%add3A_104, %dma_start3A_105] : memref<2560x128xi32, #tpu.memory_space<hbm>> -> memref<1x128xi32, #tpu.memory_space<hbm>>
          %dma_start3A_107 = tpu.memref_squeeze %dma_start3A_106 : memref<1x128xi32, #tpu.memory_space<hbm>> -> memref<128xi32, #tpu.memory_space<hbm>>
          %dma_start3A_108 = arith.constant 0 : i32
          %dma_start3A_109 = tpu.memref_slice %arg4[%add3A_104, %dma_start3A_108] : memref<2560x128xi32, #tpu.memory_space<hbm>> -> memref<1x128xi32, #tpu.memory_space<hbm>>
          %dma_start3A_110 = tpu.memref_squeeze %dma_start3A_109 : memref<1x128xi32, #tpu.memory_space<hbm>> -> memref<128xi32, #tpu.memory_space<hbm>>
          tpu.enqueue_dma source(%dma_start3A_110 : memref<128xi32, #tpu.memory_space<hbm>>) target(%arg8 : memref<128xi32, #tpu.memory_space<vmem>>) target_semaphore(%arg16 : memref<!tpu.dma_semaphore, #tpu.memory_space<semaphore_mem>>)
          %add3A_111 = arith.addi %select_n3A_15, %while3A_48 : i32
          %add3A_112 = arith.constant 2 : i32
          %add3A_113 = arith.addi %add3A_111, %add3A_112 : i32
          %dma_start3A_114 = arith.constant 0 : i32
          %dma_start3A_115 = tpu.memref_slice %arg5[%add3A_113, %dma_start3A_114] : memref<2560x128xi32, #tpu.memory_space<hbm>> -> memref<1x128xi32, #tpu.memory_space<hbm>>
          %dma_start3A_116 = tpu.memref_squeeze %dma_start3A_115 : memref<1x128xi32, #tpu.memory_space<hbm>> -> memref<128xi32, #tpu.memory_space<hbm>>
          %dma_start3A_117 = arith.constant 0 : i32
          %dma_start3A_118 = tpu.memref_slice %arg5[%add3A_113, %dma_start3A_117] : memref<2560x128xi32, #tpu.memory_space<hbm>> -> memref<1x128xi32, #tpu.memory_space<hbm>>
          %dma_start3A_119 = tpu.memref_squeeze %dma_start3A_118 : memref<1x128xi32, #tpu.memory_space<hbm>> -> memref<128xi32, #tpu.memory_space<hbm>>
          tpu.enqueue_dma source(%dma_start3A_119 : memref<128xi32, #tpu.memory_space<hbm>>) target(%arg9 : memref<128xi32, #tpu.memory_space<vmem>>) target_semaphore(%arg16 : memref<!tpu.dma_semaphore, #tpu.memory_space<semaphore_mem>>)
        } else {
        }
      } else {
      }
      %jit3A_67 = arith.constant 2 : i32
      %eq3A_68 = arith.constant 0 : i32
      %eq3A_69 = arith.cmpi eq, %jit3A_67, %eq3A_68 : i32
      %jit3A_70 = arith.constant 1 : i32
      %select_n3A_71 = arith.select %eq3A_69, %jit3A_70, %jit3A_67 : i32
      %rem3A_72 = arith.remsi %while3A_48, %select_n3A_71 : i32
      %ne3A_73 = arith.constant 0 : i32
      %ne3A_74 = arith.cmpi ne, %rem3A_72, %ne3A_73 : i32
      %lt3A_75 = arith.constant 0 : i32
      %lt3A_76 = arith.cmpi slt, %rem3A_72, %lt3A_75 : i32
      %lt3A_77 = arith.constant 0 : i32
      %lt3A_78 = arith.cmpi slt, %select_n3A_71, %lt3A_77 : i32
      %ne3A_79 = arith.xori %lt3A_76, %lt3A_78 : i1
      %and3A_80 = arith.andi %ne3A_79, %ne3A_74 : i1
      %add3A_81 = arith.addi %rem3A_72, %select_n3A_71 : i32
      %select_n3A_82 = arith.select %and3A_80, %add3A_81, %rem3A_72 : i32
      %eq3A_83 = arith.constant 1 : i32
      %eq3A_84 = arith.cmpi eq, %select_n3A_82, %eq3A_83 : i32
      %convert_element_type3A_85 = arith.extui %eq3A_84 : i1 to i32
      %cond3A_86 = arith.constant 0 : i32
      %cond3A_87 = arith.cmpi ne, %convert_element_type3A_85, %cond3A_86 : i32
      scf.if %cond3A_87 {
        %add3A_88 = arith.constant 1 : i32
        %add3A_89 = arith.addi %while3A_48, %add3A_88 : i32
        %lt3A_90 = arith.cmpi slt, %add3A_89, %select_n3A : i32
        %convert_element_type3A_91 = arith.extui %lt3A_90 : i1 to i32
        %cond3A_92 = arith.constant 0 : i32
        %cond3A_93 = arith.cmpi ne, %convert_element_type3A_91, %cond3A_92 : i32
        scf.if %cond3A_93 {
          %add3A_102 = arith.addi %select_n3A_15, %while3A_48 : i32
          %add3A_103 = arith.constant 1 : i32
          %add3A_104 = arith.addi %add3A_102, %add3A_103 : i32
          %dma_wait3A_105 = arith.constant 0 : i32
          %dma_wait3A_106 = tpu.memref_slice %arg4[%add3A_104, %dma_wait3A_105] : memref<2560x128xi32, #tpu.memory_space<hbm>> -> memref<1x128xi32, #tpu.memory_space<hbm>>
          %dma_wait3A_107 = tpu.memref_squeeze %dma_wait3A_106 : memref<1x128xi32, #tpu.memory_space<hbm>> -> memref<128xi32, #tpu.memory_space<hbm>>
          %dma_wait3A_108 = arith.constant 0 : i32
          %dma_wait3A_109 = tpu.memref_slice %arg4[%add3A_104, %dma_wait3A_108] : memref<2560x128xi32, #tpu.memory_space<hbm>> -> memref<1x128xi32, #tpu.memory_space<hbm>>
          %dma_wait3A_110 = tpu.memref_squeeze %dma_wait3A_109 : memref<1x128xi32, #tpu.memory_space<hbm>> -> memref<128xi32, #tpu.memory_space<hbm>>
          tpu.wait_dma2 semaphore(%arg16 : memref<!tpu.dma_semaphore, #tpu.memory_space<semaphore_mem>>) src(%dma_wait3A_110 : memref<128xi32, #tpu.memory_space<hbm>>) dst(%arg8 : memref<128xi32, #tpu.memory_space<vmem>>)
          %add3A_111 = arith.addi %select_n3A_15, %while3A_48 : i32
          %add3A_112 = arith.constant 1 : i32
          %add3A_113 = arith.addi %add3A_111, %add3A_112 : i32
          %dma_wait3A_114 = arith.constant 0 : i32
          %dma_wait3A_115 = tpu.memref_slice %arg5[%add3A_113, %dma_wait3A_114] : memref<2560x128xi32, #tpu.memory_space<hbm>> -> memref<1x128xi32, #tpu.memory_space<hbm>>
          %dma_wait3A_116 = tpu.memref_squeeze %dma_wait3A_115 : memref<1x128xi32, #tpu.memory_space<hbm>> -> memref<128xi32, #tpu.memory_space<hbm>>
          %dma_wait3A_117 = arith.constant 0 : i32
          %dma_wait3A_118 = tpu.memref_slice %arg5[%add3A_113, %dma_wait3A_117] : memref<2560x128xi32, #tpu.memory_space<hbm>> -> memref<1x128xi32, #tpu.memory_space<hbm>>
          %dma_wait3A_119 = tpu.memref_squeeze %dma_wait3A_118 : memref<1x128xi32, #tpu.memory_space<hbm>> -> memref<128xi32, #tpu.memory_space<hbm>>
          tpu.wait_dma2 semaphore(%arg16 : memref<!tpu.dma_semaphore, #tpu.memory_space<semaphore_mem>>) src(%dma_wait3A_119 : memref<128xi32, #tpu.memory_space<hbm>>) dst(%arg9 : memref<128xi32, #tpu.memory_space<vmem>>)
          %dma_start3A_120 = arith.constant 0 : i32
          %dma_start3A_121 = arith.constant 0 : i32
          %dma_start3A_122 = tpu.memref_slice %arg2[%dma_start3A_120, %dma_start3A_121] : memref<10112x128xf32, #tpu.memory_space<hbm>> -> memref<10112x128xf32, #tpu.memory_space<hbm>>
          tpu.enqueue_indirect_dma source(%dma_start3A_122 : memref<10112x128xf32, #tpu.memory_space<hbm>>) target(%arg12 : memref<128x128xf32, #tpu.memory_space<vmem>>) offsets(%arg8 : memref<128xi32, #tpu.memory_space<vmem>>) semaphore(%arg14 : memref<!tpu.dma_semaphore, #tpu.memory_space<semaphore_mem>>)
        } else {
        }
        %dma_wait3A = arith.constant 0 : i32
        %dma_wait3A_94 = arith.constant 0 : i32
        %dma_wait3A_95 = tpu.memref_slice %arg2[%dma_wait3A, %dma_wait3A_94] : memref<10112x128xf32, #tpu.memory_space<hbm>> -> memref<10112x128xf32, #tpu.memory_space<hbm>>
        tpu.wait_indirect_dma semaphore(%arg15 : memref<!tpu.dma_semaphore, #tpu.memory_space<semaphore_mem>>) src(%dma_wait3A_95 : memref<10112x128xf32, #tpu.memory_space<hbm>>) dst(%arg13 : memref<128x128xf32, #tpu.memory_space<vmem>>)
        "tpu.region"() ({
          %run_scoped3A = tpu.sem_alloc : memref<!tpu.dma_semaphore, #tpu.memory_space<semaphore_mem>>
          %dma_start3A_102 = arith.constant 0 : i32
          %dma_start3A_103 = arith.constant 0 : i32
          %dma_start3A_104 = tpu.memref_slice %arg7[%dma_start3A_102, %dma_start3A_103] : memref<10112x128xf32, #tpu.memory_space<vmem_shared>> -> memref<10112x128xf32, #tpu.memory_space<vmem_shared>>
          tpu.enqueue_indirect_dma source(%arg13 : memref<128x128xf32, #tpu.memory_space<vmem>>) target(%dma_start3A_104 : memref<10112x128xf32, #tpu.memory_space<vmem_shared>>) offsets(%arg11 : memref<128xi32, #tpu.memory_space<vmem>>) semaphore(%run_scoped3A : memref<!tpu.dma_semaphore, #tpu.memory_space<semaphore_mem>>) {add = true}
          %dma_wait3A_105 = arith.constant 0 : i32
          %dma_wait3A_106 = arith.constant 0 : i32
          %dma_wait3A_107 = tpu.memref_slice %arg7[%dma_wait3A_105, %dma_wait3A_106] : memref<10112x128xf32, #tpu.memory_space<vmem_shared>> -> memref<10112x128xf32, #tpu.memory_space<vmem_shared>>
          tpu.wait_indirect_dma semaphore(%run_scoped3A : memref<!tpu.dma_semaphore, #tpu.memory_space<semaphore_mem>>) src(%arg13 : memref<128x128xf32, #tpu.memory_space<vmem>>) dst(%dma_wait3A_107 : memref<10112x128xf32, #tpu.memory_space<vmem_shared>>)
          tpu.yield
        }) : () -> ()
        %add3A_96 = arith.constant 2 : i32
        %add3A_97 = arith.addi %while3A_48, %add3A_96 : i32
        %lt3A_98 = arith.cmpi slt, %add3A_97, %select_n3A : i32
        %convert_element_type3A_99 = arith.extui %lt3A_98 : i1 to i32
        %cond3A_100 = arith.constant 0 : i32
        %cond3A_101 = arith.cmpi ne, %convert_element_type3A_99, %cond3A_100 : i32
        scf.if %cond3A_101 {
          %add3A_102 = arith.addi %select_n3A_15, %while3A_48 : i32
          %add3A_103 = arith.constant 2 : i32
          %add3A_104 = arith.addi %add3A_102, %add3A_103 : i32
          %dma_start3A_105 = arith.constant 0 : i32
          %dma_start3A_106 = tpu.memref_slice %arg4[%add3A_104, %dma_start3A_105] : memref<2560x128xi32, #tpu.memory_space<hbm>> -> memref<1x128xi32, #tpu.memory_space<hbm>>
          %dma_start3A_107 = tpu.memref_squeeze %dma_start3A_106 : memref<1x128xi32, #tpu.memory_space<hbm>> -> memref<128xi32, #tpu.memory_space<hbm>>
          %dma_start3A_108 = arith.constant 0 : i32
          %dma_start3A_109 = tpu.memref_slice %arg4[%add3A_104, %dma_start3A_108] : memref<2560x128xi32, #tpu.memory_space<hbm>> -> memref<1x128xi32, #tpu.memory_space<hbm>>
          %dma_start3A_110 = tpu.memref_squeeze %dma_start3A_109 : memref<1x128xi32, #tpu.memory_space<hbm>> -> memref<128xi32, #tpu.memory_space<hbm>>
          tpu.enqueue_dma source(%dma_start3A_110 : memref<128xi32, #tpu.memory_space<hbm>>) target(%arg10 : memref<128xi32, #tpu.memory_space<vmem>>) target_semaphore(%arg17 : memref<!tpu.dma_semaphore, #tpu.memory_space<semaphore_mem>>)
          %add3A_111 = arith.addi %select_n3A_15, %while3A_48 : i32
          %add3A_112 = arith.constant 2 : i32
          %add3A_113 = arith.addi %add3A_111, %add3A_112 : i32
          %dma_start3A_114 = arith.constant 0 : i32
          %dma_start3A_115 = tpu.memref_slice %arg5[%add3A_113, %dma_start3A_114] : memref<2560x128xi32, #tpu.memory_space<hbm>> -> memref<1x128xi32, #tpu.memory_space<hbm>>
          %dma_start3A_116 = tpu.memref_squeeze %dma_start3A_115 : memref<1x128xi32, #tpu.memory_space<hbm>> -> memref<128xi32, #tpu.memory_space<hbm>>
          %dma_start3A_117 = arith.constant 0 : i32
          %dma_start3A_118 = tpu.memref_slice %arg5[%add3A_113, %dma_start3A_117] : memref<2560x128xi32, #tpu.memory_space<hbm>> -> memref<1x128xi32, #tpu.memory_space<hbm>>
          %dma_start3A_119 = tpu.memref_squeeze %dma_start3A_118 : memref<1x128xi32, #tpu.memory_space<hbm>> -> memref<128xi32, #tpu.memory_space<hbm>>
          tpu.enqueue_dma source(%dma_start3A_119 : memref<128xi32, #tpu.memory_space<hbm>>) target(%arg11 : memref<128xi32, #tpu.memory_space<vmem>>) target_semaphore(%arg17 : memref<!tpu.dma_semaphore, #tpu.memory_space<semaphore_mem>>)
        } else {
        }
      } else {
      }
    }
    %barrier3A_43 = arith.constant 0 : index
    tpu.barrier barrier_id(%barrier3A_43)
    %mul3A_44 = arith.constant 632 : i32
    %mul3A_45 = arith.muli %arg1, %mul3A_44 : i32
    %mul3A_46 = arith.constant 632 : i32
    %mul3A_47 = arith.muli %arg1, %mul3A_46 : i32
    "tpu.region"() ({
      %run_scoped3A = tpu.sem_alloc : memref<!tpu.dma_semaphore, #tpu.memory_space<semaphore_mem>>
      %dma_start3A_48 = arith.constant 0 : i32
      %dma_start3A_49 = tpu.memref_slice %arg6[%arg0, %mul3A_47, %dma_start3A_48] : memref<2x10112x128xf32, #tpu.memory_space<hbm>> -> memref<1x632x128xf32, #tpu.memory_space<hbm>>
      %dma_start3A_50 = tpu.memref_squeeze %dma_start3A_49 : memref<1x632x128xf32, #tpu.memory_space<hbm>> -> memref<632x128xf32, #tpu.memory_space<hbm>>
      %dma_start3A_51 = arith.constant 0 : i32
      %dma_start3A_52 = tpu.memref_slice %arg7[%mul3A_45, %dma_start3A_51] : memref<10112x128xf32, #tpu.memory_space<vmem_shared>> -> memref<632x128xf32, #tpu.memory_space<vmem_shared>>
      tpu.enqueue_dma source(%dma_start3A_52 : memref<632x128xf32, #tpu.memory_space<vmem_shared>>) target(%dma_start3A_50 : memref<632x128xf32, #tpu.memory_space<hbm>>) target_semaphore(%run_scoped3A : memref<!tpu.dma_semaphore, #tpu.memory_space<semaphore_mem>>)
      %dma_wait3A = arith.constant 0 : i32
      %dma_wait3A_53 = tpu.memref_slice %arg6[%arg0, %mul3A_47, %dma_wait3A] : memref<2x10112x128xf32, #tpu.memory_space<hbm>> -> memref<1x632x128xf32, #tpu.memory_space<hbm>>
      %dma_wait3A_54 = tpu.memref_squeeze %dma_wait3A_53 : memref<1x632x128xf32, #tpu.memory_space<hbm>> -> memref<632x128xf32, #tpu.memory_space<hbm>>
      %dma_wait3A_55 = arith.constant 0 : i32
      %dma_wait3A_56 = tpu.memref_slice %arg7[%mul3A_45, %dma_wait3A_55] : memref<10112x128xf32, #tpu.memory_space<vmem_shared>> -> memref<632x128xf32, #tpu.memory_space<vmem_shared>>
      tpu.wait_dma2 semaphore(%run_scoped3A : memref<!tpu.dma_semaphore, #tpu.memory_space<semaphore_mem>>) src(%dma_wait3A_56 : memref<632x128xf32, #tpu.memory_space<vmem_shared>>) dst(%dma_wait3A_54 : memref<632x128xf32, #tpu.memory_space<hbm>>)
      tpu.yield
    }) : () -> ()
    return
  }
}

#map = affine_map<(d0, d1) -> (0, 0)>
#map1 = affine_map<(d0, d1) -> (0, 0, 0)>
module attributes {stable_mosaic.version = 14 : i64} {
  func.func @_prop_body(%arg0: i32, %arg1: i32, %arg2: memref<10112x128xf32, #tpu.memory_space<hbm>>, %arg3: memref<10112x128xf32, #tpu.memory_space<hbm>>, %arg4: memref<2560x128xi32, #tpu.memory_space<hbm>>, %arg5: memref<2560x128xi32, #tpu.memory_space<hbm>>, %arg6: memref<2x10112x128xf32, #tpu.memory_space<hbm>>, %arg7: memref<10112x128xf32, #tpu.memory_space<vmem_shared>>, %arg8: memref<128xi32, #tpu.memory_space<vmem>>, %arg9: memref<128xi32, #tpu.memory_space<vmem>>, %arg10: memref<128xi32, #tpu.memory_space<vmem>>, %arg11: memref<128xi32, #tpu.memory_space<vmem>>, %arg12: memref<128x128xf32, #tpu.memory_space<vmem>>, %arg13: memref<128x128xf32, #tpu.memory_space<vmem>>, %arg14: memref<!tpu.dma_semaphore, #tpu.memory_space<semaphore_mem>>, %arg15: memref<!tpu.dma_semaphore, #tpu.memory_space<semaphore_mem>>, %arg16: memref<!tpu.dma_semaphore, #tpu.memory_space<semaphore_mem>>, %arg17: memref<!tpu.dma_semaphore, #tpu.memory_space<semaphore_mem>>) attributes {dimension_semantics = [#tpu.dimension_semantics<core_parallel>, #tpu.dimension_semantics<subcore_parallel>], iteration_bounds = array<i64: 2, 16>, scalar_prefetch = 0 : i64, scratch_operands = 11 : i64, tpu.core_type = #tpu.core_type<sc_vector_subcore>, window_params = [{transform_indices = #map}, {transform_indices = #map}, {transform_indices = #map}, {transform_indices = #map}, {transform_indices = #map1}]} {
    %eq3A = arith.constant 0 : i32
    %eq3A_0 = arith.cmpi eq, %arg0, %eq3A : i32
    %convert_element_type3A = arith.extui %eq3A_0 : i1 to i32
    %cond3A = arith.constant 0 : i32
    %cond3A_1 = arith.cmpi ne, %convert_element_type3A, %cond3A : i32
    scf.if %cond3A_1 {
      %mul3A_48 = arith.constant 632 : i32
      %mul3A_49 = arith.muli %arg1, %mul3A_48 : i32
      %mul3A_50 = arith.constant 632 : i32
      %mul3A_51 = arith.muli %arg1, %mul3A_50 : i32
      "tpu.region"() ({
        %run_scoped3A = tpu.sem_alloc : memref<!tpu.dma_semaphore, #tpu.memory_space<semaphore_mem>>
        %dma_start3A_52 = arith.constant 0 : i32
        %dma_start3A_53 = tpu.memref_slice %arg7[%mul3A_51, %dma_start3A_52] : memref<10112x128xf32, #tpu.memory_space<vmem_shared>> -> memref<632x128xf32, #tpu.memory_space<vmem_shared>>
        %dma_start3A_54 = arith.constant 0 : i32
        %dma_start3A_55 = tpu.memref_slice %arg2[%mul3A_49, %dma_start3A_54] : memref<10112x128xf32, #tpu.memory_space<hbm>> -> memref<632x128xf32, #tpu.memory_space<hbm>>
        tpu.enqueue_dma source(%dma_start3A_55 : memref<632x128xf32, #tpu.memory_space<hbm>>) target(%dma_start3A_53 : memref<632x128xf32, #tpu.memory_space<vmem_shared>>) target_semaphore(%run_scoped3A : memref<!tpu.dma_semaphore, #tpu.memory_space<semaphore_mem>>)
        %dma_wait3A = arith.constant 0 : i32
        %dma_wait3A_56 = tpu.memref_slice %arg7[%mul3A_51, %dma_wait3A] : memref<10112x128xf32, #tpu.memory_space<vmem_shared>> -> memref<632x128xf32, #tpu.memory_space<vmem_shared>>
        %dma_wait3A_57 = arith.constant 0 : i32
        %dma_wait3A_58 = tpu.memref_slice %arg2[%mul3A_49, %dma_wait3A_57] : memref<10112x128xf32, #tpu.memory_space<hbm>> -> memref<632x128xf32, #tpu.memory_space<hbm>>
        tpu.wait_dma2 semaphore(%run_scoped3A : memref<!tpu.dma_semaphore, #tpu.memory_space<semaphore_mem>>) src(%dma_wait3A_58 : memref<632x128xf32, #tpu.memory_space<hbm>>) dst(%dma_wait3A_56 : memref<632x128xf32, #tpu.memory_space<vmem_shared>>)
        tpu.yield
      }) : () -> ()
    } else {
    }
    %ne3A = arith.constant 0 : i32
    %ne3A_2 = arith.cmpi ne, %arg0, %ne3A : i32
    %convert_element_type3A_3 = arith.extui %ne3A_2 : i1 to i32
    %cond3A_4 = arith.constant 0 : i32
    %cond3A_5 = arith.cmpi ne, %convert_element_type3A_3, %cond3A_4 : i32
    scf.if %cond3A_5 {
      %mul3A_48 = arith.constant 632 : i32
      %mul3A_49 = arith.muli %arg1, %mul3A_48 : i32
      %mul3A_50 = arith.constant 632 : i32
      %mul3A_51 = arith.muli %arg1, %mul3A_50 : i32
      "tpu.region"() ({
        %run_scoped3A = tpu.sem_alloc : memref<!tpu.dma_semaphore, #tpu.memory_space<semaphore_mem>>
        %dma_start3A_52 = arith.constant 0 : i32
        %dma_start3A_53 = tpu.memref_slice %arg7[%mul3A_51, %dma_start3A_52] : memref<10112x128xf32, #tpu.memory_space<vmem_shared>> -> memref<632x128xf32, #tpu.memory_space<vmem_shared>>
        %dma_start3A_54 = arith.constant 0 : i32
        %dma_start3A_55 = tpu.memref_slice %arg3[%mul3A_49, %dma_start3A_54] : memref<10112x128xf32, #tpu.memory_space<hbm>> -> memref<632x128xf32, #tpu.memory_space<hbm>>
        tpu.enqueue_dma source(%dma_start3A_55 : memref<632x128xf32, #tpu.memory_space<hbm>>) target(%dma_start3A_53 : memref<632x128xf32, #tpu.memory_space<vmem_shared>>) target_semaphore(%run_scoped3A : memref<!tpu.dma_semaphore, #tpu.memory_space<semaphore_mem>>)
        %dma_wait3A = arith.constant 0 : i32
        %dma_wait3A_56 = tpu.memref_slice %arg7[%mul3A_51, %dma_wait3A] : memref<10112x128xf32, #tpu.memory_space<vmem_shared>> -> memref<632x128xf32, #tpu.memory_space<vmem_shared>>
        %dma_wait3A_57 = arith.constant 0 : i32
        %dma_wait3A_58 = tpu.memref_slice %arg3[%mul3A_49, %dma_wait3A_57] : memref<10112x128xf32, #tpu.memory_space<hbm>> -> memref<632x128xf32, #tpu.memory_space<hbm>>
        tpu.wait_dma2 semaphore(%run_scoped3A : memref<!tpu.dma_semaphore, #tpu.memory_space<semaphore_mem>>) src(%dma_wait3A_58 : memref<632x128xf32, #tpu.memory_space<hbm>>) dst(%dma_wait3A_56 : memref<632x128xf32, #tpu.memory_space<vmem_shared>>)
        tpu.yield
      }) : () -> ()
    } else {
    }
    %barrier3A = arith.constant 0 : index
    tpu.barrier barrier_id(%barrier3A)
    %eq3A_6 = arith.constant 0 : i32
    %eq3A_7 = arith.cmpi eq, %arg0, %eq3A_6 : i32
    %jit3A = arith.constant 80 : i32
    %jit3A_8 = arith.constant 80 : i32
    %select_n3A = arith.select %eq3A_7, %jit3A, %jit3A_8 : i32
    %eq3A_9 = arith.constant 0 : i32
    %eq3A_10 = arith.cmpi eq, %arg0, %eq3A_9 : i32
    %mul3A = arith.constant 80 : i32
    %mul3A_11 = arith.muli %arg1, %mul3A : i32
    %mul3A_12 = arith.constant 80 : i32
    %mul3A_13 = arith.muli %arg1, %mul3A_12 : i32
    %add3A = arith.constant 1280 : i32
    %add3A_14 = arith.addi %add3A, %mul3A_13 : i32
    %select_n3A_15 = arith.select %eq3A_10, %mul3A_11, %add3A_14 : i32
    "tpu.region"() ({
      %run_scoped3A = tpu.sem_alloc : memref<!tpu.dma_semaphore, #tpu.memory_space<semaphore_mem>>
      %dma_start3A_48 = arith.constant 0 : i32
      %dma_start3A_49 = tpu.memref_slice %arg4[%select_n3A_15, %dma_start3A_48] : memref<2560x128xi32, #tpu.memory_space<hbm>> -> memref<1x128xi32, #tpu.memory_space<hbm>>
      %dma_start3A_50 = tpu.memref_squeeze %dma_start3A_49 : memref<1x128xi32, #tpu.memory_space<hbm>> -> memref<128xi32, #tpu.memory_space<hbm>>
      %dma_start3A_51 = arith.constant 0 : i32
      %dma_start3A_52 = tpu.memref_slice %arg4[%select_n3A_15, %dma_start3A_51] : memref<2560x128xi32, #tpu.memory_space<hbm>> -> memref<1x128xi32, #tpu.memory_space<hbm>>
      %dma_start3A_53 = tpu.memref_squeeze %dma_start3A_52 : memref<1x128xi32, #tpu.memory_space<hbm>> -> memref<128xi32, #tpu.memory_space<hbm>>
      tpu.enqueue_dma source(%dma_start3A_53 : memref<128xi32, #tpu.memory_space<hbm>>) target(%arg8 : memref<128xi32, #tpu.memory_space<vmem>>) target_semaphore(%run_scoped3A : memref<!tpu.dma_semaphore, #tpu.memory_space<semaphore_mem>>)
      %dma_wait3A = arith.constant 0 : i32
      %dma_wait3A_54 = tpu.memref_slice %arg4[%select_n3A_15, %dma_wait3A] : memref<2560x128xi32, #tpu.memory_space<hbm>> -> memref<1x128xi32, #tpu.memory_space<hbm>>
      %dma_wait3A_55 = tpu.memref_squeeze %dma_wait3A_54 : memref<1x128xi32, #tpu.memory_space<hbm>> -> memref<128xi32, #tpu.memory_space<hbm>>
      %dma_wait3A_56 = arith.constant 0 : i32
      %dma_wait3A_57 = tpu.memref_slice %arg4[%select_n3A_15, %dma_wait3A_56] : memref<2560x128xi32, #tpu.memory_space<hbm>> -> memref<1x128xi32, #tpu.memory_space<hbm>>
      %dma_wait3A_58 = tpu.memref_squeeze %dma_wait3A_57 : memref<1x128xi32, #tpu.memory_space<hbm>> -> memref<128xi32, #tpu.memory_space<hbm>>
      tpu.wait_dma2 semaphore(%run_scoped3A : memref<!tpu.dma_semaphore, #tpu.memory_space<semaphore_mem>>) src(%dma_wait3A_58 : memref<128xi32, #tpu.memory_space<hbm>>) dst(%arg8 : memref<128xi32, #tpu.memory_space<vmem>>)
      tpu.yield
    }) : () -> ()
    "tpu.region"() ({
      %run_scoped3A = tpu.sem_alloc : memref<!tpu.dma_semaphore, #tpu.memory_space<semaphore_mem>>
      %dma_start3A_48 = arith.constant 0 : i32
      %dma_start3A_49 = tpu.memref_slice %arg5[%select_n3A_15, %dma_start3A_48] : memref<2560x128xi32, #tpu.memory_space<hbm>> -> memref<1x128xi32, #tpu.memory_space<hbm>>
      %dma_start3A_50 = tpu.memref_squeeze %dma_start3A_49 : memref<1x128xi32, #tpu.memory_space<hbm>> -> memref<128xi32, #tpu.memory_space<hbm>>
      %dma_start3A_51 = arith.constant 0 : i32
      %dma_start3A_52 = tpu.memref_slice %arg5[%select_n3A_15, %dma_start3A_51] : memref<2560x128xi32, #tpu.memory_space<hbm>> -> memref<1x128xi32, #tpu.memory_space<hbm>>
      %dma_start3A_53 = tpu.memref_squeeze %dma_start3A_52 : memref<1x128xi32, #tpu.memory_space<hbm>> -> memref<128xi32, #tpu.memory_space<hbm>>
      tpu.enqueue_dma source(%dma_start3A_53 : memref<128xi32, #tpu.memory_space<hbm>>) target(%arg9 : memref<128xi32, #tpu.memory_space<vmem>>) target_semaphore(%run_scoped3A : memref<!tpu.dma_semaphore, #tpu.memory_space<semaphore_mem>>)
      %dma_wait3A = arith.constant 0 : i32
      %dma_wait3A_54 = tpu.memref_slice %arg5[%select_n3A_15, %dma_wait3A] : memref<2560x128xi32, #tpu.memory_space<hbm>> -> memref<1x128xi32, #tpu.memory_space<hbm>>
      %dma_wait3A_55 = tpu.memref_squeeze %dma_wait3A_54 : memref<1x128xi32, #tpu.memory_space<hbm>> -> memref<128xi32, #tpu.memory_space<hbm>>
      %dma_wait3A_56 = arith.constant 0 : i32
      %dma_wait3A_57 = tpu.memref_slice %arg5[%select_n3A_15, %dma_wait3A_56] : memref<2560x128xi32, #tpu.memory_space<hbm>> -> memref<1x128xi32, #tpu.memory_space<hbm>>
      %dma_wait3A_58 = tpu.memref_squeeze %dma_wait3A_57 : memref<1x128xi32, #tpu.memory_space<hbm>> -> memref<128xi32, #tpu.memory_space<hbm>>
      tpu.wait_dma2 semaphore(%run_scoped3A : memref<!tpu.dma_semaphore, #tpu.memory_space<semaphore_mem>>) src(%dma_wait3A_58 : memref<128xi32, #tpu.memory_space<hbm>>) dst(%arg9 : memref<128xi32, #tpu.memory_space<vmem>>)
      tpu.yield
    }) : () -> ()
    %dma_start3A = arith.constant 0 : i32
    %dma_start3A_16 = arith.constant 0 : i32
    %dma_start3A_17 = tpu.memref_slice %arg2[%dma_start3A, %dma_start3A_16] : memref<10112x128xf32, #tpu.memory_space<hbm>> -> memref<10112x128xf32, #tpu.memory_space<hbm>>
    tpu.enqueue_indirect_dma source(%dma_start3A_17 : memref<10112x128xf32, #tpu.memory_space<hbm>>) target(%arg12 : memref<128x128xf32, #tpu.memory_space<vmem>>) offsets(%arg8 : memref<128xi32, #tpu.memory_space<vmem>>) semaphore(%arg14 : memref<!tpu.dma_semaphore, #tpu.memory_space<semaphore_mem>>)
    %add3A_18 = arith.constant 1 : i32
    %add3A_19 = arith.addi %select_n3A_15, %add3A_18 : i32
    %dma_start3A_20 = arith.constant 0 : i32
    %dma_start3A_21 = tpu.memref_slice %arg4[%add3A_19, %dma_start3A_20] : memref<2560x128xi32, #tpu.memory_space<hbm>> -> memref<1x128xi32, #tpu.memory_space<hbm>>
    %dma_start3A_22 = tpu.memref_squeeze %dma_start3A_21 : memref<1x128xi32, #tpu.memory_space<hbm>> -> memref<128xi32, #tpu.memory_space<hbm>>
    %dma_start3A_23 = arith.constant 0 : i32
    %dma_start3A_24 = tpu.memref_slice %arg4[%add3A_19, %dma_start3A_23] : memref<2560x128xi32, #tpu.memory_space<hbm>> -> memref<1x128xi32, #tpu.memory_space<hbm>>
    %dma_start3A_25 = tpu.memref_squeeze %dma_start3A_24 : memref<1x128xi32, #tpu.memory_space<hbm>> -> memref<128xi32, #tpu.memory_space<hbm>>
    tpu.enqueue_dma source(%dma_start3A_25 : memref<128xi32, #tpu.memory_space<hbm>>) target(%arg10 : memref<128xi32, #tpu.memory_space<vmem>>) target_semaphore(%arg17 : memref<!tpu.dma_semaphore, #tpu.memory_space<semaphore_mem>>)
    %add3A_26 = arith.constant 1 : i32
    %add3A_27 = arith.addi %select_n3A_15, %add3A_26 : i32
    %dma_start3A_28 = arith.constant 0 : i32
    %dma_start3A_29 = tpu.memref_slice %arg5[%add3A_27, %dma_start3A_28] : memref<2560x128xi32, #tpu.memory_space<hbm>> -> memref<1x128xi32, #tpu.memory_space<hbm>>
    %dma_start3A_30 = tpu.memref_squeeze %dma_start3A_29 : memref<1x128xi32, #tpu.memory_space<hbm>> -> memref<128xi32, #tpu.memory_space<hbm>>
    %dma_start3A_31 = arith.constant 0 : i32
    %dma_start3A_32 = tpu.memref_slice %arg5[%add3A_27, %dma_start3A_31] : memref<2560x128xi32, #tpu.memory_space<hbm>> -> memref<1x128xi32, #tpu.memory_space<hbm>>
    %dma_start3A_33 = tpu.memref_squeeze %dma_start3A_32 : memref<1x128xi32, #tpu.memory_space<hbm>> -> memref<128xi32, #tpu.memory_space<hbm>>
    tpu.enqueue_dma source(%dma_start3A_33 : memref<128xi32, #tpu.memory_space<hbm>>) target(%arg11 : memref<128xi32, #tpu.memory_space<vmem>>) target_semaphore(%arg17 : memref<!tpu.dma_semaphore, #tpu.memory_space<semaphore_mem>>)
    %while3A = arith.constant 0 : i32
    %while3A_34 = arith.constant 0 : i32
    %while3A_35 = arith.subi %select_n3A, %while3A_34 : i32
    %while3A_36 = arith.addi %while3A_34, %while3A_35 : i32
    %while3A_37 = arith.constant 1 : i32
    %while3A_38 = arith.divsi %while3A_35, %while3A_37 : i32
    %while3A_39 = arith.muli %while3A_38, %while3A_37 : i32
    %while3A_40 = arith.addi %while3A_34, %while3A_39 : i32
    %while3A_41 = arith.constant 1 : i32
    scf.for %while3A_48 = %while3A_34 to %while3A_40 step %while3A_41  : i32 {
      %jit3A_49 = arith.constant 2 : i32
      %eq3A_50 = arith.constant 0 : i32
      %eq3A_51 = arith.cmpi eq, %jit3A_49, %eq3A_50 : i32
      %jit3A_52 = arith.constant 1 : i32
      %select_n3A_53 = arith.select %eq3A_51, %jit3A_52, %jit3A_49 : i32
      %rem3A = arith.remsi %while3A_48, %select_n3A_53 : i32
      %ne3A_54 = arith.constant 0 : i32
      %ne3A_55 = arith.cmpi ne, %rem3A, %ne3A_54 : i32
      %lt3A = arith.constant 0 : i32
      %lt3A_56 = arith.cmpi slt, %rem3A, %lt3A : i32
      %lt3A_57 = arith.constant 0 : i32
      %lt3A_58 = arith.cmpi slt, %select_n3A_53, %lt3A_57 : i32
      %ne3A_59 = arith.xori %lt3A_56, %lt3A_58 : i1
      %and3A = arith.andi %ne3A_59, %ne3A_55 : i1
      %add3A_60 = arith.addi %rem3A, %select_n3A_53 : i32
      %select_n3A_61 = arith.select %and3A, %add3A_60, %rem3A : i32
      %eq3A_62 = arith.constant 0 : i32
      %eq3A_63 = arith.cmpi eq, %select_n3A_61, %eq3A_62 : i32
      %convert_element_type3A_64 = arith.extui %eq3A_63 : i1 to i32
      %cond3A_65 = arith.constant 0 : i32
      %cond3A_66 = arith.cmpi ne, %convert_element_type3A_64, %cond3A_65 : i32
      scf.if %cond3A_66 {
        %add3A_88 = arith.constant 1 : i32
        %add3A_89 = arith.addi %while3A_48, %add3A_88 : i32
        %lt3A_90 = arith.cmpi slt, %add3A_89, %select_n3A : i32
        %convert_element_type3A_91 = arith.extui %lt3A_90 : i1 to i32
        %cond3A_92 = arith.constant 0 : i32
        %cond3A_93 = arith.cmpi ne, %convert_element_type3A_91, %cond3A_92 : i32
        scf.if %cond3A_93 {
          %add3A_102 = arith.addi %select_n3A_15, %while3A_48 : i32
          %add3A_103 = arith.constant 1 : i32
          %add3A_104 = arith.addi %add3A_102, %add3A_103 : i32
          %dma_wait3A_105 = arith.constant 0 : i32
          %dma_wait3A_106 = tpu.memref_slice %arg4[%add3A_104, %dma_wait3A_105] : memref<2560x128xi32, #tpu.memory_space<hbm>> -> memref<1x128xi32, #tpu.memory_space<hbm>>
          %dma_wait3A_107 = tpu.memref_squeeze %dma_wait3A_106 : memref<1x128xi32, #tpu.memory_space<hbm>> -> memref<128xi32, #tpu.memory_space<hbm>>
          %dma_wait3A_108 = arith.constant 0 : i32
          %dma_wait3A_109 = tpu.memref_slice %arg4[%add3A_104, %dma_wait3A_108] : memref<2560x128xi32, #tpu.memory_space<hbm>> -> memref<1x128xi32, #tpu.memory_space<hbm>>
          %dma_wait3A_110 = tpu.memref_squeeze %dma_wait3A_109 : memref<1x128xi32, #tpu.memory_space<hbm>> -> memref<128xi32, #tpu.memory_space<hbm>>
          tpu.wait_dma2 semaphore(%arg17 : memref<!tpu.dma_semaphore, #tpu.memory_space<semaphore_mem>>) src(%dma_wait3A_110 : memref<128xi32, #tpu.memory_space<hbm>>) dst(%arg10 : memref<128xi32, #tpu.memory_space<vmem>>)
          %add3A_111 = arith.addi %select_n3A_15, %while3A_48 : i32
          %add3A_112 = arith.constant 1 : i32
          %add3A_113 = arith.addi %add3A_111, %add3A_112 : i32
          %dma_wait3A_114 = arith.constant 0 : i32
          %dma_wait3A_115 = tpu.memref_slice %arg5[%add3A_113, %dma_wait3A_114] : memref<2560x128xi32, #tpu.memory_space<hbm>> -> memref<1x128xi32, #tpu.memory_space<hbm>>
          %dma_wait3A_116 = tpu.memref_squeeze %dma_wait3A_115 : memref<1x128xi32, #tpu.memory_space<hbm>> -> memref<128xi32, #tpu.memory_space<hbm>>
          %dma_wait3A_117 = arith.constant 0 : i32
          %dma_wait3A_118 = tpu.memref_slice %arg5[%add3A_113, %dma_wait3A_117] : memref<2560x128xi32, #tpu.memory_space<hbm>> -> memref<1x128xi32, #tpu.memory_space<hbm>>
          %dma_wait3A_119 = tpu.memref_squeeze %dma_wait3A_118 : memref<1x128xi32, #tpu.memory_space<hbm>> -> memref<128xi32, #tpu.memory_space<hbm>>
          tpu.wait_dma2 semaphore(%arg17 : memref<!tpu.dma_semaphore, #tpu.memory_space<semaphore_mem>>) src(%dma_wait3A_119 : memref<128xi32, #tpu.memory_space<hbm>>) dst(%arg11 : memref<128xi32, #tpu.memory_space<vmem>>)
          %dma_start3A_120 = arith.constant 0 : i32
          %dma_start3A_121 = arith.constant 0 : i32
          %dma_start3A_122 = tpu.memref_slice %arg2[%dma_start3A_120, %dma_start3A_121] : memref<10112x128xf32, #tpu.memory_space<hbm>> -> memref<10112x128xf32, #tpu.memory_space<hbm>>
          tpu.enqueue_indirect_dma source(%dma_start3A_122 : memref<10112x128xf32, #tpu.memory_space<hbm>>) target(%arg13 : memref<128x128xf32, #tpu.memory_space<vmem>>) offsets(%arg10 : memref<128xi32, #tpu.memory_space<vmem>>) semaphore(%arg15 : memref<!tpu.dma_semaphore, #tpu.memory_space<semaphore_mem>>)
        } else {
        }
        %dma_wait3A = arith.constant 0 : i32
        %dma_wait3A_94 = arith.constant 0 : i32
        %dma_wait3A_95 = tpu.memref_slice %arg2[%dma_wait3A, %dma_wait3A_94] : memref<10112x128xf32, #tpu.memory_space<hbm>> -> memref<10112x128xf32, #tpu.memory_space<hbm>>
        tpu.wait_indirect_dma semaphore(%arg14 : memref<!tpu.dma_semaphore, #tpu.memory_space<semaphore_mem>>) src(%dma_wait3A_95 : memref<10112x128xf32, #tpu.memory_space<hbm>>) dst(%arg12 : memref<128x128xf32, #tpu.memory_space<vmem>>)
        "tpu.region"() ({
          %run_scoped3A = tpu.sem_alloc : memref<!tpu.dma_semaphore, #tpu.memory_space<semaphore_mem>>
          %dma_start3A_102 = arith.constant 0 : i32
          %dma_start3A_103 = arith.constant 0 : i32
          %dma_start3A_104 = tpu.memref_slice %arg7[%dma_start3A_102, %dma_start3A_103] : memref<10112x128xf32, #tpu.memory_space<vmem_shared>> -> memref<10112x128xf32, #tpu.memory_space<vmem_shared>>
          tpu.enqueue_indirect_dma source(%arg12 : memref<128x128xf32, #tpu.memory_space<vmem>>) target(%dma_start3A_104 : memref<10112x128xf32, #tpu.memory_space<vmem_shared>>) offsets(%arg9 : memref<128xi32, #tpu.memory_space<vmem>>) semaphore(%run_scoped3A : memref<!tpu.dma_semaphore, #tpu.memory_space<semaphore_mem>>) {add = true}
          %dma_wait3A_105 = arith.constant 0 : i32
          %dma_wait3A_106 = arith.constant 0 : i32
          %dma_wait3A_107 = tpu.memref_slice %arg7[%dma_wait3A_105, %dma_wait3A_106] : memref<10112x128xf32, #tpu.memory_space<vmem_shared>> -> memref<10112x128xf32, #tpu.memory_space<vmem_shared>>
          tpu.wait_indirect_dma semaphore(%run_scoped3A : memref<!tpu.dma_semaphore, #tpu.memory_space<semaphore_mem>>) src(%arg12 : memref<128x128xf32, #tpu.memory_space<vmem>>) dst(%dma_wait3A_107 : memref<10112x128xf32, #tpu.memory_space<vmem_shared>>)
          tpu.yield
        }) : () -> ()
        %add3A_96 = arith.constant 2 : i32
        %add3A_97 = arith.addi %while3A_48, %add3A_96 : i32
        %lt3A_98 = arith.cmpi slt, %add3A_97, %select_n3A : i32
        %convert_element_type3A_99 = arith.extui %lt3A_98 : i1 to i32
        %cond3A_100 = arith.constant 0 : i32
        %cond3A_101 = arith.cmpi ne, %convert_element_type3A_99, %cond3A_100 : i32
        scf.if %cond3A_101 {
          %add3A_102 = arith.addi %select_n3A_15, %while3A_48 : i32
          %add3A_103 = arith.constant 2 : i32
          %add3A_104 = arith.addi %add3A_102, %add3A_103 : i32
          %dma_start3A_105 = arith.constant 0 : i32
          %dma_start3A_106 = tpu.memref_slice %arg4[%add3A_104, %dma_start3A_105] : memref<2560x128xi32, #tpu.memory_space<hbm>> -> memref<1x128xi32, #tpu.memory_space<hbm>>
          %dma_start3A_107 = tpu.memref_squeeze %dma_start3A_106 : memref<1x128xi32, #tpu.memory_space<hbm>> -> memref<128xi32, #tpu.memory_space<hbm>>
          %dma_start3A_108 = arith.constant 0 : i32
          %dma_start3A_109 = tpu.memref_slice %arg4[%add3A_104, %dma_start3A_108] : memref<2560x128xi32, #tpu.memory_space<hbm>> -> memref<1x128xi32, #tpu.memory_space<hbm>>
          %dma_start3A_110 = tpu.memref_squeeze %dma_start3A_109 : memref<1x128xi32, #tpu.memory_space<hbm>> -> memref<128xi32, #tpu.memory_space<hbm>>
          tpu.enqueue_dma source(%dma_start3A_110 : memref<128xi32, #tpu.memory_space<hbm>>) target(%arg8 : memref<128xi32, #tpu.memory_space<vmem>>) target_semaphore(%arg16 : memref<!tpu.dma_semaphore, #tpu.memory_space<semaphore_mem>>)
          %add3A_111 = arith.addi %select_n3A_15, %while3A_48 : i32
          %add3A_112 = arith.constant 2 : i32
          %add3A_113 = arith.addi %add3A_111, %add3A_112 : i32
          %dma_start3A_114 = arith.constant 0 : i32
          %dma_start3A_115 = tpu.memref_slice %arg5[%add3A_113, %dma_start3A_114] : memref<2560x128xi32, #tpu.memory_space<hbm>> -> memref<1x128xi32, #tpu.memory_space<hbm>>
          %dma_start3A_116 = tpu.memref_squeeze %dma_start3A_115 : memref<1x128xi32, #tpu.memory_space<hbm>> -> memref<128xi32, #tpu.memory_space<hbm>>
          %dma_start3A_117 = arith.constant 0 : i32
          %dma_start3A_118 = tpu.memref_slice %arg5[%add3A_113, %dma_start3A_117] : memref<2560x128xi32, #tpu.memory_space<hbm>> -> memref<1x128xi32, #tpu.memory_space<hbm>>
          %dma_start3A_119 = tpu.memref_squeeze %dma_start3A_118 : memref<1x128xi32, #tpu.memory_space<hbm>> -> memref<128xi32, #tpu.memory_space<hbm>>
          tpu.enqueue_dma source(%dma_start3A_119 : memref<128xi32, #tpu.memory_space<hbm>>) target(%arg9 : memref<128xi32, #tpu.memory_space<vmem>>) target_semaphore(%arg16 : memref<!tpu.dma_semaphore, #tpu.memory_space<semaphore_mem>>)
        } else {
        }
      } else {
      }
      %jit3A_67 = arith.constant 2 : i32
      %eq3A_68 = arith.constant 0 : i32
      %eq3A_69 = arith.cmpi eq, %jit3A_67, %eq3A_68 : i32
      %jit3A_70 = arith.constant 1 : i32
      %select_n3A_71 = arith.select %eq3A_69, %jit3A_70, %jit3A_67 : i32
      %rem3A_72 = arith.remsi %while3A_48, %select_n3A_71 : i32
      %ne3A_73 = arith.constant 0 : i32
      %ne3A_74 = arith.cmpi ne, %rem3A_72, %ne3A_73 : i32
      %lt3A_75 = arith.constant 0 : i32
      %lt3A_76 = arith.cmpi slt, %rem3A_72, %lt3A_75 : i32
      %lt3A_77 = arith.constant 0 : i32
      %lt3A_78 = arith.cmpi slt, %select_n3A_71, %lt3A_77 : i32
      %ne3A_79 = arith.xori %lt3A_76, %lt3A_78 : i1
      %and3A_80 = arith.andi %ne3A_79, %ne3A_74 : i1
      %add3A_81 = arith.addi %rem3A_72, %select_n3A_71 : i32
      %select_n3A_82 = arith.select %and3A_80, %add3A_81, %rem3A_72 : i32
      %eq3A_83 = arith.constant 1 : i32
      %eq3A_84 = arith.cmpi eq, %select_n3A_82, %eq3A_83 : i32
      %convert_element_type3A_85 = arith.extui %eq3A_84 : i1 to i32
      %cond3A_86 = arith.constant 0 : i32
      %cond3A_87 = arith.cmpi ne, %convert_element_type3A_85, %cond3A_86 : i32
      scf.if %cond3A_87 {
        %add3A_88 = arith.constant 1 : i32
        %add3A_89 = arith.addi %while3A_48, %add3A_88 : i32
        %lt3A_90 = arith.cmpi slt, %add3A_89, %select_n3A : i32
        %convert_element_type3A_91 = arith.extui %lt3A_90 : i1 to i32
        %cond3A_92 = arith.constant 0 : i32
        %cond3A_93 = arith.cmpi ne, %convert_element_type3A_91, %cond3A_92 : i32
        scf.if %cond3A_93 {
          %add3A_102 = arith.addi %select_n3A_15, %while3A_48 : i32
          %add3A_103 = arith.constant 1 : i32
          %add3A_104 = arith.addi %add3A_102, %add3A_103 : i32
          %dma_wait3A_105 = arith.constant 0 : i32
          %dma_wait3A_106 = tpu.memref_slice %arg4[%add3A_104, %dma_wait3A_105] : memref<2560x128xi32, #tpu.memory_space<hbm>> -> memref<1x128xi32, #tpu.memory_space<hbm>>
          %dma_wait3A_107 = tpu.memref_squeeze %dma_wait3A_106 : memref<1x128xi32, #tpu.memory_space<hbm>> -> memref<128xi32, #tpu.memory_space<hbm>>
          %dma_wait3A_108 = arith.constant 0 : i32
          %dma_wait3A_109 = tpu.memref_slice %arg4[%add3A_104, %dma_wait3A_108] : memref<2560x128xi32, #tpu.memory_space<hbm>> -> memref<1x128xi32, #tpu.memory_space<hbm>>
          %dma_wait3A_110 = tpu.memref_squeeze %dma_wait3A_109 : memref<1x128xi32, #tpu.memory_space<hbm>> -> memref<128xi32, #tpu.memory_space<hbm>>
          tpu.wait_dma2 semaphore(%arg16 : memref<!tpu.dma_semaphore, #tpu.memory_space<semaphore_mem>>) src(%dma_wait3A_110 : memref<128xi32, #tpu.memory_space<hbm>>) dst(%arg8 : memref<128xi32, #tpu.memory_space<vmem>>)
          %add3A_111 = arith.addi %select_n3A_15, %while3A_48 : i32
          %add3A_112 = arith.constant 1 : i32
          %add3A_113 = arith.addi %add3A_111, %add3A_112 : i32
          %dma_wait3A_114 = arith.constant 0 : i32
          %dma_wait3A_115 = tpu.memref_slice %arg5[%add3A_113, %dma_wait3A_114] : memref<2560x128xi32, #tpu.memory_space<hbm>> -> memref<1x128xi32, #tpu.memory_space<hbm>>
          %dma_wait3A_116 = tpu.memref_squeeze %dma_wait3A_115 : memref<1x128xi32, #tpu.memory_space<hbm>> -> memref<128xi32, #tpu.memory_space<hbm>>
          %dma_wait3A_117 = arith.constant 0 : i32
          %dma_wait3A_118 = tpu.memref_slice %arg5[%add3A_113, %dma_wait3A_117] : memref<2560x128xi32, #tpu.memory_space<hbm>> -> memref<1x128xi32, #tpu.memory_space<hbm>>
          %dma_wait3A_119 = tpu.memref_squeeze %dma_wait3A_118 : memref<1x128xi32, #tpu.memory_space<hbm>> -> memref<128xi32, #tpu.memory_space<hbm>>
          tpu.wait_dma2 semaphore(%arg16 : memref<!tpu.dma_semaphore, #tpu.memory_space<semaphore_mem>>) src(%dma_wait3A_119 : memref<128xi32, #tpu.memory_space<hbm>>) dst(%arg9 : memref<128xi32, #tpu.memory_space<vmem>>)
          %dma_start3A_120 = arith.constant 0 : i32
          %dma_start3A_121 = arith.constant 0 : i32
          %dma_start3A_122 = tpu.memref_slice %arg2[%dma_start3A_120, %dma_start3A_121] : memref<10112x128xf32, #tpu.memory_space<hbm>> -> memref<10112x128xf32, #tpu.memory_space<hbm>>
          tpu.enqueue_indirect_dma source(%dma_start3A_122 : memref<10112x128xf32, #tpu.memory_space<hbm>>) target(%arg12 : memref<128x128xf32, #tpu.memory_space<vmem>>) offsets(%arg8 : memref<128xi32, #tpu.memory_space<vmem>>) semaphore(%arg14 : memref<!tpu.dma_semaphore, #tpu.memory_space<semaphore_mem>>)
        } else {
        }
        %dma_wait3A = arith.constant 0 : i32
        %dma_wait3A_94 = arith.constant 0 : i32
        %dma_wait3A_95 = tpu.memref_slice %arg2[%dma_wait3A, %dma_wait3A_94] : memref<10112x128xf32, #tpu.memory_space<hbm>> -> memref<10112x128xf32, #tpu.memory_space<hbm>>
        tpu.wait_indirect_dma semaphore(%arg15 : memref<!tpu.dma_semaphore, #tpu.memory_space<semaphore_mem>>) src(%dma_wait3A_95 : memref<10112x128xf32, #tpu.memory_space<hbm>>) dst(%arg13 : memref<128x128xf32, #tpu.memory_space<vmem>>)
        "tpu.region"() ({
          %run_scoped3A = tpu.sem_alloc : memref<!tpu.dma_semaphore, #tpu.memory_space<semaphore_mem>>
          %dma_start3A_102 = arith.constant 0 : i32
          %dma_start3A_103 = arith.constant 0 : i32
          %dma_start3A_104 = tpu.memref_slice %arg7[%dma_start3A_102, %dma_start3A_103] : memref<10112x128xf32, #tpu.memory_space<vmem_shared>> -> memref<10112x128xf32, #tpu.memory_space<vmem_shared>>
          tpu.enqueue_indirect_dma source(%arg13 : memref<128x128xf32, #tpu.memory_space<vmem>>) target(%dma_start3A_104 : memref<10112x128xf32, #tpu.memory_space<vmem_shared>>) offsets(%arg11 : memref<128xi32, #tpu.memory_space<vmem>>) semaphore(%run_scoped3A : memref<!tpu.dma_semaphore, #tpu.memory_space<semaphore_mem>>) {add = true}
          %dma_wait3A_105 = arith.constant 0 : i32
          %dma_wait3A_106 = arith.constant 0 : i32
          %dma_wait3A_107 = tpu.memref_slice %arg7[%dma_wait3A_105, %dma_wait3A_106] : memref<10112x128xf32, #tpu.memory_space<vmem_shared>> -> memref<10112x128xf32, #tpu.memory_space<vmem_shared>>
          tpu.wait_indirect_dma semaphore(%run_scoped3A : memref<!tpu.dma_semaphore, #tpu.memory_space<semaphore_mem>>) src(%arg13 : memref<128x128xf32, #tpu.memory_space<vmem>>) dst(%dma_wait3A_107 : memref<10112x128xf32, #tpu.memory_space<vmem_shared>>)
          tpu.yield
        }) : () -> ()
        %add3A_96 = arith.constant 2 : i32
        %add3A_97 = arith.addi %while3A_48, %add3A_96 : i32
        %lt3A_98 = arith.cmpi slt, %add3A_97, %select_n3A : i32
        %convert_element_type3A_99 = arith.extui %lt3A_98 : i1 to i32
        %cond3A_100 = arith.constant 0 : i32
        %cond3A_101 = arith.cmpi ne, %convert_element_type3A_99, %cond3A_100 : i32
        scf.if %cond3A_101 {
          %add3A_102 = arith.addi %select_n3A_15, %while3A_48 : i32
          %add3A_103 = arith.constant 2 : i32
          %add3A_104 = arith.addi %add3A_102, %add3A_103 : i32
          %dma_start3A_105 = arith.constant 0 : i32
          %dma_start3A_106 = tpu.memref_slice %arg4[%add3A_104, %dma_start3A_105] : memref<2560x128xi32, #tpu.memory_space<hbm>> -> memref<1x128xi32, #tpu.memory_space<hbm>>
          %dma_start3A_107 = tpu.memref_squeeze %dma_start3A_106 : memref<1x128xi32, #tpu.memory_space<hbm>> -> memref<128xi32, #tpu.memory_space<hbm>>
          %dma_start3A_108 = arith.constant 0 : i32
          %dma_start3A_109 = tpu.memref_slice %arg4[%add3A_104, %dma_start3A_108] : memref<2560x128xi32, #tpu.memory_space<hbm>> -> memref<1x128xi32, #tpu.memory_space<hbm>>
          %dma_start3A_110 = tpu.memref_squeeze %dma_start3A_109 : memref<1x128xi32, #tpu.memory_space<hbm>> -> memref<128xi32, #tpu.memory_space<hbm>>
          tpu.enqueue_dma source(%dma_start3A_110 : memref<128xi32, #tpu.memory_space<hbm>>) target(%arg10 : memref<128xi32, #tpu.memory_space<vmem>>) target_semaphore(%arg17 : memref<!tpu.dma_semaphore, #tpu.memory_space<semaphore_mem>>)
          %add3A_111 = arith.addi %select_n3A_15, %while3A_48 : i32
          %add3A_112 = arith.constant 2 : i32
          %add3A_113 = arith.addi %add3A_111, %add3A_112 : i32
          %dma_start3A_114 = arith.constant 0 : i32
          %dma_start3A_115 = tpu.memref_slice %arg5[%add3A_113, %dma_start3A_114] : memref<2560x128xi32, #tpu.memory_space<hbm>> -> memref<1x128xi32, #tpu.memory_space<hbm>>
          %dma_start3A_116 = tpu.memref_squeeze %dma_start3A_115 : memref<1x128xi32, #tpu.memory_space<hbm>> -> memref<128xi32, #tpu.memory_space<hbm>>
          %dma_start3A_117 = arith.constant 0 : i32
          %dma_start3A_118 = tpu.memref_slice %arg5[%add3A_113, %dma_start3A_117] : memref<2560x128xi32, #tpu.memory_space<hbm>> -> memref<1x128xi32, #tpu.memory_space<hbm>>
          %dma_start3A_119 = tpu.memref_squeeze %dma_start3A_118 : memref<1x128xi32, #tpu.memory_space<hbm>> -> memref<128xi32, #tpu.memory_space<hbm>>
          tpu.enqueue_dma source(%dma_start3A_119 : memref<128xi32, #tpu.memory_space<hbm>>) target(%arg11 : memref<128xi32, #tpu.memory_space<vmem>>) target_semaphore(%arg17 : memref<!tpu.dma_semaphore, #tpu.memory_space<semaphore_mem>>)
        } else {
        }
      } else {
      }
    }
    %while3A_42 = arith.constant 1 : i32
    scf.for %while3A_48 = %while3A_40 to %while3A_36 step %while3A_42  : i32 {
      %jit3A_49 = arith.constant 2 : i32
      %eq3A_50 = arith.constant 0 : i32
      %eq3A_51 = arith.cmpi eq, %jit3A_49, %eq3A_50 : i32
      %jit3A_52 = arith.constant 1 : i32
      %select_n3A_53 = arith.select %eq3A_51, %jit3A_52, %jit3A_49 : i32
      %rem3A = arith.remsi %while3A_48, %select_n3A_53 : i32
      %ne3A_54 = arith.constant 0 : i32
      %ne3A_55 = arith.cmpi ne, %rem3A, %ne3A_54 : i32
      %lt3A = arith.constant 0 : i32
      %lt3A_56 = arith.cmpi slt, %rem3A, %lt3A : i32
      %lt3A_57 = arith.constant 0 : i32
      %lt3A_58 = arith.cmpi slt, %select_n3A_53, %lt3A_57 : i32
      %ne3A_59 = arith.xori %lt3A_56, %lt3A_58 : i1
      %and3A = arith.andi %ne3A_59, %ne3A_55 : i1
      %add3A_60 = arith.addi %rem3A, %select_n3A_53 : i32
      %select_n3A_61 = arith.select %and3A, %add3A_60, %rem3A : i32
      %eq3A_62 = arith.constant 0 : i32
      %eq3A_63 = arith.cmpi eq, %select_n3A_61, %eq3A_62 : i32
      %convert_element_type3A_64 = arith.extui %eq3A_63 : i1 to i32
      %cond3A_65 = arith.constant 0 : i32
      %cond3A_66 = arith.cmpi ne, %convert_element_type3A_64, %cond3A_65 : i32
      scf.if %cond3A_66 {
        %add3A_88 = arith.constant 1 : i32
        %add3A_89 = arith.addi %while3A_48, %add3A_88 : i32
        %lt3A_90 = arith.cmpi slt, %add3A_89, %select_n3A : i32
        %convert_element_type3A_91 = arith.extui %lt3A_90 : i1 to i32
        %cond3A_92 = arith.constant 0 : i32
        %cond3A_93 = arith.cmpi ne, %convert_element_type3A_91, %cond3A_92 : i32
        scf.if %cond3A_93 {
          %add3A_102 = arith.addi %select_n3A_15, %while3A_48 : i32
          %add3A_103 = arith.constant 1 : i32
          %add3A_104 = arith.addi %add3A_102, %add3A_103 : i32
          %dma_wait3A_105 = arith.constant 0 : i32
          %dma_wait3A_106 = tpu.memref_slice %arg4[%add3A_104, %dma_wait3A_105] : memref<2560x128xi32, #tpu.memory_space<hbm>> -> memref<1x128xi32, #tpu.memory_space<hbm>>
          %dma_wait3A_107 = tpu.memref_squeeze %dma_wait3A_106 : memref<1x128xi32, #tpu.memory_space<hbm>> -> memref<128xi32, #tpu.memory_space<hbm>>
          %dma_wait3A_108 = arith.constant 0 : i32
          %dma_wait3A_109 = tpu.memref_slice %arg4[%add3A_104, %dma_wait3A_108] : memref<2560x128xi32, #tpu.memory_space<hbm>> -> memref<1x128xi32, #tpu.memory_space<hbm>>
          %dma_wait3A_110 = tpu.memref_squeeze %dma_wait3A_109 : memref<1x128xi32, #tpu.memory_space<hbm>> -> memref<128xi32, #tpu.memory_space<hbm>>
          tpu.wait_dma2 semaphore(%arg17 : memref<!tpu.dma_semaphore, #tpu.memory_space<semaphore_mem>>) src(%dma_wait3A_110 : memref<128xi32, #tpu.memory_space<hbm>>) dst(%arg10 : memref<128xi32, #tpu.memory_space<vmem>>)
          %add3A_111 = arith.addi %select_n3A_15, %while3A_48 : i32
          %add3A_112 = arith.constant 1 : i32
          %add3A_113 = arith.addi %add3A_111, %add3A_112 : i32
          %dma_wait3A_114 = arith.constant 0 : i32
          %dma_wait3A_115 = tpu.memref_slice %arg5[%add3A_113, %dma_wait3A_114] : memref<2560x128xi32, #tpu.memory_space<hbm>> -> memref<1x128xi32, #tpu.memory_space<hbm>>
          %dma_wait3A_116 = tpu.memref_squeeze %dma_wait3A_115 : memref<1x128xi32, #tpu.memory_space<hbm>> -> memref<128xi32, #tpu.memory_space<hbm>>
          %dma_wait3A_117 = arith.constant 0 : i32
          %dma_wait3A_118 = tpu.memref_slice %arg5[%add3A_113, %dma_wait3A_117] : memref<2560x128xi32, #tpu.memory_space<hbm>> -> memref<1x128xi32, #tpu.memory_space<hbm>>
          %dma_wait3A_119 = tpu.memref_squeeze %dma_wait3A_118 : memref<1x128xi32, #tpu.memory_space<hbm>> -> memref<128xi32, #tpu.memory_space<hbm>>
          tpu.wait_dma2 semaphore(%arg17 : memref<!tpu.dma_semaphore, #tpu.memory_space<semaphore_mem>>) src(%dma_wait3A_119 : memref<128xi32, #tpu.memory_space<hbm>>) dst(%arg11 : memref<128xi32, #tpu.memory_space<vmem>>)
          %dma_start3A_120 = arith.constant 0 : i32
          %dma_start3A_121 = arith.constant 0 : i32
          %dma_start3A_122 = tpu.memref_slice %arg2[%dma_start3A_120, %dma_start3A_121] : memref<10112x128xf32, #tpu.memory_space<hbm>> -> memref<10112x128xf32, #tpu.memory_space<hbm>>
          tpu.enqueue_indirect_dma source(%dma_start3A_122 : memref<10112x128xf32, #tpu.memory_space<hbm>>) target(%arg13 : memref<128x128xf32, #tpu.memory_space<vmem>>) offsets(%arg10 : memref<128xi32, #tpu.memory_space<vmem>>) semaphore(%arg15 : memref<!tpu.dma_semaphore, #tpu.memory_space<semaphore_mem>>)
        } else {
        }
        %dma_wait3A = arith.constant 0 : i32
        %dma_wait3A_94 = arith.constant 0 : i32
        %dma_wait3A_95 = tpu.memref_slice %arg2[%dma_wait3A, %dma_wait3A_94] : memref<10112x128xf32, #tpu.memory_space<hbm>> -> memref<10112x128xf32, #tpu.memory_space<hbm>>
        tpu.wait_indirect_dma semaphore(%arg14 : memref<!tpu.dma_semaphore, #tpu.memory_space<semaphore_mem>>) src(%dma_wait3A_95 : memref<10112x128xf32, #tpu.memory_space<hbm>>) dst(%arg12 : memref<128x128xf32, #tpu.memory_space<vmem>>)
        "tpu.region"() ({
          %run_scoped3A = tpu.sem_alloc : memref<!tpu.dma_semaphore, #tpu.memory_space<semaphore_mem>>
          %dma_start3A_102 = arith.constant 0 : i32
          %dma_start3A_103 = arith.constant 0 : i32
          %dma_start3A_104 = tpu.memref_slice %arg7[%dma_start3A_102, %dma_start3A_103] : memref<10112x128xf32, #tpu.memory_space<vmem_shared>> -> memref<10112x128xf32, #tpu.memory_space<vmem_shared>>
          tpu.enqueue_indirect_dma source(%arg12 : memref<128x128xf32, #tpu.memory_space<vmem>>) target(%dma_start3A_104 : memref<10112x128xf32, #tpu.memory_space<vmem_shared>>) offsets(%arg9 : memref<128xi32, #tpu.memory_space<vmem>>) semaphore(%run_scoped3A : memref<!tpu.dma_semaphore, #tpu.memory_space<semaphore_mem>>) {add = true}
          %dma_wait3A_105 = arith.constant 0 : i32
          %dma_wait3A_106 = arith.constant 0 : i32
          %dma_wait3A_107 = tpu.memref_slice %arg7[%dma_wait3A_105, %dma_wait3A_106] : memref<10112x128xf32, #tpu.memory_space<vmem_shared>> -> memref<10112x128xf32, #tpu.memory_space<vmem_shared>>
          tpu.wait_indirect_dma semaphore(%run_scoped3A : memref<!tpu.dma_semaphore, #tpu.memory_space<semaphore_mem>>) src(%arg12 : memref<128x128xf32, #tpu.memory_space<vmem>>) dst(%dma_wait3A_107 : memref<10112x128xf32, #tpu.memory_space<vmem_shared>>)
          tpu.yield
        }) : () -> ()
        %add3A_96 = arith.constant 2 : i32
        %add3A_97 = arith.addi %while3A_48, %add3A_96 : i32
        %lt3A_98 = arith.cmpi slt, %add3A_97, %select_n3A : i32
        %convert_element_type3A_99 = arith.extui %lt3A_98 : i1 to i32
        %cond3A_100 = arith.constant 0 : i32
        %cond3A_101 = arith.cmpi ne, %convert_element_type3A_99, %cond3A_100 : i32
        scf.if %cond3A_101 {
          %add3A_102 = arith.addi %select_n3A_15, %while3A_48 : i32
          %add3A_103 = arith.constant 2 : i32
          %add3A_104 = arith.addi %add3A_102, %add3A_103 : i32
          %dma_start3A_105 = arith.constant 0 : i32
          %dma_start3A_106 = tpu.memref_slice %arg4[%add3A_104, %dma_start3A_105] : memref<2560x128xi32, #tpu.memory_space<hbm>> -> memref<1x128xi32, #tpu.memory_space<hbm>>
          %dma_start3A_107 = tpu.memref_squeeze %dma_start3A_106 : memref<1x128xi32, #tpu.memory_space<hbm>> -> memref<128xi32, #tpu.memory_space<hbm>>
          %dma_start3A_108 = arith.constant 0 : i32
          %dma_start3A_109 = tpu.memref_slice %arg4[%add3A_104, %dma_start3A_108] : memref<2560x128xi32, #tpu.memory_space<hbm>> -> memref<1x128xi32, #tpu.memory_space<hbm>>
          %dma_start3A_110 = tpu.memref_squeeze %dma_start3A_109 : memref<1x128xi32, #tpu.memory_space<hbm>> -> memref<128xi32, #tpu.memory_space<hbm>>
          tpu.enqueue_dma source(%dma_start3A_110 : memref<128xi32, #tpu.memory_space<hbm>>) target(%arg8 : memref<128xi32, #tpu.memory_space<vmem>>) target_semaphore(%arg16 : memref<!tpu.dma_semaphore, #tpu.memory_space<semaphore_mem>>)
          %add3A_111 = arith.addi %select_n3A_15, %while3A_48 : i32
          %add3A_112 = arith.constant 2 : i32
          %add3A_113 = arith.addi %add3A_111, %add3A_112 : i32
          %dma_start3A_114 = arith.constant 0 : i32
          %dma_start3A_115 = tpu.memref_slice %arg5[%add3A_113, %dma_start3A_114] : memref<2560x128xi32, #tpu.memory_space<hbm>> -> memref<1x128xi32, #tpu.memory_space<hbm>>
          %dma_start3A_116 = tpu.memref_squeeze %dma_start3A_115 : memref<1x128xi32, #tpu.memory_space<hbm>> -> memref<128xi32, #tpu.memory_space<hbm>>
          %dma_start3A_117 = arith.constant 0 : i32
          %dma_start3A_118 = tpu.memref_slice %arg5[%add3A_113, %dma_start3A_117] : memref<2560x128xi32, #tpu.memory_space<hbm>> -> memref<1x128xi32, #tpu.memory_space<hbm>>
          %dma_start3A_119 = tpu.memref_squeeze %dma_start3A_118 : memref<1x128xi32, #tpu.memory_space<hbm>> -> memref<128xi32, #tpu.memory_space<hbm>>
          tpu.enqueue_dma source(%dma_start3A_119 : memref<128xi32, #tpu.memory_space<hbm>>) target(%arg9 : memref<128xi32, #tpu.memory_space<vmem>>) target_semaphore(%arg16 : memref<!tpu.dma_semaphore, #tpu.memory_space<semaphore_mem>>)
        } else {
        }
      } else {
      }
      %jit3A_67 = arith.constant 2 : i32
      %eq3A_68 = arith.constant 0 : i32
      %eq3A_69 = arith.cmpi eq, %jit3A_67, %eq3A_68 : i32
      %jit3A_70 = arith.constant 1 : i32
      %select_n3A_71 = arith.select %eq3A_69, %jit3A_70, %jit3A_67 : i32
      %rem3A_72 = arith.remsi %while3A_48, %select_n3A_71 : i32
      %ne3A_73 = arith.constant 0 : i32
      %ne3A_74 = arith.cmpi ne, %rem3A_72, %ne3A_73 : i32
      %lt3A_75 = arith.constant 0 : i32
      %lt3A_76 = arith.cmpi slt, %rem3A_72, %lt3A_75 : i32
      %lt3A_77 = arith.constant 0 : i32
      %lt3A_78 = arith.cmpi slt, %select_n3A_71, %lt3A_77 : i32
      %ne3A_79 = arith.xori %lt3A_76, %lt3A_78 : i1
      %and3A_80 = arith.andi %ne3A_79, %ne3A_74 : i1
      %add3A_81 = arith.addi %rem3A_72, %select_n3A_71 : i32
      %select_n3A_82 = arith.select %and3A_80, %add3A_81, %rem3A_72 : i32
      %eq3A_83 = arith.constant 1 : i32
      %eq3A_84 = arith.cmpi eq, %select_n3A_82, %eq3A_83 : i32
      %convert_element_type3A_85 = arith.extui %eq3A_84 : i1 to i32
      %cond3A_86 = arith.constant 0 : i32
      %cond3A_87 = arith.cmpi ne, %convert_element_type3A_85, %cond3A_86 : i32
      scf.if %cond3A_87 {
        %add3A_88 = arith.constant 1 : i32
        %add3A_89 = arith.addi %while3A_48, %add3A_88 : i32
        %lt3A_90 = arith.cmpi slt, %add3A_89, %select_n3A : i32
        %convert_element_type3A_91 = arith.extui %lt3A_90 : i1 to i32
        %cond3A_92 = arith.constant 0 : i32
        %cond3A_93 = arith.cmpi ne, %convert_element_type3A_91, %cond3A_92 : i32
        scf.if %cond3A_93 {
          %add3A_102 = arith.addi %select_n3A_15, %while3A_48 : i32
          %add3A_103 = arith.constant 1 : i32
          %add3A_104 = arith.addi %add3A_102, %add3A_103 : i32
          %dma_wait3A_105 = arith.constant 0 : i32
          %dma_wait3A_106 = tpu.memref_slice %arg4[%add3A_104, %dma_wait3A_105] : memref<2560x128xi32, #tpu.memory_space<hbm>> -> memref<1x128xi32, #tpu.memory_space<hbm>>
          %dma_wait3A_107 = tpu.memref_squeeze %dma_wait3A_106 : memref<1x128xi32, #tpu.memory_space<hbm>> -> memref<128xi32, #tpu.memory_space<hbm>>
          %dma_wait3A_108 = arith.constant 0 : i32
          %dma_wait3A_109 = tpu.memref_slice %arg4[%add3A_104, %dma_wait3A_108] : memref<2560x128xi32, #tpu.memory_space<hbm>> -> memref<1x128xi32, #tpu.memory_space<hbm>>
          %dma_wait3A_110 = tpu.memref_squeeze %dma_wait3A_109 : memref<1x128xi32, #tpu.memory_space<hbm>> -> memref<128xi32, #tpu.memory_space<hbm>>
          tpu.wait_dma2 semaphore(%arg16 : memref<!tpu.dma_semaphore, #tpu.memory_space<semaphore_mem>>) src(%dma_wait3A_110 : memref<128xi32, #tpu.memory_space<hbm>>) dst(%arg8 : memref<128xi32, #tpu.memory_space<vmem>>)
          %add3A_111 = arith.addi %select_n3A_15, %while3A_48 : i32
          %add3A_112 = arith.constant 1 : i32
          %add3A_113 = arith.addi %add3A_111, %add3A_112 : i32
          %dma_wait3A_114 = arith.constant 0 : i32
          %dma_wait3A_115 = tpu.memref_slice %arg5[%add3A_113, %dma_wait3A_114] : memref<2560x128xi32, #tpu.memory_space<hbm>> -> memref<1x128xi32, #tpu.memory_space<hbm>>
          %dma_wait3A_116 = tpu.memref_squeeze %dma_wait3A_115 : memref<1x128xi32, #tpu.memory_space<hbm>> -> memref<128xi32, #tpu.memory_space<hbm>>
          %dma_wait3A_117 = arith.constant 0 : i32
          %dma_wait3A_118 = tpu.memref_slice %arg5[%add3A_113, %dma_wait3A_117] : memref<2560x128xi32, #tpu.memory_space<hbm>> -> memref<1x128xi32, #tpu.memory_space<hbm>>
          %dma_wait3A_119 = tpu.memref_squeeze %dma_wait3A_118 : memref<1x128xi32, #tpu.memory_space<hbm>> -> memref<128xi32, #tpu.memory_space<hbm>>
          tpu.wait_dma2 semaphore(%arg16 : memref<!tpu.dma_semaphore, #tpu.memory_space<semaphore_mem>>) src(%dma_wait3A_119 : memref<128xi32, #tpu.memory_space<hbm>>) dst(%arg9 : memref<128xi32, #tpu.memory_space<vmem>>)
          %dma_start3A_120 = arith.constant 0 : i32
          %dma_start3A_121 = arith.constant 0 : i32
          %dma_start3A_122 = tpu.memref_slice %arg2[%dma_start3A_120, %dma_start3A_121] : memref<10112x128xf32, #tpu.memory_space<hbm>> -> memref<10112x128xf32, #tpu.memory_space<hbm>>
          tpu.enqueue_indirect_dma source(%dma_start3A_122 : memref<10112x128xf32, #tpu.memory_space<hbm>>) target(%arg12 : memref<128x128xf32, #tpu.memory_space<vmem>>) offsets(%arg8 : memref<128xi32, #tpu.memory_space<vmem>>) semaphore(%arg14 : memref<!tpu.dma_semaphore, #tpu.memory_space<semaphore_mem>>)
        } else {
        }
        %dma_wait3A = arith.constant 0 : i32
        %dma_wait3A_94 = arith.constant 0 : i32
        %dma_wait3A_95 = tpu.memref_slice %arg2[%dma_wait3A, %dma_wait3A_94] : memref<10112x128xf32, #tpu.memory_space<hbm>> -> memref<10112x128xf32, #tpu.memory_space<hbm>>
        tpu.wait_indirect_dma semaphore(%arg15 : memref<!tpu.dma_semaphore, #tpu.memory_space<semaphore_mem>>) src(%dma_wait3A_95 : memref<10112x128xf32, #tpu.memory_space<hbm>>) dst(%arg13 : memref<128x128xf32, #tpu.memory_space<vmem>>)
        "tpu.region"() ({
          %run_scoped3A = tpu.sem_alloc : memref<!tpu.dma_semaphore, #tpu.memory_space<semaphore_mem>>
          %dma_start3A_102 = arith.constant 0 : i32
          %dma_start3A_103 = arith.constant 0 : i32
          %dma_start3A_104 = tpu.memref_slice %arg7[%dma_start3A_102, %dma_start3A_103] : memref<10112x128xf32, #tpu.memory_space<vmem_shared>> -> memref<10112x128xf32, #tpu.memory_space<vmem_shared>>
          tpu.enqueue_indirect_dma source(%arg13 : memref<128x128xf32, #tpu.memory_space<vmem>>) target(%dma_start3A_104 : memref<10112x128xf32, #tpu.memory_space<vmem_shared>>) offsets(%arg11 : memref<128xi32, #tpu.memory_space<vmem>>) semaphore(%run_scoped3A : memref<!tpu.dma_semaphore, #tpu.memory_space<semaphore_mem>>) {add = true}
          %dma_wait3A_105 = arith.constant 0 : i32
          %dma_wait3A_106 = arith.constant 0 : i32
          %dma_wait3A_107 = tpu.memref_slice %arg7[%dma_wait3A_105, %dma_wait3A_106] : memref<10112x128xf32, #tpu.memory_space<vmem_shared>> -> memref<10112x128xf32, #tpu.memory_space<vmem_shared>>
          tpu.wait_indirect_dma semaphore(%run_scoped3A : memref<!tpu.dma_semaphore, #tpu.memory_space<semaphore_mem>>) src(%arg13 : memref<128x128xf32, #tpu.memory_space<vmem>>) dst(%dma_wait3A_107 : memref<10112x128xf32, #tpu.memory_space<vmem_shared>>)
          tpu.yield
        }) : () -> ()
        %add3A_96 = arith.constant 2 : i32
        %add3A_97 = arith.addi %while3A_48, %add3A_96 : i32
        %lt3A_98 = arith.cmpi slt, %add3A_97, %select_n3A : i32
        %convert_element_type3A_99 = arith.extui %lt3A_98 : i1 to i32
        %cond3A_100 = arith.constant 0 : i32
        %cond3A_101 = arith.cmpi ne, %convert_element_type3A_99, %cond3A_100 : i32
        scf.if %cond3A_101 {
          %add3A_102 = arith.addi %select_n3A_15, %while3A_48 : i32
          %add3A_103 = arith.constant 2 : i32
          %add3A_104 = arith.addi %add3A_102, %add3A_103 : i32
          %dma_start3A_105 = arith.constant 0 : i32
          %dma_start3A_106 = tpu.memref_slice %arg4[%add3A_104, %dma_start3A_105] : memref<2560x128xi32, #tpu.memory_space<hbm>> -> memref<1x128xi32, #tpu.memory_space<hbm>>
          %dma_start3A_107 = tpu.memref_squeeze %dma_start3A_106 : memref<1x128xi32, #tpu.memory_space<hbm>> -> memref<128xi32, #tpu.memory_space<hbm>>
          %dma_start3A_108 = arith.constant 0 : i32
          %dma_start3A_109 = tpu.memref_slice %arg4[%add3A_104, %dma_start3A_108] : memref<2560x128xi32, #tpu.memory_space<hbm>> -> memref<1x128xi32, #tpu.memory_space<hbm>>
          %dma_start3A_110 = tpu.memref_squeeze %dma_start3A_109 : memref<1x128xi32, #tpu.memory_space<hbm>> -> memref<128xi32, #tpu.memory_space<hbm>>
          tpu.enqueue_dma source(%dma_start3A_110 : memref<128xi32, #tpu.memory_space<hbm>>) target(%arg10 : memref<128xi32, #tpu.memory_space<vmem>>) target_semaphore(%arg17 : memref<!tpu.dma_semaphore, #tpu.memory_space<semaphore_mem>>)
          %add3A_111 = arith.addi %select_n3A_15, %while3A_48 : i32
          %add3A_112 = arith.constant 2 : i32
          %add3A_113 = arith.addi %add3A_111, %add3A_112 : i32
          %dma_start3A_114 = arith.constant 0 : i32
          %dma_start3A_115 = tpu.memref_slice %arg5[%add3A_113, %dma_start3A_114] : memref<2560x128xi32, #tpu.memory_space<hbm>> -> memref<1x128xi32, #tpu.memory_space<hbm>>
          %dma_start3A_116 = tpu.memref_squeeze %dma_start3A_115 : memref<1x128xi32, #tpu.memory_space<hbm>> -> memref<128xi32, #tpu.memory_space<hbm>>
          %dma_start3A_117 = arith.constant 0 : i32
          %dma_start3A_118 = tpu.memref_slice %arg5[%add3A_113, %dma_start3A_117] : memref<2560x128xi32, #tpu.memory_space<hbm>> -> memref<1x128xi32, #tpu.memory_space<hbm>>
          %dma_start3A_119 = tpu.memref_squeeze %dma_start3A_118 : memref<1x128xi32, #tpu.memory_space<hbm>> -> memref<128xi32, #tpu.memory_space<hbm>>
          tpu.enqueue_dma source(%dma_start3A_119 : memref<128xi32, #tpu.memory_space<hbm>>) target(%arg11 : memref<128xi32, #tpu.memory_space<vmem>>) target_semaphore(%arg17 : memref<!tpu.dma_semaphore, #tpu.memory_space<semaphore_mem>>)
        } else {
        }
      } else {
      }
    }
    %barrier3A_43 = arith.constant 0 : index
    tpu.barrier barrier_id(%barrier3A_43)
    %mul3A_44 = arith.constant 632 : i32
    %mul3A_45 = arith.muli %arg1, %mul3A_44 : i32
    %mul3A_46 = arith.constant 632 : i32
    %mul3A_47 = arith.muli %arg1, %mul3A_46 : i32
    "tpu.region"() ({
      %run_scoped3A = tpu.sem_alloc : memref<!tpu.dma_semaphore, #tpu.memory_space<semaphore_mem>>
      %dma_start3A_48 = arith.constant 0 : i32
      %dma_start3A_49 = tpu.memref_slice %arg6[%arg0, %mul3A_47, %dma_start3A_48] : memref<2x10112x128xf32, #tpu.memory_space<hbm>> -> memref<1x632x128xf32, #tpu.memory_space<hbm>>
      %dma_start3A_50 = tpu.memref_squeeze %dma_start3A_49 : memref<1x632x128xf32, #tpu.memory_space<hbm>> -> memref<632x128xf32, #tpu.memory_space<hbm>>
      %dma_start3A_51 = arith.constant 0 : i32
      %dma_start3A_52 = tpu.memref_slice %arg7[%mul3A_45, %dma_start3A_51] : memref<10112x128xf32, #tpu.memory_space<vmem_shared>> -> memref<632x128xf32, #tpu.memory_space<vmem_shared>>
      tpu.enqueue_dma source(%dma_start3A_52 : memref<632x128xf32, #tpu.memory_space<vmem_shared>>) target(%dma_start3A_50 : memref<632x128xf32, #tpu.memory_space<hbm>>) target_semaphore(%run_scoped3A : memref<!tpu.dma_semaphore, #tpu.memory_space<semaphore_mem>>)
      %dma_wait3A = arith.constant 0 : i32
      %dma_wait3A_53 = tpu.memref_slice %arg6[%arg0, %mul3A_47, %dma_wait3A] : memref<2x10112x128xf32, #tpu.memory_space<hbm>> -> memref<1x632x128xf32, #tpu.memory_space<hbm>>
      %dma_wait3A_54 = tpu.memref_squeeze %dma_wait3A_53 : memref<1x632x128xf32, #tpu.memory_space<hbm>> -> memref<632x128xf32, #tpu.memory_space<hbm>>
      %dma_wait3A_55 = arith.constant 0 : i32
      %dma_wait3A_56 = tpu.memref_slice %arg7[%mul3A_45, %dma_wait3A_55] : memref<10112x128xf32, #tpu.memory_space<vmem_shared>> -> memref<632x128xf32, #tpu.memory_space<vmem_shared>>
      tpu.wait_dma2 semaphore(%run_scoped3A : memref<!tpu.dma_semaphore, #tpu.memory_space<semaphore_mem>>) src(%dma_wait3A_56 : memref<632x128xf32, #tpu.memory_space<vmem_shared>>) dst(%dma_wait3A_54 : memref<632x128xf32, #tpu.memory_space<hbm>>)
      tpu.yield
    }) : () -> ()
    return
  }
}

module attributes {stable_mosaic.version = 14 : i64} {
  func.func @_tc2_body(%arg0: i32, %arg1: memref<2x512x128xf32, #tpu.memory_space<vmem>>, %arg2: memref<512xf32, #tpu.memory_space<vmem>>, %arg3: memref<128xf32, #tpu.memory_space<vmem>>, %arg4: memref<128x128xf32, #tpu.memory_space<vmem>>, %arg5: memref<512x128xf32, #tpu.memory_space<vmem>>) attributes {dimension_semantics = [#tpu.dimension_semantics<arbitrary>], iteration_bounds = array<i64: 20>, scalar_prefetch = 0 : i64, scratch_operands = 0 : i64, tpu.core_type = #tpu.core_type<tc>, window_params = [{transform_indices = @transform_0, window_bounds = array<i64: 2, 512, 128>}, {transform_indices = @transform_1, window_bounds = array<i64: 512>}, {pipeline_mode = #tpu.pipeline_mode<synchronous>, transform_indices = @transform_2, window_bounds = array<i64: 128>}, {pipeline_mode = #tpu.pipeline_mode<synchronous>, transform_indices = @transform_3, window_bounds = array<i64: 128, 128>}, {transform_indices = @transform_4, window_bounds = array<i64: 512, 128>}]} {
    %get3A = arith.constant 0 : index
    %get3A_0 = arith.constant 0 : index
    %get3A_1 = arith.constant 0 : index
    %get3A_2 = vector.load %arg1[%get3A, %get3A_0, %get3A_1] : memref<2x512x128xf32, #tpu.memory_space<vmem>>, vector<2x512x128xf32>
    %slice3A = vector.extract_strided_slice %get3A_2 {offsets = [0, 0, 0], sizes = [1, 512, 128], strides = [1, 1, 1]} : vector<2x512x128xf32> to vector<1x512x128xf32>
    %squeeze3A = vector.shape_cast %slice3A : vector<1x512x128xf32> to vector<512x128xf32>
    %slice3A_3 = vector.extract_strided_slice %get3A_2 {offsets = [1, 0, 0], sizes = [1, 512, 128], strides = [1, 1, 1]} : vector<2x512x128xf32> to vector<1x512x128xf32>
    %squeeze3A_4 = vector.shape_cast %slice3A_3 : vector<1x512x128xf32> to vector<512x128xf32>
    %add3A = arith.addf %squeeze3A, %squeeze3A_4 : vector<512x128xf32>
    %get3A_5 = arith.constant 0 : index
    %get3A_6 = vector.load %arg2[%get3A_5] : memref<512xf32, #tpu.memory_space<vmem>>, vector<512xf32>
    %broadcast_in_dim3A = vector.shape_cast %get3A_6 : vector<512xf32> to vector<512x1xf32>
    %mul3A = vector.broadcast %broadcast_in_dim3A : vector<512x1xf32> to vector<512x128xf32>
    %mul3A_7 = arith.mulf %mul3A, %add3A : vector<512x128xf32>
    %get3A_8 = arith.constant 0 : index
    %get3A_9 = vector.load %arg3[%get3A_8] : memref<128xf32, #tpu.memory_space<vmem>>, vector<128xf32>
    %broadcast_in_dim3A_10 = vector.shape_cast %get3A_9 : vector<128xf32> to vector<1x128xf32>
    %add3A_11 = vector.broadcast %broadcast_in_dim3A_10 : vector<1x128xf32> to vector<512x128xf32>
    %add3A_12 = arith.addf %mul3A_7, %add3A_11 : vector<512x128xf32>
    %max3A = arith.constant 0.000000e+00 : f32
    %max3A_13 = vector.broadcast %max3A : f32 to vector<512x128xf32>
    %max3A_14 = arith.maximumf %add3A_12, %max3A_13 : vector<512x128xf32>
    %get3A_15 = arith.constant 0 : index
    %get3A_16 = arith.constant 0 : index
    %get3A_17 = vector.load %arg4[%get3A_15, %get3A_16] : memref<128x128xf32, #tpu.memory_space<vmem>>, vector<128x128xf32>
    %dot_general3A = arith.constant dense<0.000000e+00> : vector<512x128xf32>
    %dot_general3A_18 = tpu.matmul %max3A_14, %get3A_17, %dot_general3A {dimension_numbers = #tpu.dot_dimension_numbers<[1], [0], [0], [1], [0, 0, 1, 1], [], []>, transpose_lhs_hint = false} : vector<512x128xf32>, vector<128x128xf32>, vector<512x128xf32> -> vector<512x128xf32>
    %mul3A_19 = vector.broadcast %broadcast_in_dim3A : vector<512x1xf32> to vector<512x128xf32>
    %mul3A_20 = arith.mulf %mul3A_19, %dot_general3A_18 : vector<512x128xf32>
    %swap3A = arith.constant 0 : index
    %swap3A_21 = arith.constant 0 : index
    %swap3A_22 = vector.load %arg5[%swap3A, %swap3A_21] : memref<512x128xf32, #tpu.memory_space<vmem>>, vector<512x128xf32>
    tpu.vector_store %arg5[%swap3A, %swap3A_21], %mul3A_20 {strides = array<i32>} : memref<512x128xf32, #tpu.memory_space<vmem>>, vector<512x128xf32>,
    return
  }
  func.func @transform_0(%arg0: i32) -> (i32, i32, i32) {
    %c0_i32 = arith.constant 0 : i32
    %c0_i32_0 = arith.constant 0 : i32
    %c0_i32_1 = arith.constant 0 : i32
    return %c0_i32, %arg0, %c0_i32_0 : i32, i32, i32
  }
  func.func @transform_1(%arg0: i32) -> i32 {
    %c0_i32 = arith.constant 0 : i32
    return %arg0 : i32
  }
  func.func @transform_2(%arg0: i32) -> i32 {
    %c0_i32 = arith.constant 0 : i32
    %c0_i32_0 = arith.constant 0 : i32
    return %c0_i32 : i32
  }
  func.func @transform_3(%arg0: i32) -> (i32, i32) {
    %c0_i32 = arith.constant 0 : i32
    %c0_i32_0 = arith.constant 0 : i32
    %c0_i32_1 = arith.constant 0 : i32
    return %c0_i32, %c0_i32_0 : i32, i32
  }
  func.func @transform_4(%arg0: i32) -> (i32, i32) {
    %c0_i32 = arith.constant 0 : i32
    %c0_i32_0 = arith.constant 0 : i32
    return %arg0, %c0_i32 : i32, i32
  }
}

module attributes {stable_mosaic.version = 14 : i64} {
  func.func @_tc1_body(%arg0: i32, %arg1: memref<512x128xf32, #tpu.memory_space<vmem>>, %arg2: memref<128x128xf32, #tpu.memory_space<vmem>>, %arg3: memref<2x512x128xf32, #tpu.memory_space<vmem>>, %arg4: memref<512x128xf32, #tpu.memory_space<vmem>>, %arg5: memref<512xf32, #tpu.memory_space<vmem>>) attributes {dimension_semantics = [#tpu.dimension_semantics<arbitrary>], iteration_bounds = array<i64: 20>, scalar_prefetch = 0 : i64, scratch_operands = 0 : i64, tpu.core_type = #tpu.core_type<tc>, window_params = [{transform_indices = @transform_0, window_bounds = array<i64: 512, 128>}, {pipeline_mode = #tpu.pipeline_mode<synchronous>, transform_indices = @transform_1, window_bounds = array<i64: 128, 128>}, {transform_indices = @transform_2, window_bounds = array<i64: 2, 512, 128>}, {transform_indices = @transform_3, window_bounds = array<i64: 512, 128>}, {transform_indices = @transform_4, window_bounds = array<i64: 512>}]} {
    %get3A = arith.constant 0 : index
    %get3A_0 = arith.constant 0 : index
    %get3A_1 = arith.constant 0 : index
    %get3A_2 = vector.load %arg3[%get3A, %get3A_0, %get3A_1] : memref<2x512x128xf32, #tpu.memory_space<vmem>>, vector<2x512x128xf32>
    %slice3A = vector.extract_strided_slice %get3A_2 {offsets = [0, 0, 0], sizes = [1, 512, 128], strides = [1, 1, 1]} : vector<2x512x128xf32> to vector<1x512x128xf32>
    %squeeze3A = vector.shape_cast %slice3A : vector<1x512x128xf32> to vector<512x128xf32>
    %reduce_max3A = arith.constant dense<0xFF800000> : vector<512xf32>
    %reduce_max3A_3 = vector.multi_reduction <maximumf>, %squeeze3A, %reduce_max3A [1] : vector<512x128xf32> to vector<512xf32>
    %slice3A_4 = vector.extract_strided_slice %get3A_2 {offsets = [1, 0, 0], sizes = [1, 512, 128], strides = [1, 1, 1]} : vector<2x512x128xf32> to vector<1x512x128xf32>
    %squeeze3A_5 = vector.shape_cast %slice3A_4 : vector<1x512x128xf32> to vector<512x128xf32>
    %reduce_max3A_6 = arith.constant dense<0xFF800000> : vector<512xf32>
    %reduce_max3A_7 = vector.multi_reduction <maximumf>, %squeeze3A_5, %reduce_max3A_6 [1] : vector<512x128xf32> to vector<512xf32>
    %add3A = arith.addf %reduce_max3A_3, %reduce_max3A_7 : vector<512xf32>
    %add3A_8 = arith.constant 1.000000e+00 : f32
    %add3A_9 = vector.broadcast %add3A_8 : f32 to vector<512xf32>
    %add3A_10 = arith.addf %add3A, %add3A_9 : vector<512xf32>
    %rsqrt3A = math.rsqrt %add3A_10 : vector<512xf32>
    %swap3A = arith.constant 0 : index
    %swap3A_11 = vector.load %arg5[%swap3A] : memref<512xf32, #tpu.memory_space<vmem>>, vector<512xf32>
    tpu.vector_store %arg5[%swap3A], %rsqrt3A {strides = array<i32>} : memref<512xf32, #tpu.memory_space<vmem>>, vector<512xf32>,
    %broadcast_in_dim3A = vector.shape_cast %rsqrt3A : vector<512xf32> to vector<512x1xf32>
    %get3A_12 = arith.constant 0 : index
    %get3A_13 = arith.constant 0 : index
    %get3A_14 = vector.load %arg1[%get3A_12, %get3A_13] : memref<512x128xf32, #tpu.memory_space<vmem>>, vector<512x128xf32>
    %get3A_15 = arith.constant 0 : index
    %get3A_16 = arith.constant 0 : index
    %get3A_17 = vector.load %arg2[%get3A_15, %get3A_16] : memref<128x128xf32, #tpu.memory_space<vmem>>, vector<128x128xf32>
    %dot_general3A = arith.constant dense<0.000000e+00> : vector<512x128xf32>
    %dot_general3A_18 = tpu.matmul %get3A_14, %get3A_17, %dot_general3A {dimension_numbers = #tpu.dot_dimension_numbers<[1], [0], [0], [1], [0, 0, 1, 1], [], []>, transpose_lhs_hint = false} : vector<512x128xf32>, vector<128x128xf32>, vector<512x128xf32> -> vector<512x128xf32>
    %mul3A = vector.broadcast %broadcast_in_dim3A : vector<512x1xf32> to vector<512x128xf32>
    %mul3A_19 = arith.mulf %mul3A, %dot_general3A_18 : vector<512x128xf32>
    %swap3A_20 = arith.constant 0 : index
    %swap3A_21 = arith.constant 0 : index
    %swap3A_22 = vector.load %arg4[%swap3A_20, %swap3A_21] : memref<512x128xf32, #tpu.memory_space<vmem>>, vector<512x128xf32>
    tpu.vector_store %arg4[%swap3A_20, %swap3A_21], %mul3A_19 {strides = array<i32>} : memref<512x128xf32, #tpu.memory_space<vmem>>, vector<512x128xf32>,
    return
  }
  func.func @transform_0(%arg0: i32) -> (i32, i32) {
    %c0_i32 = arith.constant 0 : i32
    %c0_i32_0 = arith.constant 0 : i32
    return %arg0, %c0_i32 : i32, i32
  }
  func.func @transform_1(%arg0: i32) -> (i32, i32) {
    %c0_i32 = arith.constant 0 : i32
    %c0_i32_0 = arith.constant 0 : i32
    %c0_i32_1 = arith.constant 0 : i32
    return %c0_i32, %c0_i32_0 : i32, i32
  }
  func.func @transform_2(%arg0: i32) -> (i32, i32, i32) {
    %c0_i32 = arith.constant 0 : i32
    %c0_i32_0 = arith.constant 0 : i32
    %c0_i32_1 = arith.constant 0 : i32
    return %c0_i32, %arg0, %c0_i32_0 : i32, i32, i32
  }
  func.func @transform_3(%arg0: i32) -> (i32, i32) {
    %c0_i32 = arith.constant 0 : i32
    %c0_i32_0 = arith.constant 0 : i32
    return %arg0, %c0_i32 : i32, i32
  }
  func.func @transform_4(%arg0: i32) -> i32 {
    %c0_i32 = arith.constant 0 : i32
    return %arg0 : i32
  }
}

module attributes {stable_mosaic.version = 14 : i64} {
  func.func @_tcf_body(%arg0: i32, %arg1: memref<2x512x128xf32, #tpu.memory_space<vmem>>, %arg2: memref<512xf32, #tpu.memory_space<vmem>>, %arg3: memref<128xf32, #tpu.memory_space<vmem>>, %arg4: memref<512xi32, #tpu.memory_space<vmem>>, %arg5: memref<128x64xf32, #tpu.memory_space<vmem>>, %arg6: memref<64xf32, #tpu.memory_space<vmem>>, %arg7: memref<64x1xf32, #tpu.memory_space<vmem>>, %arg8: memref<1xf32, #tpu.memory_space<vmem>>, %arg9: memref<512x1xf32, #tpu.memory_space<vmem>>, %arg10: memref<512x128xf32, #tpu.memory_space<vmem>>, %arg11: memref<512xf32, #tpu.memory_space<vmem>>) attributes {dimension_semantics = [#tpu.dimension_semantics<arbitrary>], iteration_bounds = array<i64: 20>, scalar_prefetch = 0 : i64, scratch_operands = 2 : i64, tpu.core_type = #tpu.core_type<tc>, window_params = [{transform_indices = @transform_0, window_bounds = array<i64: 2, 512, 128>}, {transform_indices = @transform_1, window_bounds = array<i64: 512>}, {pipeline_mode = #tpu.pipeline_mode<synchronous>, transform_indices = @transform_2, window_bounds = array<i64: 128>}, {transform_indices = @transform_3, window_bounds = array<i64: 512>}, {pipeline_mode = #tpu.pipeline_mode<synchronous>, transform_indices = @transform_4, window_bounds = array<i64: 128, 64>}, {pipeline_mode = #tpu.pipeline_mode<synchronous>, transform_indices = @transform_5, window_bounds = array<i64: 64>}, {pipeline_mode = #tpu.pipeline_mode<synchronous>, transform_indices = @transform_6, window_bounds = array<i64: 64, 1>}, {pipeline_mode = #tpu.pipeline_mode<synchronous>, transform_indices = @transform_7, window_bounds = array<i64: 1>}, {pipeline_mode = #tpu.pipeline_mode<synchronous>, transform_indices = @transform_8, window_bounds = array<i64: 512, 1>}]} {
    %eq3A = arith.constant 0 : i32
    %eq3A_0 = arith.cmpi eq, %arg0, %eq3A : i32
    %convert_element_type3A = arith.extui %eq3A_0 : i1 to i32
    %cond3A = arith.constant 0 : i32
    %cond3A_1 = arith.cmpi ne, %convert_element_type3A, %cond3A : i32
    scf.if %cond3A_1 {
      %broadcast_in_dim3A_58 = arith.constant 0.000000e+00 : f32
      %broadcast_in_dim3A_59 = vector.broadcast %broadcast_in_dim3A_58 : f32 to vector<512x128xf32>
      %swap3A_60 = arith.constant 0 : index
      %swap3A_61 = arith.constant 0 : index
      %swap3A_62 = vector.load %arg10[%swap3A_60, %swap3A_61] : memref<512x128xf32, #tpu.memory_space<vmem>>, vector<512x128xf32>
      tpu.vector_store %arg10[%swap3A_60, %swap3A_61], %broadcast_in_dim3A_59 {strides = array<i32>} : memref<512x128xf32, #tpu.memory_space<vmem>>, vector<512x128xf32>,
      %broadcast_in_dim3A_63 = arith.constant 0.000000e+00 : f32
      %broadcast_in_dim3A_64 = vector.broadcast %broadcast_in_dim3A_63 : f32 to vector<512xf32>
      %swap3A_65 = arith.constant 0 : index
      %swap3A_66 = vector.load %arg11[%swap3A_65] : memref<512xf32, #tpu.memory_space<vmem>>, vector<512xf32>
      tpu.vector_store %arg11[%swap3A_65], %broadcast_in_dim3A_64 {strides = array<i32>} : memref<512xf32, #tpu.memory_space<vmem>>, vector<512xf32>,
    } else {
    }
    %get3A = arith.constant 0 : index
    %get3A_2 = arith.constant 0 : index
    %get3A_3 = arith.constant 0 : index
    %get3A_4 = vector.load %arg1[%get3A, %get3A_2, %get3A_3] : memref<2x512x128xf32, #tpu.memory_space<vmem>>, vector<2x512x128xf32>
    %slice3A = vector.extract_strided_slice %get3A_4 {offsets = [0, 0, 0], sizes = [1, 512, 128], strides = [1, 1, 1]} : vector<2x512x128xf32> to vector<1x512x128xf32>
    %squeeze3A = vector.shape_cast %slice3A : vector<1x512x128xf32> to vector<512x128xf32>
    %slice3A_5 = vector.extract_strided_slice %get3A_4 {offsets = [1, 0, 0], sizes = [1, 512, 128], strides = [1, 1, 1]} : vector<2x512x128xf32> to vector<1x512x128xf32>
    %squeeze3A_6 = vector.shape_cast %slice3A_5 : vector<1x512x128xf32> to vector<512x128xf32>
    %add3A = arith.addf %squeeze3A, %squeeze3A_6 : vector<512x128xf32>
    %get3A_7 = arith.constant 0 : index
    %get3A_8 = vector.load %arg2[%get3A_7] : memref<512xf32, #tpu.memory_space<vmem>>, vector<512xf32>
    %broadcast_in_dim3A = vector.shape_cast %get3A_8 : vector<512xf32> to vector<512x1xf32>
    %mul3A = vector.broadcast %broadcast_in_dim3A : vector<512x1xf32> to vector<512x128xf32>
    %mul3A_9 = arith.mulf %mul3A, %add3A : vector<512x128xf32>
    %get3A_10 = arith.constant 0 : index
    %get3A_11 = vector.load %arg3[%get3A_10] : memref<128xf32, #tpu.memory_space<vmem>>, vector<128xf32>
    %broadcast_in_dim3A_12 = vector.shape_cast %get3A_11 : vector<128xf32> to vector<1x128xf32>
    %add3A_13 = vector.broadcast %broadcast_in_dim3A_12 : vector<1x128xf32> to vector<512x128xf32>
    %add3A_14 = arith.addf %mul3A_9, %add3A_13 : vector<512x128xf32>
    %max3A = arith.constant 0.000000e+00 : f32
    %max3A_15 = vector.broadcast %max3A : f32 to vector<512x128xf32>
    %max3A_16 = arith.maximumf %add3A_14, %max3A_15 : vector<512x128xf32>
    %mul3A_17 = arith.constant 512 : i32
    %mul3A_18 = arith.muli %arg0, %mul3A_17 : i32
    %iota3A = tpu.iota {dimensions = array<i32: 0>} : vector<512x128xi32>
    %add3A_19 = vector.broadcast %mul3A_18 : i32 to vector<512x128xi32>
    %add3A_20 = arith.addi %add3A_19, %iota3A : vector<512x128xi32>
    %lt3A = arith.constant 10000 : i32
    %lt3A_21 = vector.broadcast %lt3A : i32 to vector<512x128xi32>
    %lt3A_22 = arith.cmpi slt, %add3A_20, %lt3A_21 : vector<512x128xi32>
    %jit3A = arith.constant 0.000000e+00 : f32
    %broadcast_in_dim3A_23 = vector.broadcast %jit3A : f32 to vector<512x128xf32>
    %select_n3A = arith.select %lt3A_22, %max3A_16, %broadcast_in_dim3A_23 : vector<512x128xi1>, vector<512x128xf32>
    %get3A_24 = arith.constant 0 : index
    %get3A_25 = vector.load %arg4[%get3A_24] : memref<512xi32, #tpu.memory_space<vmem>>, vector<512xi32>
    %broadcast_in_dim3A_26 = vector.shape_cast %get3A_25 : vector<512xi32> to vector<512x1xi32>
    %iota3A_27 = tpu.iota {dimensions = array<i32: 1>} : vector<512x512xi32>
    %mul3A_28 = arith.constant 512 : i32
    %mul3A_29 = arith.muli %arg0, %mul3A_28 : i32
    %iota3A_30 = tpu.iota {dimensions = array<i32: 0>} : vector<512x512xi32>
    %add3A_31 = vector.broadcast %mul3A_29 : i32 to vector<512x512xi32>
    %add3A_32 = arith.addi %add3A_31, %iota3A_30 : vector<512x512xi32>
    %eq3A_33 = vector.broadcast %broadcast_in_dim3A_26 : vector<512x1xi32> to vector<512x512xi32>
    %eq3A_34 = arith.cmpi eq, %eq3A_33, %iota3A_27 : vector<512x512xi32>
    %lt3A_35 = arith.constant 10000 : i32
    %lt3A_36 = vector.broadcast %lt3A_35 : i32 to vector<512x512xi32>
    %lt3A_37 = arith.cmpi slt, %add3A_32, %lt3A_36 : vector<512x512xi32>
    %and3A = arith.andi %eq3A_34, %lt3A_37 : vector<512x512xi1>
    %convert_element_type3A_38 = arith.extui %and3A : vector<512x512xi1> to vector<512x512xi32>
    %convert_element_type3A_39 = arith.sitofp %convert_element_type3A_38 : vector<512x512xi32> to vector<512x512xf32>
    %get3A_40 = arith.constant 0 : index
    %get3A_41 = arith.constant 0 : index
    %get3A_42 = vector.load %arg10[%get3A_40, %get3A_41] : memref<512x128xf32, #tpu.memory_space<vmem>>, vector<512x128xf32>
    %dot_general3A = arith.constant dense<0.000000e+00> : vector<512x128xf32>
    %dot_general3A_43 = tpu.matmul %convert_element_type3A_39, %select_n3A, %dot_general3A {dimension_numbers = #tpu.dot_dimension_numbers<[0], [0], [1], [1], [0, 1, 1, 1], [], []>, transpose_lhs_hint = false} : vector<512x512xf32>, vector<512x128xf32>, vector<512x128xf32> -> vector<512x128xf32>
    %add3A_44 = arith.addf %get3A_42, %dot_general3A_43 : vector<512x128xf32>
    %swap3A = arith.constant 0 : index
    %swap3A_45 = arith.constant 0 : index
    %swap3A_46 = vector.load %arg10[%swap3A, %swap3A_45] : memref<512x128xf32, #tpu.memory_space<vmem>>, vector<512x128xf32>
    tpu.vector_store %arg10[%swap3A, %swap3A_45], %add3A_44 {strides = array<i32>} : memref<512x128xf32, #tpu.memory_space<vmem>>, vector<512x128xf32>,
    %get3A_47 = arith.constant 0 : index
    %get3A_48 = vector.load %arg11[%get3A_47] : memref<512xf32, #tpu.memory_space<vmem>>, vector<512xf32>
    %reduce_sum3A = arith.constant dense<0.000000e+00> : vector<512xf32>
    %reduce_sum3A_49 = vector.multi_reduction <add>, %convert_element_type3A_39, %reduce_sum3A [0] : vector<512x512xf32> to vector<512xf32>
    %add3A_50 = arith.addf %get3A_48, %reduce_sum3A_49 : vector<512xf32>
    %swap3A_51 = arith.constant 0 : index
    %swap3A_52 = vector.load %arg11[%swap3A_51] : memref<512xf32, #tpu.memory_space<vmem>>, vector<512xf32>
    tpu.vector_store %arg11[%swap3A_51], %add3A_50 {strides = array<i32>} : memref<512xf32, #tpu.memory_space<vmem>>, vector<512xf32>,
    %eq3A_53 = arith.constant 19 : i32
    %eq3A_54 = arith.cmpi eq, %arg0, %eq3A_53 : i32
    %convert_element_type3A_55 = arith.extui %eq3A_54 : i1 to i32
    %cond3A_56 = arith.constant 0 : i32
    %cond3A_57 = arith.cmpi ne, %convert_element_type3A_55, %cond3A_56 : i32
    scf.if %cond3A_57 {
      %get3A_58 = arith.constant 0 : index
      %get3A_59 = arith.constant 0 : index
      %get3A_60 = vector.load %arg10[%get3A_58, %get3A_59] : memref<512x128xf32, #tpu.memory_space<vmem>>, vector<512x128xf32>
      %get3A_61 = arith.constant 0 : index
      %get3A_62 = vector.load %arg11[%get3A_61] : memref<512xf32, #tpu.memory_space<vmem>>, vector<512xf32>
      %jit3A_63 = arith.constant 1.000000e+00 : f32
      %max3A_64 = vector.broadcast %jit3A_63 : f32 to vector<512xf32>
      %max3A_65 = arith.maximumf %max3A_64, %get3A_62 : vector<512xf32>
      %broadcast_in_dim3A_66 = vector.shape_cast %max3A_65 : vector<512xf32> to vector<512x1xf32>
      %div3A = vector.broadcast %broadcast_in_dim3A_66 : vector<512x1xf32> to vector<512x128xf32>
      %div3A_67 = arith.divf %get3A_60, %div3A : vector<512x128xf32>
      %get3A_68 = arith.constant 0 : index
      %get3A_69 = arith.constant 0 : index
      %get3A_70 = vector.load %arg5[%get3A_68, %get3A_69] : memref<128x64xf32, #tpu.memory_space<vmem>>, vector<128x64xf32>
      %dot_general3A_71 = arith.constant dense<0.000000e+00> : vector<512x64xf32>
      %dot_general3A_72 = tpu.matmul %div3A_67, %get3A_70, %dot_general3A_71 {dimension_numbers = #tpu.dot_dimension_numbers<[1], [0], [0], [1], [0, 0, 1, 1], [], []>, transpose_lhs_hint = false} : vector<512x128xf32>, vector<128x64xf32>, vector<512x64xf32> -> vector<512x64xf32>
      %get3A_73 = arith.constant 0 : index
      %get3A_74 = vector.load %arg6[%get3A_73] : memref<64xf32, #tpu.memory_space<vmem>>, vector<64xf32>
      %broadcast_in_dim3A_75 = vector.shape_cast %get3A_74 : vector<64xf32> to vector<1x64xf32>
      %add3A_76 = vector.broadcast %broadcast_in_dim3A_75 : vector<1x64xf32> to vector<512x64xf32>
      %add3A_77 = arith.addf %dot_general3A_72, %add3A_76 : vector<512x64xf32>
      %max3A_78 = arith.constant 0.000000e+00 : f32
      %max3A_79 = vector.broadcast %max3A_78 : f32 to vector<512x64xf32>
      %max3A_80 = arith.maximumf %add3A_77, %max3A_79 : vector<512x64xf32>
      %get3A_81 = arith.constant 0 : index
      %get3A_82 = arith.constant 0 : index
      %get3A_83 = vector.load %arg7[%get3A_81, %get3A_82] : memref<64x1xf32, #tpu.memory_space<vmem>>, vector<64x1xf32>
      %dot_general3A_84 = arith.constant dense<0.000000e+00> : vector<512x1xf32>
      %dot_general3A_85 = tpu.matmul %max3A_80, %get3A_83, %dot_general3A_84 {dimension_numbers = #tpu.dot_dimension_numbers<[1], [0], [0], [1], [0, 0, 1, 1], [], []>, transpose_lhs_hint = false} : vector<512x64xf32>, vector<64x1xf32>, vector<512x1xf32> -> vector<512x1xf32>
      %get3A_86 = arith.constant 0 : index
      %get3A_87 = vector.load %arg8[%get3A_86] : memref<1xf32, #tpu.memory_space<vmem>>, vector<1xf32>
      %broadcast_in_dim3A_88 = vector.shape_cast %get3A_87 : vector<1xf32> to vector<1x1xf32>
      %add3A_89 = vector.broadcast %broadcast_in_dim3A_88 : vector<1x1xf32> to vector<512x1xf32>
      %add3A_90 = arith.addf %dot_general3A_85, %add3A_89 : vector<512x1xf32>
      %swap3A_91 = arith.constant 0 : index
      %swap3A_92 = arith.constant 0 : index
      %swap3A_93 = vector.load %arg9[%swap3A_91, %swap3A_92] : memref<512x1xf32, #tpu.memory_space<vmem>>, vector<512x1xf32>
      tpu.vector_store %arg9[%swap3A_91, %swap3A_92], %add3A_90 {strides = array<i32>} : memref<512x1xf32, #tpu.memory_space<vmem>>, vector<512x1xf32>,
    } else {
    }
    return
  }
  func.func @transform_0(%arg0: i32) -> (i32, i32, i32) {
    %c0_i32 = arith.constant 0 : i32
    %c0_i32_0 = arith.constant 0 : i32
    %c0_i32_1 = arith.constant 0 : i32
    return %c0_i32, %arg0, %c0_i32_0 : i32, i32, i32
  }
  func.func @transform_1(%arg0: i32) -> i32 {
    %c0_i32 = arith.constant 0 : i32
    return %arg0 : i32
  }
  func.func @transform_2(%arg0: i32) -> i32 {
    %c0_i32 = arith.constant 0 : i32
    %c0_i32_0 = arith.constant 0 : i32
    return %c0_i32 : i32
  }
  func.func @transform_3(%arg0: i32) -> i32 {
    %c0_i32 = arith.constant 0 : i32
    return %arg0 : i32
  }
  func.func @transform_4(%arg0: i32) -> (i32, i32) {
    %c0_i32 = arith.constant 0 : i32
    %c0_i32_0 = arith.constant 0 : i32
    %c0_i32_1 = arith.constant 0 : i32
    return %c0_i32, %c0_i32_0 : i32, i32
  }
  func.func @transform_5(%arg0: i32) -> i32 {
    %c0_i32 = arith.constant 0 : i32
    %c0_i32_0 = arith.constant 0 : i32
    return %c0_i32 : i32
  }
  func.func @transform_6(%arg0: i32) -> (i32, i32) {
    %c0_i32 = arith.constant 0 : i32
    %c0_i32_0 = arith.constant 0 : i32
    %c0_i32_1 = arith.constant 0 : i32
    return %c0_i32, %c0_i32_0 : i32, i32
  }
  func.func @transform_7(%arg0: i32) -> i32 {
    %c0_i32 = arith.constant 0 : i32
    %c0_i32_0 = arith.constant 0 : i32
    return %c0_i32 : i32
  }
  func.func @transform_8(%arg0: i32) -> (i32, i32) {
    %c0_i32 = arith.constant 0 : i32
    %c0_i32_0 = arith.constant 0 : i32
    %c0_i32_1 = arith.constant 0 : i32
    return %c0_i32, %c0_i32_0 : i32, i32
  }
}

</mosaic_0001>

<sc_bundles>
// kernel: _run.10.cloned.1.call-start
scs
__scs_entry_jumppad:
0x0: {  	(pc) =	sbr.rel $0x88, $3  }
0x1: {  	(tag) =	ssettag $0x0;
	lr =	simm.s32 $0x1  }
0x2: {  	[smem:$0x3F94] =	sst lr;
	_ =	strace $0xD0000000  }
0x3: {  	_ = 	snop  }
0x4: {  	_ = 	snop  }
0x5: {  	_ = 	snop  }
0x6: {  	_ = 	snop  }
0x7: {  	_ = 	snop  }
__scs_overlays_trampoline_lowered:
0x8: {  	[smem:$0x3FA3] =	sst s0  }
0x9: {  	[smem:$0x3FA4] =	sst s1  }
0xa: {  	[smem:$0x3FA5] =	sst s2  }
0xb: {  	[smem:$0x3FA6] =	sst s3  }
0xc: {  	[smem:$0x3FA7] =	sst s4  }
0xd: {  	[smem:$0x3FA8] =	sst s5  }
0xe: {  	[smem:$0x3FA9] =	sst s6  }
0xf: {  	[smem:$0x3FAA] =	sst s7  }
0x10: {  	[smem:$0x3FAB] =	sst s8  }
0x11: {  	[smem:$0x3FAC] =	sst s9;
	s0 =	simm.s32 @!p0 $0x0  }
0x12: {  	s1 =	sld [smem:$0x3F92];
	s0 =	simm.s32 @p0 $0x1  }
0x13: {  	[smem:$0x3FAD] =	sst s0;
	s0 =	simm.s32 @!p1 $0x0  }
0x14: {  	s2 =	sld [smem:$0x3F91];
	s0 =	simm.s32 @p1 $0x1  }
0x15: {  	[smem:$0x3FAE] =	sst s0;
	s0 =	simm.s32 @!p2 $0x0  }
0x16: {  	s3 =	sld [smem:$0x3FDB];
	s0 =	simm.s32 @p2 $0x1  }
0x17: {  	s4 =	simm.s32 $0x1BF5;
	[smem:$0x3FB0] =	sst s0  }
0x18: {  	s0 =	sld [smem:$0x3F93];
	_ =	swait.ge [sflag:s4], $0x0  }
0x19: {  	s7 =	sld [smem:$0x3F94]  }
0x1a: {  	s8 =	sadd.s32 $0xFFFFE003, lr  }
0x1b: {  	s9 =	sadd.s32 $0xFFFFFEF7, lr;
	s5 =	simm.s32 $0xFFFFFFFF;
	p2 =	slt.u32 s8, $0xFFFFF086  }
0x1c: {  	p1 =	slt.u32 s9, $0xF7A;
	s5 =	simm.s32 @!p2 $0x0  }
0x1d: {  	s5 =	simm.s32 @p1 $0x1;
	p0 =	seq.s32 s7, s2  }
0x1e: {  	s7 =	smul.u32 @!p0 $0xF7A, s2;
	p2 =	seq.s32 @!p0 s5, $0x0  }
0x1f: {  	s9 =	smul.u32 $0xF7A, s1;
	s8 =	simm.s32 @!p0 $0x1BF5;
	p2 =	por !p2, p0  }
0x20: {  	[sflag:s8] =	ssyncset.s32 @!p0 $0xFFFFF086;
	s6 =	sadd.s32 @!p0 s3, s7;
	s7 =	simm.s32 @!p0 $0x108  }
0x21: {  	s3 =	sadd.s32 s3, s9;
	s6 =	sadd.s32 @!p0 $0x88, s6;
	s7 =	simm.s32 @p2 $0x1082  }
0x22: {  	[simem:s7], [sflag:s8] =	dma.local @!p0 [hbm:s6], $0xF7A  }
0x23: {  	s9 =	sor.u32 $0xD0000000, s2;
	s6 =	simm.s32 $0x108;
	_ =	swait.ge @!p0 [sflag:s8], $0x0  }
0x24: {  	s3 =	sadd.s32 $0x88, s3;
	s6 =	simm.s32 @!p1 $0x1082;
	[sflag:s4] =	ssyncset.s32 $0xFFFFF086  }
0x25: {  	[simem:s6], [sflag:s4] =	dma.local [hbm:s3], $0xF7A  }
0x26: {  	[smem:$0x3F94] =	sst s1;
	(tag) =	ssettag s2;
	_ =	strace s9  }
0x27: {  	s1 =	sld [smem:$0x3FA4]  }
0x28: {  	s2 =	sld [smem:$0x3FA5]  }
0x29: {  	s4 =	sld [smem:$0x3FA7]  }
0x2a: {  	p0 =	seq.s32 s5, $0x0;
	s5 =	sld [smem:$0x3FA8]  }
0x2b: {  	s6 =	sld [smem:$0x3FA9]  }
0x2c: {  	s7 =	sld [smem:$0x3FAA]  }
0x2d: {  	s3 =	simm.s32 $0x108;
	s8 =	sld [smem:$0x3FAB]  }
0x2e: {  	s3 =	simm.s32 @!p0 $0x1082;
	s9 =	sld [smem:$0x3FAC]  }
0x2f: {  	lr =	sadd.s32 s0, s3;
	s0 =	sld [smem:$0x3FA3]  }
0x30: {  	s3 =	sld [smem:$0x3FA6]  }
0x31: {  	[smem:$0x3FAF] =	sst s10  }
0x32: {  	s10 =	sld [smem:$0x3FAD];
	_ =	sdelay $0x3  }
0x33: {  	p0 =	seq.s32 s10, $0x1;
	s10 =	sld [smem:$0x3FAF];
	_ =	sdelay $0x3  }
0x34: {  	[smem:$0x3FAF] =	sst s10  }
0x35: {  	s10 =	sld [smem:$0x3FAE];
	_ =	sdelay $0x3  }
0x36: {  	p1 =	seq.s32 s10, $0x1;
	s10 =	sld [smem:$0x3FAF];
	_ =	sdelay $0x3  }
0x37: {  	[smem:$0x3FAF] =	sst s10  }
0x38: {  	s10 =	sld [smem:$0x3FB0]  }
0x39: {  	_ = 	snop;
	(pc) =	sbr.ind lr, $3  }
0x3a: {  	_ = 	snop  }
0x3b: {  	_ = 	snop  }
0x3c: {  	p2 =	seq.s32 s10, $0x1;
	s10 =	sld [smem:$0x3FAF]  }
0x3d: {  	_ =	shalt  }
0x3e: {  	_ =	shalt  }
0x3f: {  	_ =	shalt  }
0x40: {  	_ =	shalt  }
0x41: {  	_ =	shalt  }
0x42: {  	_ =	shalt  }
0x43: {  	_ =	shalt  }
0x44: {  	_ =	shalt  }
0x45: {  	_ =	shalt  }
0x46: {  	_ =	shalt  }
0x47: {  	_ =	shalt  }
0x48: {  	_ =	shalt  }
0x49: {  	_ =	shalt  }
0x4a: {  	_ =	shalt  }
0x4b: {  	_ =	shalt  }
0x4c: {  	_ =	shalt  }
0x4d: {  	_ =	shalt  }
0x4e: {  	_ =	shalt  }
0x4f: {  	_ =	shalt  }
0x50: {  	_ =	shalt  }
0x51: {  	_ =	shalt  }
0x52: {  	_ =	shalt  }
0x53: {  	_ =	shalt  }
0x54: {  	_ =	shalt  }
0x55: {  	_ =	shalt  }
0x56: {  	_ =	shalt  }
0x57: {  	_ =	shalt  }
0x58: {  	_ =	shalt  }
0x59: {  	_ =	shalt  }
0x5a: {  	_ =	shalt  }
0x5b: {  	_ =	shalt  }
0x5c: {  	_ =	shalt  }
0x5d: {  	_ =	shalt  }
0x5e: {  	_ =	shalt  }
0x5f: {  	_ =	shalt  }
0x60: {  	_ =	shalt  }
0x61: {  	_ =	shalt  }
0x62: {  	_ =	shalt  }
0x63: {  	_ =	shalt  }
0x64: {  	_ =	shalt  }
0x65: {  	_ =	shalt  }
0x66: {  	_ =	shalt  }
0x67: {  	_ =	shalt  }
0x68: {  	_ =	shalt  }
0x69: {  	_ =	shalt  }
0x6a: {  	_ =	shalt  }
0x6b: {  	_ =	shalt  }
0x6c: {  	_ =	shalt  }
0x6d: {  	_ =	shalt  }
0x6e: {  	_ =	shalt  }
0x6f: {  	_ =	shalt  }
0x70: {  	_ =	shalt  }
0x71: {  	_ =	shalt  }
0x72: {  	_ =	shalt  }
0x73: {  	_ =	shalt  }
0x74: {  	_ =	shalt  }
0x75: {  	_ =	shalt  }
0x76: {  	_ =	shalt  }
0x77: {  	_ =	shalt  }
0x78: {  	_ =	shalt  }
0x79: {  	_ =	shalt  }
0x7a: {  	_ =	shalt  }
0x7b: {  	_ =	shalt  }
0x7c: {  	_ =	shalt  }
0x7d: {  	_ =	shalt  }
0x7e: {  	_ =	shalt  }
0x7f: {  	_ =	shalt  }
0x80: {  	_ =	shalt  }
0x81: {  	_ =	shalt  }
0x82: {  	_ =	shalt  }
0x83: {  	_ =	shalt  }
0x84: {  	_ =	shalt  }
0x85: {  	_ =	shalt  }
0x86: {  	_ =	shalt  }
0x87: {  	_ =	shalt  }
.Lfunc_end0:
.L_simem_size_0:
called_computation_lowered:
.L_overlay_start_0:
0x88: {  	s2 =	sld [smem:$0x3FD9]  }
0x89: {  	s3 =	sld [smem:$0x3FFE];
	_ =	sdelay $0x1  }
0x8a: {  	s1 =	srdreg.scid  }
0x8b: {  	s0 =	sand.u32 $0x1, s1  }
0x8c: {  	s16 =	sshll.u32 s0, $0xA;
	s2 =	sadd.s32 s3, s2  }
0x8d: {  	s2 =	sadd.s32 s2, s16  }
0x8e: {  	[smem:$0x3FBB] =	sst s2  }
0x8f: {  	_ = 	snop  }
0x90: {  	(tm) =	ssettm $0x1  }
0x91: {  	s17 =	sld [smem:$0x3FFB];
	_ =	sdelay $0x3  }
0x92: {  	_ =	strace s17  }
0x93: {  	s2 =	sld [smem:$0x3FFC];
	_ =	sdelay $0x3  }
0x94: {  	_ =	strace s2  }
0x95: {  	s2 =	sld [smem:$0x3FFD];
	_ =	sdelay $0x3  }
0x96: {  	_ =	strace s2  }
0x97: {  	_ =	strace $0x8FFFFFFF  }
0x98: {  	s18 =	sld [smem:$0x3FDB];
	_ =	sdelay $0x1  }
0x99: {  	s19 =	simm.s32 $_scs_section_size  }
0x9a: {  	s4 =	simm.s32 $_size__tile_overlayer_lowered;
	s5 =	simm.s32 $_tile_overlayer_lowered  }
0x9b: {  	s22 =	simm.s32 $0x1BFF;
	s21 =	sshll.u32 s5, $0x1;
	s2 =	sadd.s32 s19, s18  }
0x9c: {  	s6 =	simm.s32 $0x0;
	s20 =	sshll.u32 s4, $0x1;
	s4 =	sadd.s32 s21, s2  }
0x9d: {  	[timem:s6], [sflag:s22] =	dma.local [hbm:s4], s20  }
0x9e: {  	_ =	swait.ge [sflag:s22], s20  }
0x9f: {  	s3 =	ssub.s32 $0x0, s20;
	[sflag:s22] =	ssyncset.done $0x0  }
0xa0: {  	[sflag:s22] =	ssyncadd.s32 s3;
	_ =	sdelay $0x1  }
0xa1: {  	s23 =	simm.s32 $0x1B8B  }
0xa2: {  	_ =	swait.ge [sflag:s23], $0x1  }
0xa3: {  	[sflag:s23] =	ssyncset.done $0x0  }
0xa4: {  	s25 =	simm.s32 $0x1B8E;
	s24 =	sld [smem:$0x3FFE];
	[sflag:s23] =	ssyncadd.s32 $0xFFFFFFFF  }
0xa5: {  	s26 =	simm.s32 $execute0_lowered;
	[smem:$0x3FD2] =	sst s25  }
0xa6: {  	s4 =	sshll.u32 s26, $0x1;
	_ =	strace $0x80000046;
	[dreg:$0x1] =	wrdreg $0xFFFFFFFF  }
0xa7: {  	s28 =	simm.s32 $_size_execute0_lowered;
	s2 =	sadd.s32 s2, s4;
	[dreg:$0x0] =	wrdreg $0x0  }
0xa8: {  	s4 =	sshll.u32 s28, $0x1;
	[dreg:$0x2] =	wrdreg s2  }
0xa9: {  	[dreg:$0x3] =	wrdreg s4  }
0xaa: {  	[dreg:$0x4] =	wrdreg $0xC0  }
0xab: {  	_ =	task [dreg:s6], $0x5FFFF  }
0xac: {  	[dreg:$0x1] =	wrdreg $0xFFFFFFFF  }
0xad: {  	[dreg:$0x0] =	wrdreg $0x60  }
0xae: {  	[dreg:$0x2] =	wrdreg s24  }
0xaf: {  	[dreg:$0x3] =	wrdreg $0x0  }
0xb0: {  	[dreg:$0x4] =	wrdreg $0x9  }
0xb1: {  	_ =	task.clear_ibuf [dreg:s6], $0x5FFFF;
	_ =	strace $0x90000046  }
0xb2: {  	s29 =	simm.s32 $0x9;
	_ =	strace $0x80000048  }
0xb3: {  	_ =	swait.ge [sflag:s29], $0x1  }
0xb4: {  	[sflag:s29] =	ssyncadd.s32 $0xFFFFFFFF  }
0xb5: {  	_ =	strace $0x90000048  }
0xb6: {  	_ =	sfence  }
0xb7: {  	s30 =	sld [smem:$0x0];
	_ =	sdelay $0x2  }
0xb8: {  	s31 =	sshll.u32 s1, $0xD;
	s1 =	sshrl.u32 s1, $0x2  }
0xb9: {  	s3 =	sand.u32 $0x4000, s31;
	s1 =	sadd.s32 s1, s30  }
0xba: {  	s0 =	sor.u32 s3, s0;
	s1 =	sshll.u32 s1, $0x11  }
0xbb: {  	s0 =	sor.u32 s1, s0  }
0xbc: {  	s0 =	sadd.s32 $0x8F2B, s0  }
0xbd: {  	[sflag:s0] =	ssyncadd.remote.s32 $0x1  }
0xbe: {  	_ =	sfence.sel $0xFFFF  }
0xbf: {  	[dreg:$0x0] =	wrdreg $0xFFFFFFFF;
	(pc) =	sbr.abs _section_cstart, $3  }
0xc0: {  	[dreg:$0x1] =	wrdreg $0xFFFFFFFF  }
0xc1: {  	_ =	task.clear_ibuf [dreg:s6], $0x2FFFF;
	_ =	strace $0x9FFFFFFF  }
0xc2: {  	(tm) =	ssettm $0x7FFFFFFF  }
0xc3: {  	_ =	shalt  }
tec
execute0_lowered:
.L_overlay_start_1:
0x0: {  	(tag) =	ssettag $0x1  }
0x1: {  	s6 =	rddreg [dreg:$0x0]  }
0x2: {  	s2 =	rddreg [dreg:$0x1];
	s0 =	stileid.u32  }
0x3: {  	s4 =	srdreg.scid;
	s1 =	rddreg [dreg:$0x2]  }
0x4: {  	s3 =	simm.s32 $0x0;
	s15 =	simm.s32 $0x13C00;
	s16 =	simm.s32 $0x17C00  }
0x5: {  	s17 =	simm.s32 $0x17C80;
	s18 =	simm.s32 $0x2;
	s5 =	smul.u32 $0x13C00, s0  }
0x6: {  	s19 =	simm.s32 $0x80;
	s20 =	simm.s32 $0x1;
	s10 =	smul.u32 $0x4F000, s0  }
0x7: {  	s21 =	simm.s32 $0x0;
	s7 =	sand.u32 $0x1, s4;
	s12 =	smul.u32 $0x2800, s0  }
0x8: {  	[smem:$0x7FF] =	sst s3;
	s4 =	sadd.s32 $0x3EE00, s6;
	s8 =	smul.u32 $0x13C000, s7  }
0x9: {  	s30 =	sshll.u32 s0, $0x6;
	s26 =	smul.u32 $0x28000, s7;
	s7 =	ssub.s32 $0x2, s7  }
0xa: {  	_ =	strace $0x80000047;
	s25 =	sshrl.u32 s5, $0x3;
	s28 =	sshrl.u32 s7, $0x1  }
0xb: {  	s29 =	sshrl.u32 s10, $0x2;
	s9 =	sadd.s32 s25, s6;
	s5 =	sadd.s32 s5, s8  }
0xc: {  	s13 =	ssub.s32 s7, s28;
	s14 =	sadd.s32 s29, s2;
	s11 =	sshrl.u32 s5, $0x3  }
0xd: {  	s5 =	sadd.s32 $0xD600, s6;
	s11 =	sadd.s32 s11, s6;
	s6 =	sadd.s32 s12, s26  }
0xe: {  	s8 =	sor.u32 $0x1C03, s30;
	s7 =	sadd.s32 $0x17600, s9;
	s31 =	sshrl.u32 s6, $0x3  }
0xf: {  	s12 =	smax.u32 s13, $0x1;
	s13 =	sshrl.u32 s14, $0x3;
	s9 =	sadd.s32 s5, s31  }
0x10: {  	s14 =	simm.s32 $0x3;
	s11 =	sadd.s32 $0x3F600, s11;
	s10 =	sadd.s32 $0x10, s9  }
.LBB2_1:
0x11: {  	[spmem:s13], [sflag:s8] =	dma.local [hbm:s7], $0x2780  }
0x12: {  	_ =	swait.ge [sflag:s14], $0x2780  }
0x13: {  	[sflag:s14] =	ssyncset.done $0x0  }
0x14: {  	[sflag:s14] =	ssyncadd.s32 $0xFFFFD880  }
0x15: {  	[tilespmem:s15], [sflag:$0x3] =	stream.linear.gather [hbm4b:s4+s3], $0x4000, $0x38;
	[tilespmem:$0x17D00] =	vst v63  }
0x16: {  	_ =	swait.ge [sflag:s14], $0x4000  }
0x17: {  	[sflag:s14] =	ssyncset.done $0x0  }
0x18: {  	[sflag:s14] =	ssyncadd.s32 $0xFFFFC000  }
0x19: {  	[bflag:$0x0] =	sbarrier.arrive $0xFFFF  }
0x1a: {  	[tilespmem:s16], [sflag:$0x3] =	stream.linear.gather [hbm4b:s9+s3], $0x80, $0x38;
	[tilespmem:$0x17D00] =	vst v63  }
0x1b: {  	_ =	swait.ge [sflag:s14], $0x80  }
0x1c: {  	[sflag:s14] =	ssyncset.done $0x0  }
0x1d: {  	s22 =	simm.s32 $0x100;
	s23 =	simm.s32 $0x0;
	[sflag:s14] =	ssyncadd.s32 $0xFFFFFF80  }
0x1e: {  	[tilespmem:s17], [sflag:$0x2] =	stream.linear.gather [hbm4b:s10+s3], $0x80, $0x38;
	[tilespmem:$0x17D00] =	vst v63  }
.LBB2_2:
0x1f: {  	s24 =	sand.u32 $0x1, s23  }
0x20: {  	p0 =	seq.s32 s24, $0x1  }
0x21: {  	s24 =	simm.s32 @!p0 $0x2  }
0x22: {  	_ =	swait.ge @!p0 [sflag:s24], $0x80  }
0x23: {  	s25 =	simm.s32 @!p0 $0x17C00;
	[sflag:s24] =	ssyncset.done @!p0 $0x0  }
0x24: {  	s26 =	simm.s32 @!p0 $0x13C00;
	[sflag:s24] =	ssyncadd.s32 @!p0 $0xFFFFFF80;
	s24 =	simm.s32 @!p0 $0x80  }
0x25: {  	[spmem:s2] =	stream.indirect.scatter.add.f32 @!p0 [tilespmem:s26], [sflag:$0x3], $0x80, s25, s24, $0xb8;
	[tilespmem:$0x17D00] =	vst v63  }
0x26: {  	s24 =	sand.u32 @!p0 $0x7C00, s22  }
0x27: {  	s28 =	sand.u32 @!p0 $0x300, s22;
	s26 =	simm.s32 @!p0 $0x3;
	s24 =	sadd.s32 @!p0 s6, s24  }
0x28: {  	_ =	swait.ge @!p0 [sflag:s26], $0x4000;
	s24 =	sor.u32 @!p0 s28, s24  }
0x29: {  	[sflag:s26] =	ssyncset.done @!p0 $0x0;
	s24 =	sshrl.u32 @!p0 s24, $0x3  }
0x2a: {  	[sflag:s26] =	ssyncadd.s32 @!p0 $0xFFFFC000;
	s26 =	simm.s32 @!p0 $0x0;
	s24 =	sadd.s32 @!p0 s5, s24  }
0x2b: {  	[tilespmem:s25], [sflag:$0x1] =	stream.linear.gather @!p0 [hbm4b:s24+s26], $0x80, $0x38;
	[tilespmem:$0x17D00] =	vst v63  }
0x2c: {  	s24 =	sand.u32 @!p0 $0x1, s23  }
0x2d: {  	p1 =	seq.s32 @!p0 s24, $0x0  }
0x2e: {  	p0 =	por p0, !p1  }
0x2f: {  	_ =	swait.ge @p0 [sflag:s20], $0x80  }
0x30: {  	s24 =	sand.u32 @p0 $0x7C00, s22;
	[sflag:s20] =	ssyncset.done @p0 $0x0  }
0x31: {  	s25 =	sand.u32 @p0 $0x380, s22;
	s24 =	sadd.s32 @p0 s6, s24;
	[sflag:s20] =	ssyncadd.s32 @p0 $0xFFFFFF80  }
0x32: {  	[spmem:s2] =	stream.indirect.scatter.add.f32 @p0 [tilespmem:s15], [sflag:$0x3], $0x80, s17, s19, $0xb8;
	[tilespmem:$0x17D00] =	vst v63  }
0x33: {  	s24 =	sor.u32 @p0 s25, s24;
	_ =	swait.ge @p0 [sflag:s14], $0x4000  }
0x34: {  	s24 =	sshrl.u32 @p0 s24, $0x3;
	[sflag:s14] =	ssyncset.done @p0 $0x0  }
0x35: {  	s22 =	sadd.s32 $0x80, s22;
	s24 =	sadd.s32 @p0 s5, s24;
	[sflag:s14] =	ssyncadd.s32 @p0 $0xFFFFC000  }
0x36: {  	[tilespmem:s17], [sflag:$0x2] =	stream.linear.gather @p0 [hbm4b:s24+s3], $0x80, $0x38;
	[tilespmem:$0x17D00] =	vst v63  }
0x37: {  	p0 =	sne.s32 s22, $0x2800  }
.Ltmp0:
0x38: {  	_ = 	snop;
	(pc) =	sbr.rel @p0 .LBB2_2-.Ltmp0, $2  }
0x39: {  	_ =	sdelay $0x2  }
0x3a: {  	s23 =	sadd.s32 $0x1, s23  }
0x3b: {  	_ =	swait.ge [sflag:s18], $0x80  }
0x3c: {  	[sflag:s18] =	ssyncset.done $0x0  }
0x3d: {  	[sflag:s18] =	ssyncadd.s32 $0xFFFFFF80  }
0x3e: {  	[spmem:s2] =	stream.indirect.scatter.add.f32 [tilespmem:s15], [sflag:$0x3], $0x80, s16, s19, $0xb8;
	[tilespmem:$0x17D00] =	vst v63  }
0x3f: {  	_ =	swait.ge [sflag:s14], $0x4000  }
0x40: {  	[sflag:s14] =	ssyncset.done $0x0  }
0x41: {  	[sflag:s14] =	ssyncadd.s32 $0xFFFFC000  }
0x42: {  	[spmem:s2] =	stream.indirect.scatter.add.f32 [tilespmem:s15], [sflag:$0x3], $0x80, s17, s19, $0xb8;
	[tilespmem:$0x17D00] =	vst v63  }
0x43: {  	_ =	swait.ge [sflag:s14], $0x4000  }
0x44: {  	s21 =	sadd.s32 $0x1, s21;
	[sflag:s14] =	ssyncset.done $0x0  }
0x45: {  	p0 =	sne.s32 s21, s12;
	[sflag:s14] =	ssyncadd.s32 $0xFFFFC000  }
.Ltmp1:
0x46: {  	[bflag:$0x0] =	sbarrier.arrive $0xFFFF;
	(pc) =	sbr.rel @p0 .LBB2_1-.Ltmp1, $4  }
0x47: {  	[hbm:s11], [sflag:s8] =	dma.local [spmem:s13], $0x2780  }
0x48: {  	_ =	swait.ge [sflag:s14], $0x2780  }
0x49: {  	[sflag:s14] =	ssyncset.done $0x0  }
0x4a: {  	[sflag:s14] =	ssyncadd.s32 $0xFFFFD880  }
0x4b: {  	_ =	sfence.sel $0x180000  }
0x4c: {  	[bflag:$0x0] =	sbarrier.arrive $0xFFFF  }
0x4d: {  	p0 =	sne.s32 s0, $0x0;
	_ =	strace $0x90000047  }
0x4e: {  	s0 =	sadd.s32 @!p0 $0x100000, s1;
	[bflag:$0x2] =	sbarrier.arrive $0xFFFF  }
0x4f: {  	[sflag:s0] =	ssyncadd.tile.s32 @!p0 $0x1;
	_ =	shalt  }
.Lfunc_end2:
_tile_overlayer_lowered:
.L_overlay_start_2:
0x50: {  	(tag) =	ssettag $0x2  }
0x51: {  	s0 =	rddreg [dreg:$0x0];
	s2 =	stileid.u32  }
0x52: {  	s1 =	rddreg [dreg:$0x1];
	p0 =	sne.s32 s2, $0x0  }
0x53: {  	s3 =	rddreg [dreg:$0x2];
	[bflag:$0x3] =	sbarrier.arrive $0xFFFF;
	s2 =	simm.s32 @!p0 $0x1C03  }
0x54: {  	[timem:s3], [sflag:s2] =	dma.local @!p0 [hbm:s0], s1  }
0x55: {  	s0 =	simm.s32 @!p0 $0x3  }
0x56: {  	_ =	swait.ge @!p0 [sflag:s0], s1  }
0x57: {  	s1 =	ssub.s32 @!p0 $0x0, s1;
	[sflag:s0] =	ssyncset.done @!p0 $0x0  }
0x58: {  	[sflag:s0] =	ssyncadd.s32 @!p0 s1  }
0x59: {  	[bflag:$0x3] =	sbarrier.arrive $0xFFFF  }
0x5a: {  	_ =	shalt  }

// kernel: _run.13.cloned.1.call-start
scs
__scs_entry_jumppad:
0x0: {  	(pc) =	sbr.rel $0x88, $3  }
0x1: {  	(tag) =	ssettag $0x0;
	lr =	simm.s32 $0x1  }
0x2: {  	[smem:$0x3F94] =	sst lr;
	_ =	strace $0xD0000000  }
0x3: {  	_ = 	snop  }
0x4: {  	_ = 	snop  }
0x5: {  	_ = 	snop  }
0x6: {  	_ = 	snop  }
0x7: {  	_ = 	snop  }
__scs_overlays_trampoline_lowered:
0x8: {  	[smem:$0x3FA3] =	sst s0  }
0x9: {  	[smem:$0x3FA4] =	sst s1  }
0xa: {  	[smem:$0x3FA5] =	sst s2  }
0xb: {  	[smem:$0x3FA6] =	sst s3  }
0xc: {  	[smem:$0x3FA7] =	sst s4  }
0xd: {  	[smem:$0x3FA8] =	sst s5  }
0xe: {  	[smem:$0x3FA9] =	sst s6  }
0xf: {  	[smem:$0x3FAA] =	sst s7  }
0x10: {  	[smem:$0x3FAB] =	sst s8  }
0x11: {  	[smem:$0x3FAC] =	sst s9;
	s0 =	simm.s32 @!p0 $0x0  }
0x12: {  	s1 =	sld [smem:$0x3F92];
	s0 =	simm.s32 @p0 $0x1  }
0x13: {  	[smem:$0x3FAD] =	sst s0;
	s0 =	simm.s32 @!p1 $0x0  }
0x14: {  	s2 =	sld [smem:$0x3F91];
	s0 =	simm.s32 @p1 $0x1  }
0x15: {  	[smem:$0x3FAE] =	sst s0;
	s0 =	simm.s32 @!p2 $0x0  }
0x16: {  	s3 =	sld [smem:$0x3FDB];
	s0 =	simm.s32 @p2 $0x1  }
0x17: {  	s4 =	simm.s32 $0x1BF5;
	[smem:$0x3FB0] =	sst s0  }
0x18: {  	s0 =	sld [smem:$0x3F93];
	_ =	swait.ge [sflag:s4], $0x0  }
0x19: {  	s7 =	sld [smem:$0x3F94]  }
0x1a: {  	s8 =	sadd.s32 $0xFFFFE003, lr  }
0x1b: {  	s9 =	sadd.s32 $0xFFFFFEF7, lr;
	s5 =	simm.s32 $0xFFFFFFFF;
	p2 =	slt.u32 s8, $0xFFFFF086  }
0x1c: {  	p1 =	slt.u32 s9, $0xF7A;
	s5 =	simm.s32 @!p2 $0x0  }
0x1d: {  	s5 =	simm.s32 @p1 $0x1;
	p0 =	seq.s32 s7, s2  }
0x1e: {  	s7 =	smul.u32 @!p0 $0xF7A, s2;
	p2 =	seq.s32 @!p0 s5, $0x0  }
0x1f: {  	s9 =	smul.u32 $0xF7A, s1;
	s8 =	simm.s32 @!p0 $0x1BF5;
	p2 =	por !p2, p0  }
0x20: {  	[sflag:s8] =	ssyncset.s32 @!p0 $0xFFFFF086;
	s6 =	sadd.s32 @!p0 s3, s7;
	s7 =	simm.s32 @!p0 $0x108  }
0x21: {  	s3 =	sadd.s32 s3, s9;
	s6 =	sadd.s32 @!p0 $0x88, s6;
	s7 =	simm.s32 @p2 $0x1082  }
0x22: {  	[simem:s7], [sflag:s8] =	dma.local @!p0 [hbm:s6], $0xF7A  }
0x23: {  	s9 =	sor.u32 $0xD0000000, s2;
	s6 =	simm.s32 $0x108;
	_ =	swait.ge @!p0 [sflag:s8], $0x0  }
0x24: {  	s3 =	sadd.s32 $0x88, s3;
	s6 =	simm.s32 @!p1 $0x1082;
	[sflag:s4] =	ssyncset.s32 $0xFFFFF086  }
0x25: {  	[simem:s6], [sflag:s4] =	dma.local [hbm:s3], $0xF7A  }
0x26: {  	[smem:$0x3F94] =	sst s1;
	(tag) =	ssettag s2;
	_ =	strace s9  }
0x27: {  	s1 =	sld [smem:$0x3FA4]  }
0x28: {  	s2 =	sld [smem:$0x3FA5]  }
0x29: {  	s4 =	sld [smem:$0x3FA7]  }
0x2a: {  	p0 =	seq.s32 s5, $0x0;
	s5 =	sld [smem:$0x3FA8]  }
0x2b: {  	s6 =	sld [smem:$0x3FA9]  }
0x2c: {  	s7 =	sld [smem:$0x3FAA]  }
0x2d: {  	s3 =	simm.s32 $0x108;
	s8 =	sld [smem:$0x3FAB]  }
0x2e: {  	s3 =	simm.s32 @!p0 $0x1082;
	s9 =	sld [smem:$0x3FAC]  }
0x2f: {  	lr =	sadd.s32 s0, s3;
	s0 =	sld [smem:$0x3FA3]  }
0x30: {  	s3 =	sld [smem:$0x3FA6]  }
0x31: {  	[smem:$0x3FAF] =	sst s10  }
0x32: {  	s10 =	sld [smem:$0x3FAD];
	_ =	sdelay $0x3  }
0x33: {  	p0 =	seq.s32 s10, $0x1;
	s10 =	sld [smem:$0x3FAF];
	_ =	sdelay $0x3  }
0x34: {  	[smem:$0x3FAF] =	sst s10  }
0x35: {  	s10 =	sld [smem:$0x3FAE];
	_ =	sdelay $0x3  }
0x36: {  	p1 =	seq.s32 s10, $0x1;
	s10 =	sld [smem:$0x3FAF];
	_ =	sdelay $0x3  }
0x37: {  	[smem:$0x3FAF] =	sst s10  }
0x38: {  	s10 =	sld [smem:$0x3FB0]  }
0x39: {  	_ = 	snop;
	(pc) =	sbr.ind lr, $3  }
0x3a: {  	_ = 	snop  }
0x3b: {  	_ = 	snop  }
0x3c: {  	p2 =	seq.s32 s10, $0x1;
	s10 =	sld [smem:$0x3FAF]  }
0x3d: {  	_ =	shalt  }
0x3e: {  	_ =	shalt  }
0x3f: {  	_ =	shalt  }
0x40: {  	_ =	shalt  }
0x41: {  	_ =	shalt  }
0x42: {  	_ =	shalt  }
0x43: {  	_ =	shalt  }
0x44: {  	_ =	shalt  }
0x45: {  	_ =	shalt  }
0x46: {  	_ =	shalt  }
0x47: {  	_ =	shalt  }
0x48: {  	_ =	shalt  }
0x49: {  	_ =	shalt  }
0x4a: {  	_ =	shalt  }
0x4b: {  	_ =	shalt  }
0x4c: {  	_ =	shalt  }
0x4d: {  	_ =	shalt  }
0x4e: {  	_ =	shalt  }
0x4f: {  	_ =	shalt  }
0x50: {  	_ =	shalt  }
0x51: {  	_ =	shalt  }
0x52: {  	_ =	shalt  }
0x53: {  	_ =	shalt  }
0x54: {  	_ =	shalt  }
0x55: {  	_ =	shalt  }
0x56: {  	_ =	shalt  }
0x57: {  	_ =	shalt  }
0x58: {  	_ =	shalt  }
0x59: {  	_ =	shalt  }
0x5a: {  	_ =	shalt  }
0x5b: {  	_ =	shalt  }
0x5c: {  	_ =	shalt  }
0x5d: {  	_ =	shalt  }
0x5e: {  	_ =	shalt  }
0x5f: {  	_ =	shalt  }
0x60: {  	_ =	shalt  }
0x61: {  	_ =	shalt  }
0x62: {  	_ =	shalt  }
0x63: {  	_ =	shalt  }
0x64: {  	_ =	shalt  }
0x65: {  	_ =	shalt  }
0x66: {  	_ =	shalt  }
0x67: {  	_ =	shalt  }
0x68: {  	_ =	shalt  }
0x69: {  	_ =	shalt  }
0x6a: {  	_ =	shalt  }
0x6b: {  	_ =	shalt  }
0x6c: {  	_ =	shalt  }
0x6d: {  	_ =	shalt  }
0x6e: {  	_ =	shalt  }
0x6f: {  	_ =	shalt  }
0x70: {  	_ =	shalt  }
0x71: {  	_ =	shalt  }
0x72: {  	_ =	shalt  }
0x73: {  	_ =	shalt  }
0x74: {  	_ =	shalt  }
0x75: {  	_ =	shalt  }
0x76: {  	_ =	shalt  }
0x77: {  	_ =	shalt  }
0x78: {  	_ =	shalt  }
0x79: {  	_ =	shalt  }
0x7a: {  	_ =	shalt  }
0x7b: {  	_ =	shalt  }
0x7c: {  	_ =	shalt  }
0x7d: {  	_ =	shalt  }
0x7e: {  	_ =	shalt  }
0x7f: {  	_ =	shalt  }
0x80: {  	_ =	shalt  }
0x81: {  	_ =	shalt  }
0x82: {  	_ =	shalt  }
0x83: {  	_ =	shalt  }
0x84: {  	_ =	shalt  }
0x85: {  	_ =	shalt  }
0x86: {  	_ =	shalt  }
0x87: {  	_ =	shalt  }
.Lfunc_end0:
.L_simem_size_0:
called_computation.1_lowered:
.L_overlay_start_0:
0x88: {  	s2 =	sld [smem:$0x3FD9]  }
0x89: {  	s3 =	sld [smem:$0x3FFE];
	_ =	sdelay $0x1  }
0x8a: {  	s1 =	srdreg.scid  }
0x8b: {  	s0 =	sand.u32 $0x1, s1  }
0x8c: {  	s16 =	sshll.u32 s0, $0xA;
	s2 =	sadd.s32 s3, s2  }
0x8d: {  	s2 =	sadd.s32 s2, s16  }
0x8e: {  	[smem:$0x3FBB] =	sst s2  }
0x8f: {  	_ = 	snop  }
0x90: {  	(tm) =	ssettm $0x1  }
0x91: {  	s17 =	sld [smem:$0x3FFB];
	_ =	sdelay $0x3  }
0x92: {  	_ =	strace s17  }
0x93: {  	s2 =	sld [smem:$0x3FFC];
	_ =	sdelay $0x3  }
0x94: {  	_ =	strace s2  }
0x95: {  	s2 =	sld [smem:$0x3FFD];
	_ =	sdelay $0x3  }
0x96: {  	_ =	strace s2  }
0x97: {  	_ =	strace $0x8FFFFFFF  }
0x98: {  	s18 =	sld [smem:$0x3FDB];
	_ =	sdelay $0x1  }
0x99: {  	s19 =	simm.s32 $_scs_section_size  }
0x9a: {  	s4 =	simm.s32 $_size__tile_overlayer_lowered;
	s5 =	simm.s32 $_tile_overlayer_lowered  }
0x9b: {  	s22 =	simm.s32 $0x1BFF;
	s21 =	sshll.u32 s5, $0x1;
	s2 =	sadd.s32 s19, s18  }
0x9c: {  	s6 =	simm.s32 $0x0;
	s20 =	sshll.u32 s4, $0x1;
	s4 =	sadd.s32 s21, s2  }
0x9d: {  	[timem:s6], [sflag:s22] =	dma.local [hbm:s4], s20  }
0x9e: {  	_ =	swait.ge [sflag:s22], s20  }
0x9f: {  	s3 =	ssub.s32 $0x0, s20;
	[sflag:s22] =	ssyncset.done $0x0  }
0xa0: {  	[sflag:s22] =	ssyncadd.s32 s3;
	_ =	sdelay $0x1  }
0xa1: {  	s23 =	simm.s32 $0x1B8B  }
0xa2: {  	_ =	swait.ge [sflag:s23], $0x1  }
0xa3: {  	[sflag:s23] =	ssyncset.done $0x0  }
0xa4: {  	s25 =	simm.s32 $0x1B8E;
	s24 =	sld [smem:$0x3FFE];
	[sflag:s23] =	ssyncadd.s32 $0xFFFFFFFF  }
0xa5: {  	s26 =	simm.s32 $execute0_lowered;
	[smem:$0x3FD2] =	sst s25  }
0xa6: {  	s4 =	sshll.u32 s26, $0x1;
	_ =	strace $0x80000049;
	[dreg:$0x1] =	wrdreg $0xFFFFFFFF  }
0xa7: {  	s28 =	simm.s32 $_size_execute0_lowered;
	s2 =	sadd.s32 s2, s4;
	[dreg:$0x0] =	wrdreg $0x0  }
0xa8: {  	s4 =	sshll.u32 s28, $0x1;
	[dreg:$0x2] =	wrdreg s2  }
0xa9: {  	[dreg:$0x3] =	wrdreg s4  }
0xaa: {  	[dreg:$0x4] =	wrdreg $0xC0  }
0xab: {  	_ =	task [dreg:s6], $0x5FFFF  }
0xac: {  	[dreg:$0x1] =	wrdreg $0xFFFFFFFF  }
0xad: {  	[dreg:$0x0] =	wrdreg $0x60  }
0xae: {  	[dreg:$0x2] =	wrdreg s24  }
0xaf: {  	[dreg:$0x3] =	wrdreg $0x0  }
0xb0: {  	[dreg:$0x4] =	wrdreg $0x9  }
0xb1: {  	_ =	task.clear_ibuf [dreg:s6], $0x5FFFF;
	_ =	strace $0x90000049  }
0xb2: {  	s29 =	simm.s32 $0x9;
	_ =	strace $0x8000004B  }
0xb3: {  	_ =	swait.ge [sflag:s29], $0x1  }
0xb4: {  	[sflag:s29] =	ssyncadd.s32 $0xFFFFFFFF  }
0xb5: {  	_ =	strace $0x9000004B  }
0xb6: {  	_ =	sfence  }
0xb7: {  	s30 =	sld [smem:$0x0];
	_ =	sdelay $0x2  }
0xb8: {  	s31 =	sshll.u32 s1, $0xD;
	s1 =	sshrl.u32 s1, $0x2  }
0xb9: {  	s3 =	sand.u32 $0x4000, s31;
	s1 =	sadd.s32 s1, s30  }
0xba: {  	s0 =	sor.u32 s3, s0;
	s1 =	sshll.u32 s1, $0x11  }
0xbb: {  	s0 =	sor.u32 s1, s0  }
0xbc: {  	s0 =	sadd.s32 $0x8F2B, s0  }
0xbd: {  	[sflag:s0] =	ssyncadd.remote.s32 $0x1  }
0xbe: {  	_ =	sfence.sel $0xFFFF  }
0xbf: {  	[dreg:$0x0] =	wrdreg $0xFFFFFFFF;
	(pc) =	sbr.abs _section_cstart, $3  }
0xc0: {  	[dreg:$0x1] =	wrdreg $0xFFFFFFFF  }
0xc1: {  	_ =	task.clear_ibuf [dreg:s6], $0x2FFFF;
	_ =	strace $0x9FFFFFFF  }
0xc2: {  	(tm) =	ssettm $0x7FFFFFFF  }
0xc3: {  	_ =	shalt  }
tec
execute0_lowered:
.L_overlay_start_1:
0x0: {  	(tag) =	ssettag $0x1  }
0x1: {  	s0 =	rddreg [dreg:$0x0]  }
0x2: {  	s1 =	rddreg [dreg:$0x1];
	s2 =	srdreg.scid;
	s3 =	simm.s32 $0x0  }
0x3: {  	s23 =	stileid.u32;
	s16 =	simm.s32 $0x5;
	s17 =	simm.s32 $0x13C00  }
0x4: {  	s18 =	simm.s32 $0x13C80;
	s19 =	simm.s32 $0x80;
	s20 =	simm.s32 $0x13E00  }
0x5: {  	s21 =	simm.s32 $0x13D00;
	s22 =	simm.s32 $0x13D80;
	s28 =	simm.s32 $0x3  }
0x6: {  	s29 =	simm.s32 $0x0;
	s5 =	sand.u32 $0x1, s2;
	s7 =	smul.u32 $0x13C00, s23  }
0x7: {  	[smem:$0x7FF] =	sst s3;
	s4 =	sadd.s32 $0x3EE00, s0;
	s10 =	smul.u32 $0x4F000, s23  }
0x8: {  	s11 =	sadd.s32 $0x17600, s0;
	s8 =	sadd.s32 $0x3600, s0;
	s13 =	smul.u32 $0x2780, s23  }
0x9: {  	s9 =	sadd.s32 $0xD600, s0;
	s31 =	sshll.u32 s23, $0x6;
	s6 =	smul.u32 $0x13C000, s5  }
0xa: {  	_ =	strace $0x8000004A;
	s24 =	ssub.s32 $0x2, s5;
	p0 =	seq.s32 s5, $0x0  }
0xb: {  	s12 =	sshrl.u32 s24, $0x1;
	s25 =	sshrl.u32 s10, $0x2;
	s11 =	smov.u32 @p0 s4  }
0xc: {  	s6 =	sadd.s32 s7, s6;
	s7 =	smul.u32 $0x50, s23;
	s12 =	ssub.s32 s24, s12  }
0xd: {  	s15 =	sadd.s32 s25, s1;
	s11 =	sadd.s32 s11, s13;
	s23 =	simm.s32 $0x4  }
0xe: {  	s24 =	simm.s32 $0x17E00;
	s25 =	simm.s32 $0x1;
	s5 =	sadd.s32 $0x500, s7  }
0xf: {  	s6 =	sshrl.u32 s6, $0x3;
	s10 =	smax.u32 s12, $0x1;
	s5 =	smov.u32 @p0 s7  }
0x10: {  	s12 =	sor.u32 $0x1C05, s31;
	s15 =	sshrl.u32 s15, $0x3;
	s7 =	sshll.u32 s5, $0x4  }
0x11: {  	s0 =	sadd.s32 s6, s0;
	s5 =	sadd.s32 s8, s7;
	s26 =	sor.u32 $0x10, s7  }
0x12: {  	s6 =	sadd.s32 s9, s7;
	s7 =	sadd.s32 s8, s26;
	s30 =	sadd.s32 s9, s26  }
0x13: {  	s9 =	sadd.s32 $0x66600, s0;
	s13 =	sadd.s32 $0x20, s5;
	[dreg:$0x3] =	wrdreg s7  }
0x14: {  	s14 =	sadd.s32 $0x20, s6;
	s26 =	simm.s32 $0x2;
	[dreg:$0x4] =	wrdreg s30  }
.LBB2_1:
0x15: {  	[spmem:s15], [sflag:s12] =	dma.local [hbm:s11], $0x2780  }
0x16: {  	_ =	swait.ge [sflag:s16], $0x2780  }
0x17: {  	[sflag:s16] =	ssyncset.done $0x0  }
0x18: {  	[sflag:s16] =	ssyncadd.s32 $0xFFFFD880  }
0x19: {  	[bflag:$0x0] =	sbarrier.arrive $0xFFFF  }
0x1a: {  	[tilespmem:s17], [sflag:$0x5] =	stream.linear.gather [hbm4b:s5+s3], $0x80, $0x38;
	[tilespmem:$0x1BE00] =	vst v63  }
0x1b: {  	_ =	swait.ge [sflag:s16], $0x80  }
0x1c: {  	[sflag:s16] =	ssyncset.done $0x0  }
0x1d: {  	[sflag:s16] =	ssyncadd.s32 $0xFFFFFF80  }
0x1e: {  	[tilespmem:s18], [sflag:$0x5] =	stream.linear.gather [hbm4b:s6+s3], $0x80, $0x38;
	[tilespmem:$0x1BE00] =	vst v63  }
0x1f: {  	_ =	swait.ge [sflag:s16], $0x80  }
0x20: {  	[sflag:s16] =	ssyncset.done $0x0  }
0x21: {  	[sflag:s16] =	ssyncadd.s32 $0xFFFFFF80  }
0x22: {  	[tilespmem:s20], [sflag:$0x1] =	stream.indirect.gather [hbm4b:s4+s19], $0x80, s17, s19, $0xb8;
	[tilespmem:$0x1BE00] =	vst v63  }
0x23: {  	s30 =	smov.u32 s14;
	s0 =	rddreg [dreg:$0x3]  }
0x24: {  	[tilespmem:s21], [sflag:$0x4] =	stream.linear.gather [hbm4b:s0+s3], $0x80, $0x38;
	[tilespmem:$0x1BE00] =	vst v63  }
0x25: {  	s31 =	smov.u32 s13;
	s8 =	rddreg [dreg:$0x4];
	s0 =	simm.s32 $0x0  }
0x26: {  	[tilespmem:s22], [sflag:$0x4] =	stream.linear.gather [hbm4b:s8+s3], $0x80, $0x38;
	[tilespmem:$0x1BE00] =	vst v63  }
.LBB2_2:
0x27: {  	s2 =	sand.u32 $0x1, s0  }
0x28: {  	p0 =	seq.s32 s2, $0x1  }
0x29: {  	s2 =	simm.s32 @!p0 $0x4  }
0x2a: {  	_ =	swait.ge @!p0 [sflag:s2], $0x80  }
0x2b: {  	[sflag:s2] =	ssyncset.done @!p0 $0x0  }
0x2c: {  	[sflag:s2] =	ssyncadd.s32 @!p0 $0xFFFFFF80  }
0x2d: {  	_ =	swait.ge @!p0 [sflag:s2], $0x80  }
0x2e: {  	s7 =	simm.s32 @!p0 $0x13D00;
	[sflag:s2] =	ssyncset.done @!p0 $0x0  }
0x2f: {  	s8 =	simm.s32 @!p0 $0x17E00;
	[sflag:s2] =	ssyncadd.s32 @!p0 $0xFFFFFF80;
	s2 =	simm.s32 @!p0 $0x80  }
0x30: {  	[tilespmem:s8], [sflag:$0x2] =	stream.indirect.gather @!p0 [hbm4b:s4+s2], $0x80, s7, s2, $0xb8;
	[tilespmem:$0x1BE00] =	vst v63  }
0x31: {  	s7 =	simm.s32 @!p0 $0x1  }
0x32: {  	_ =	swait.ge @!p0 [sflag:s7], $0x4000  }
0x33: {  	[sflag:s7] =	ssyncset.done @!p0 $0x0  }
0x34: {  	s8 =	simm.s32 @!p0 $0x13E00;
	[sflag:s7] =	ssyncadd.s32 @!p0 $0xFFFFC000;
	s7 =	simm.s32 @!p0 $0x13C80  }
0x35: {  	[spmem:s1] =	stream.indirect.scatter.add.f32 @!p0 [tilespmem:s8], [sflag:$0x5], $0x80, s7, s2, $0xb8;
	[tilespmem:$0x1BE00] =	vst v63  }
0x36: {  	s2 =	simm.s32 @!p0 $0x5  }
0x37: {  	_ =	swait.ge @!p0 [sflag:s2], $0x4000  }
0x38: {  	[sflag:s2] =	ssyncset.done @!p0 $0x0  }
0x39: {  	s8 =	simm.s32 @!p0 $0x13C00;
	[sflag:s2] =	ssyncadd.s32 @!p0 $0xFFFFC000;
	s2 =	simm.s32 @!p0 $0x0  }
0x3a: {  	[tilespmem:s8], [sflag:$0x3] =	stream.linear.gather @!p0 [hbm4b:s31+s2], $0x80, $0x38;
	[tilespmem:$0x1BE00] =	vst v63  }
0x3b: {  	_ = 	snop  }
0x3c: {  	[tilespmem:s7], [sflag:$0x3] =	stream.linear.gather @!p0 [hbm4b:s30+s2], $0x80, $0x38;
	[tilespmem:$0x1BE00] =	vst v63  }
0x3d: {  	s2 =	sand.u32 @!p0 $0x1, s0  }
0x3e: {  	p1 =	seq.s32 @!p0 s2, $0x0  }
0x3f: {  	p0 =	por p0, !p1  }
0x40: {  	_ =	swait.ge @p0 [sflag:s28], $0x80  }
0x41: {  	[sflag:s28] =	ssyncset.done @p0 $0x0  }
0x42: {  	[sflag:s28] =	ssyncadd.s32 @p0 $0xFFFFFF80  }
0x43: {  	_ =	swait.ge @p0 [sflag:s28], $0x80  }
0x44: {  	[sflag:s28] =	ssyncset.done @p0 $0x0  }
0x45: {  	[sflag:s28] =	ssyncadd.s32 @p0 $0xFFFFFF80  }
0x46: {  	[tilespmem:s20], [sflag:$0x1] =	stream.indirect.gather @p0 [hbm4b:s4+s19], $0x80, s17, s19, $0xb8;
	[tilespmem:$0x1BE00] =	vst v63  }
0x47: {  	_ =	swait.ge @p0 [sflag:s26], $0x4000  }
0x48: {  	[sflag:s26] =	ssyncset.done @p0 $0x0  }
0x49: {  	[sflag:s26] =	ssyncadd.s32 @p0 $0xFFFFC000  }
0x4a: {  	[spmem:s1] =	stream.indirect.scatter.add.f32 @p0 [tilespmem:s24], [sflag:$0x5], $0x80, s22, s19, $0xb8;
	[tilespmem:$0x1BE00] =	vst v63  }
0x4b: {  	_ =	swait.ge @p0 [sflag:s16], $0x4000  }
0x4c: {  	[sflag:s16] =	ssyncset.done @p0 $0x0  }
0x4d: {  	[sflag:s16] =	ssyncadd.s32 @p0 $0xFFFFC000  }
0x4e: {  	[tilespmem:s21], [sflag:$0x4] =	stream.linear.gather @p0 [hbm4b:s31+s3], $0x80, $0x38;
	[tilespmem:$0x1BE00] =	vst v63  }
0x4f: {  	s0 =	sadd.s32 $0x1, s0  }
0x50: {  	[tilespmem:s22], [sflag:$0x4] =	stream.linear.gather @p0 [hbm4b:s30+s3], $0x80, $0x38;
	[tilespmem:$0x1BE00] =	vst v63  }
0x51: {  	p0 =	sne.s32 s0, $0x4E  }
.Ltmp0:
0x52: {  	_ = 	snop;
	(pc) =	sbr.rel @p0 .LBB2_2-.Ltmp0, $2  }
0x53: {  	_ =	sdelay $0x2  }
0x54: {  	s31 =	sadd.s32 $0x10, s31;
	s30 =	sadd.s32 $0x10, s30  }
0x55: {  	_ =	swait.ge [sflag:s23], $0x80  }
0x56: {  	[sflag:s23] =	ssyncset.done $0x0  }
0x57: {  	[sflag:s23] =	ssyncadd.s32 $0xFFFFFF80  }
0x58: {  	_ =	swait.ge [sflag:s23], $0x80  }
0x59: {  	[sflag:s23] =	ssyncset.done $0x0  }
0x5a: {  	[sflag:s23] =	ssyncadd.s32 $0xFFFFFF80  }
0x5b: {  	[tilespmem:s24], [sflag:$0x2] =	stream.indirect.gather [hbm4b:s4+s19], $0x80, s21, s19, $0xb8;
	[tilespmem:$0x1BE00] =	vst v63  }
0x5c: {  	_ =	swait.ge [sflag:s25], $0x4000  }
0x5d: {  	[sflag:s25] =	ssyncset.done $0x0  }
0x5e: {  	[sflag:s25] =	ssyncadd.s32 $0xFFFFC000  }
0x5f: {  	[spmem:s1] =	stream.indirect.scatter.add.f32 [tilespmem:s20], [sflag:$0x5], $0x80, s18, s19, $0xb8;
	[tilespmem:$0x1BE00] =	vst v63  }
0x60: {  	_ =	swait.ge [sflag:s16], $0x4000  }
0x61: {  	[sflag:s16] =	ssyncset.done $0x0  }
0x62: {  	[sflag:s16] =	ssyncadd.s32 $0xFFFFC000  }
0x63: {  	_ =	swait.ge [sflag:s26], $0x4000  }
0x64: {  	[sflag:s26] =	ssyncset.done $0x0  }
0x65: {  	[sflag:s26] =	ssyncadd.s32 $0xFFFFC000  }
0x66: {  	[spmem:s1] =	stream.indirect.scatter.add.f32 [tilespmem:s24], [sflag:$0x5], $0x80, s22, s19, $0xb8;
	[tilespmem:$0x1BE00] =	vst v63  }
0x67: {  	_ =	swait.ge [sflag:s16], $0x4000  }
0x68: {  	s29 =	sadd.s32 $0x1, s29;
	[sflag:s16] =	ssyncset.done $0x0  }
0x69: {  	p0 =	sne.s32 s29, s10;
	[sflag:s16] =	ssyncadd.s32 $0xFFFFC000  }
.Ltmp1:
0x6a: {  	[bflag:$0x0] =	sbarrier.arrive $0xFFFF;
	(pc) =	sbr.rel @p0 .LBB2_1-.Ltmp1, $4  }
0x6b: {  	[hbm:s9], [sflag:s12] =	dma.local [spmem:s15], $0x2780  }
0x6c: {  	_ =	swait.ge [sflag:s16], $0x2780  }
0x6d: {  	[sflag:s16] =	ssyncset.done $0x0  }
0x6e: {  	[sflag:s16] =	ssyncadd.s32 $0xFFFFD880  }
0x6f: {  	_ =	sfence.sel $0x180000  }
0x70: {  	[bflag:$0x0] =	sbarrier.arrive $0xFFFF  }
0x71: {  	_ =	strace $0x9000004A  }
0x72: {  	s0 =	stileid.u32;
	[bflag:$0x2] =	sbarrier.arrive $0xFFFF  }
0x73: {  	p0 =	sne.s32 s0, $0x0;
	s0 =	rddreg [dreg:$0x2]  }
0x74: {  	s0 =	sadd.s32 @!p0 $0x100000, s0  }
0x75: {  	[sflag:s0] =	ssyncadd.tile.s32 @!p0 $0x1;
	_ =	shalt  }
.Lfunc_end2:
_tile_overlayer_lowered:
.L_overlay_start_2:
0x76: {  	(tag) =	ssettag $0x2  }
0x77: {  	s0 =	rddreg [dreg:$0x0];
	s2 =	stileid.u32  }
0x78: {  	s1 =	rddreg [dreg:$0x1];
	p0 =	sne.s32 s2, $0x0  }
0x79: {  	s3 =	rddreg [dreg:$0x2];
	[bflag:$0x3] =	sbarrier.arrive $0xFFFF;
	s2 =	simm.s32 @!p0 $0x1C05  }
0x7a: {  	[timem:s3], [sflag:s2] =	dma.local @!p0 [hbm:s0], s1  }
0x7b: {  	s0 =	simm.s32 @!p0 $0x5  }
0x7c: {  	_ =	swait.ge @!p0 [sflag:s0], s1  }
0x7d: {  	s1 =	ssub.s32 @!p0 $0x0, s1;
	[sflag:s0] =	ssyncset.done @!p0 $0x0  }
0x7e: {  	[sflag:s0] =	ssyncadd.s32 @!p0 s1  }
0x7f: {  	[bflag:$0x3] =	sbarrier.arrive $0xFFFF  }
0x80: {  	_ =	shalt  }

// kernel: _run.16.cloned.1.call-start
scs
__scs_entry_jumppad:
0x0: {  	(pc) =	sbr.rel $0x88, $3  }
0x1: {  	(tag) =	ssettag $0x0;
	lr =	simm.s32 $0x1  }
0x2: {  	[smem:$0x3F94] =	sst lr;
	_ =	strace $0xD0000000  }
0x3: {  	_ = 	snop  }
0x4: {  	_ = 	snop  }
0x5: {  	_ = 	snop  }
0x6: {  	_ = 	snop  }
0x7: {  	_ = 	snop  }
__scs_overlays_trampoline_lowered:
0x8: {  	[smem:$0x3FA3] =	sst s0  }
0x9: {  	[smem:$0x3FA4] =	sst s1  }
0xa: {  	[smem:$0x3FA5] =	sst s2  }
0xb: {  	[smem:$0x3FA6] =	sst s3  }
0xc: {  	[smem:$0x3FA7] =	sst s4  }
0xd: {  	[smem:$0x3FA8] =	sst s5  }
0xe: {  	[smem:$0x3FA9] =	sst s6  }
0xf: {  	[smem:$0x3FAA] =	sst s7  }
0x10: {  	[smem:$0x3FAB] =	sst s8  }
0x11: {  	[smem:$0x3FAC] =	sst s9;
	s0 =	simm.s32 @!p0 $0x0  }
0x12: {  	s1 =	sld [smem:$0x3F92];
	s0 =	simm.s32 @p0 $0x1  }
0x13: {  	[smem:$0x3FAD] =	sst s0;
	s0 =	simm.s32 @!p1 $0x0  }
0x14: {  	s2 =	sld [smem:$0x3F91];
	s0 =	simm.s32 @p1 $0x1  }
0x15: {  	[smem:$0x3FAE] =	sst s0;
	s0 =	simm.s32 @!p2 $0x0  }
0x16: {  	s3 =	sld [smem:$0x3FDB];
	s0 =	simm.s32 @p2 $0x1  }
0x17: {  	s4 =	simm.s32 $0x1BF5;
	[smem:$0x3FB0] =	sst s0  }
0x18: {  	s0 =	sld [smem:$0x3F93];
	_ =	swait.ge [sflag:s4], $0x0  }
0x19: {  	s7 =	sld [smem:$0x3F94]  }
0x1a: {  	s8 =	sadd.s32 $0xFFFFE003, lr  }
0x1b: {  	s9 =	sadd.s32 $0xFFFFFEF7, lr;
	s5 =	simm.s32 $0xFFFFFFFF;
	p2 =	slt.u32 s8, $0xFFFFF086  }
0x1c: {  	p1 =	slt.u32 s9, $0xF7A;
	s5 =	simm.s32 @!p2 $0x0  }
0x1d: {  	s5 =	simm.s32 @p1 $0x1;
	p0 =	seq.s32 s7, s2  }
0x1e: {  	s7 =	smul.u32 @!p0 $0xF7A, s2;
	p2 =	seq.s32 @!p0 s5, $0x0  }
0x1f: {  	s9 =	smul.u32 $0xF7A, s1;
	s8 =	simm.s32 @!p0 $0x1BF5;
	p2 =	por !p2, p0  }
0x20: {  	[sflag:s8] =	ssyncset.s32 @!p0 $0xFFFFF086;
	s6 =	sadd.s32 @!p0 s3, s7;
	s7 =	simm.s32 @!p0 $0x108  }
0x21: {  	s3 =	sadd.s32 s3, s9;
	s6 =	sadd.s32 @!p0 $0x88, s6;
	s7 =	simm.s32 @p2 $0x1082  }
0x22: {  	[simem:s7], [sflag:s8] =	dma.local @!p0 [hbm:s6], $0xF7A  }
0x23: {  	s9 =	sor.u32 $0xD0000000, s2;
	s6 =	simm.s32 $0x108;
	_ =	swait.ge @!p0 [sflag:s8], $0x0  }
0x24: {  	s3 =	sadd.s32 $0x88, s3;
	s6 =	simm.s32 @!p1 $0x1082;
	[sflag:s4] =	ssyncset.s32 $0xFFFFF086  }
0x25: {  	[simem:s6], [sflag:s4] =	dma.local [hbm:s3], $0xF7A  }
0x26: {  	[smem:$0x3F94] =	sst s1;
	(tag) =	ssettag s2;
	_ =	strace s9  }
0x27: {  	s1 =	sld [smem:$0x3FA4]  }
0x28: {  	s2 =	sld [smem:$0x3FA5]  }
0x29: {  	s4 =	sld [smem:$0x3FA7]  }
0x2a: {  	p0 =	seq.s32 s5, $0x0;
	s5 =	sld [smem:$0x3FA8]  }
0x2b: {  	s6 =	sld [smem:$0x3FA9]  }
0x2c: {  	s7 =	sld [smem:$0x3FAA]  }
0x2d: {  	s3 =	simm.s32 $0x108;
	s8 =	sld [smem:$0x3FAB]  }
0x2e: {  	s3 =	simm.s32 @!p0 $0x1082;
	s9 =	sld [smem:$0x3FAC]  }
0x2f: {  	lr =	sadd.s32 s0, s3;
	s0 =	sld [smem:$0x3FA3]  }
0x30: {  	s3 =	sld [smem:$0x3FA6]  }
0x31: {  	[smem:$0x3FAF] =	sst s10  }
0x32: {  	s10 =	sld [smem:$0x3FAD];
	_ =	sdelay $0x3  }
0x33: {  	p0 =	seq.s32 s10, $0x1;
	s10 =	sld [smem:$0x3FAF];
	_ =	sdelay $0x3  }
0x34: {  	[smem:$0x3FAF] =	sst s10  }
0x35: {  	s10 =	sld [smem:$0x3FAE];
	_ =	sdelay $0x3  }
0x36: {  	p1 =	seq.s32 s10, $0x1;
	s10 =	sld [smem:$0x3FAF];
	_ =	sdelay $0x3  }
0x37: {  	[smem:$0x3FAF] =	sst s10  }
0x38: {  	s10 =	sld [smem:$0x3FB0]  }
0x39: {  	_ = 	snop;
	(pc) =	sbr.ind lr, $3  }
0x3a: {  	_ = 	snop  }
0x3b: {  	_ = 	snop  }
0x3c: {  	p2 =	seq.s32 s10, $0x1;
	s10 =	sld [smem:$0x3FAF]  }
0x3d: {  	_ =	shalt  }
0x3e: {  	_ =	shalt  }
0x3f: {  	_ =	shalt  }
0x40: {  	_ =	shalt  }
0x41: {  	_ =	shalt  }
0x42: {  	_ =	shalt  }
0x43: {  	_ =	shalt  }
0x44: {  	_ =	shalt  }
0x45: {  	_ =	shalt  }
0x46: {  	_ =	shalt  }
0x47: {  	_ =	shalt  }
0x48: {  	_ =	shalt  }
0x49: {  	_ =	shalt  }
0x4a: {  	_ =	shalt  }
0x4b: {  	_ =	shalt  }
0x4c: {  	_ =	shalt  }
0x4d: {  	_ =	shalt  }
0x4e: {  	_ =	shalt  }
0x4f: {  	_ =	shalt  }
0x50: {  	_ =	shalt  }
0x51: {  	_ =	shalt  }
0x52: {  	_ =	shalt  }
0x53: {  	_ =	shalt  }
0x54: {  	_ =	shalt  }
0x55: {  	_ =	shalt  }
0x56: {  	_ =	shalt  }
0x57: {  	_ =	shalt  }
0x58: {  	_ =	shalt  }
0x59: {  	_ =	shalt  }
0x5a: {  	_ =	shalt  }
0x5b: {  	_ =	shalt  }
0x5c: {  	_ =	shalt  }
0x5d: {  	_ =	shalt  }
0x5e: {  	_ =	shalt  }
0x5f: {  	_ =	shalt  }
0x60: {  	_ =	shalt  }
0x61: {  	_ =	shalt  }
0x62: {  	_ =	shalt  }
0x63: {  	_ =	shalt  }
0x64: {  	_ =	shalt  }
0x65: {  	_ =	shalt  }
0x66: {  	_ =	shalt  }
0x67: {  	_ =	shalt  }
0x68: {  	_ =	shalt  }
0x69: {  	_ =	shalt  }
0x6a: {  	_ =	shalt  }
0x6b: {  	_ =	shalt  }
0x6c: {  	_ =	shalt  }
0x6d: {  	_ =	shalt  }
0x6e: {  	_ =	shalt  }
0x6f: {  	_ =	shalt  }
0x70: {  	_ =	shalt  }
0x71: {  	_ =	shalt  }
0x72: {  	_ =	shalt  }
0x73: {  	_ =	shalt  }
0x74: {  	_ =	shalt  }
0x75: {  	_ =	shalt  }
0x76: {  	_ =	shalt  }
0x77: {  	_ =	shalt  }
0x78: {  	_ =	shalt  }
0x79: {  	_ =	shalt  }
0x7a: {  	_ =	shalt  }
0x7b: {  	_ =	shalt  }
0x7c: {  	_ =	shalt  }
0x7d: {  	_ =	shalt  }
0x7e: {  	_ =	shalt  }
0x7f: {  	_ =	shalt  }
0x80: {  	_ =	shalt  }
0x81: {  	_ =	shalt  }
0x82: {  	_ =	shalt  }
0x83: {  	_ =	shalt  }
0x84: {  	_ =	shalt  }
0x85: {  	_ =	shalt  }
0x86: {  	_ =	shalt  }
0x87: {  	_ =	shalt  }
.Lfunc_end0:
.L_simem_size_0:
called_computation.2_lowered:
.L_overlay_start_0:
0x88: {  	s2 =	sld [smem:$0x3FD9]  }
0x89: {  	s3 =	sld [smem:$0x3FFE];
	_ =	sdelay $0x1  }
0x8a: {  	s1 =	srdreg.scid  }
0x8b: {  	s0 =	sand.u32 $0x1, s1  }
0x8c: {  	s16 =	sshll.u32 s0, $0xA;
	s2 =	sadd.s32 s3, s2  }
0x8d: {  	s2 =	sadd.s32 s2, s16  }
0x8e: {  	[smem:$0x3FBB] =	sst s2  }
0x8f: {  	_ = 	snop  }
0x90: {  	(tm) =	ssettm $0x1  }
0x91: {  	s17 =	sld [smem:$0x3FFB];
	_ =	sdelay $0x3  }
0x92: {  	_ =	strace s17  }
0x93: {  	s2 =	sld [smem:$0x3FFC];
	_ =	sdelay $0x3  }
0x94: {  	_ =	strace s2  }
0x95: {  	s2 =	sld [smem:$0x3FFD];
	_ =	sdelay $0x3  }
0x96: {  	_ =	strace s2  }
0x97: {  	_ =	strace $0x8FFFFFFF  }
0x98: {  	s18 =	sld [smem:$0x3FDB];
	_ =	sdelay $0x1  }
0x99: {  	s19 =	simm.s32 $_scs_section_size  }
0x9a: {  	s4 =	simm.s32 $_size__tile_overlayer_lowered;
	s5 =	simm.s32 $_tile_overlayer_lowered  }
0x9b: {  	s22 =	simm.s32 $0x1BFF;
	s21 =	sshll.u32 s5, $0x1;
	s2 =	sadd.s32 s19, s18  }
0x9c: {  	s6 =	simm.s32 $0x0;
	s20 =	sshll.u32 s4, $0x1;
	s4 =	sadd.s32 s21, s2  }
0x9d: {  	[timem:s6], [sflag:s22] =	dma.local [hbm:s4], s20  }
0x9e: {  	_ =	swait.ge [sflag:s22], s20  }
0x9f: {  	s3 =	ssub.s32 $0x0, s20;
	[sflag:s22] =	ssyncset.done $0x0  }
0xa0: {  	[sflag:s22] =	ssyncadd.s32 s3;
	_ =	sdelay $0x1  }
0xa1: {  	s23 =	simm.s32 $0x1B8B  }
0xa2: {  	_ =	swait.ge [sflag:s23], $0x1  }
0xa3: {  	[sflag:s23] =	ssyncset.done $0x0  }
0xa4: {  	s25 =	simm.s32 $0x1B8E;
	s24 =	sld [smem:$0x3FFE];
	[sflag:s23] =	ssyncadd.s32 $0xFFFFFFFF  }
0xa5: {  	s26 =	simm.s32 $execute0_lowered;
	[smem:$0x3FD2] =	sst s25  }
0xa6: {  	s4 =	sshll.u32 s26, $0x1;
	_ =	strace $0x8000004C;
	[dreg:$0x1] =	wrdreg $0xFFFFFFFF  }
0xa7: {  	s28 =	simm.s32 $_size_execute0_lowered;
	s2 =	sadd.s32 s2, s4;
	[dreg:$0x0] =	wrdreg $0x0  }
0xa8: {  	s4 =	sshll.u32 s28, $0x1;
	[dreg:$0x2] =	wrdreg s2  }
0xa9: {  	[dreg:$0x3] =	wrdreg s4  }
0xaa: {  	[dreg:$0x4] =	wrdreg $0xC0  }
0xab: {  	_ =	task [dreg:s6], $0x5FFFF  }
0xac: {  	[dreg:$0x1] =	wrdreg $0xFFFFFFFF  }
0xad: {  	[dreg:$0x0] =	wrdreg $0x60  }
0xae: {  	[dreg:$0x2] =	wrdreg s24  }
0xaf: {  	[dreg:$0x3] =	wrdreg $0x0  }
0xb0: {  	[dreg:$0x4] =	wrdreg $0x9  }
0xb1: {  	_ =	task.clear_ibuf [dreg:s6], $0x5FFFF;
	_ =	strace $0x9000004C  }
0xb2: {  	s29 =	simm.s32 $0x9;
	_ =	strace $0x8000004E  }
0xb3: {  	_ =	swait.ge [sflag:s29], $0x1  }
0xb4: {  	[sflag:s29] =	ssyncadd.s32 $0xFFFFFFFF  }
0xb5: {  	_ =	strace $0x9000004E  }
0xb6: {  	_ =	sfence  }
0xb7: {  	s30 =	sld [smem:$0x0];
	_ =	sdelay $0x2  }
0xb8: {  	s31 =	sshll.u32 s1, $0xD;
	s1 =	sshrl.u32 s1, $0x2  }
0xb9: {  	s3 =	sand.u32 $0x4000, s31;
	s1 =	sadd.s32 s1, s30  }
0xba: {  	s0 =	sor.u32 s3, s0;
	s1 =	sshll.u32 s1, $0x11  }
0xbb: {  	s0 =	sor.u32 s1, s0  }
0xbc: {  	s0 =	sadd.s32 $0x8F2B, s0  }
0xbd: {  	[sflag:s0] =	ssyncadd.remote.s32 $0x1  }
0xbe: {  	_ =	sfence.sel $0xFFFF  }
0xbf: {  	[dreg:$0x0] =	wrdreg $0xFFFFFFFF;
	(pc) =	sbr.abs _section_cstart, $3  }
0xc0: {  	[dreg:$0x1] =	wrdreg $0xFFFFFFFF  }
0xc1: {  	_ =	task.clear_ibuf [dreg:s6], $0x2FFFF;
	_ =	strace $0x9FFFFFFF  }
0xc2: {  	(tm) =	ssettm $0x7FFFFFFF  }
0xc3: {  	_ =	shalt  }
tec
execute0_lowered:
.L_overlay_start_1:
0x0: {  	(tag) =	ssettag $0x1  }
0x1: {  	s0 =	rddreg [dreg:$0x0]  }
0x2: {  	s1 =	rddreg [dreg:$0x1];
	s2 =	srdreg.scid;
	s3 =	simm.s32 $0x0  }
0x3: {  	s23 =	stileid.u32;
	s16 =	simm.s32 $0x5;
	s17 =	simm.s32 $0x13C00  }
0x4: {  	s18 =	simm.s32 $0x13C80;
	s19 =	simm.s32 $0x80;
	s20 =	simm.s32 $0x13E00  }
0x5: {  	s21 =	simm.s32 $0x13D00;
	s22 =	simm.s32 $0x13D80;
	s28 =	simm.s32 $0x3  }
0x6: {  	s29 =	simm.s32 $0x0;
	s5 =	sand.u32 $0x1, s2;
	s7 =	smul.u32 $0x13C00, s23  }
0x7: {  	[smem:$0x7FF] =	sst s3;
	s4 =	sadd.s32 $0x3EE00, s0;
	s10 =	smul.u32 $0x4F000, s23  }
0x8: {  	s11 =	sadd.s32 $0x17600, s0;
	s8 =	sadd.s32 $0x3600, s0;
	s13 =	smul.u32 $0x2780, s23  }
0x9: {  	s9 =	sadd.s32 $0xD600, s0;
	s31 =	sshll.u32 s23, $0x6;
	s6 =	smul.u32 $0x13C000, s5  }
0xa: {  	_ =	strace $0x8000004D;
	s24 =	ssub.s32 $0x2, s5;
	p0 =	seq.s32 s5, $0x0  }
0xb: {  	s12 =	sshrl.u32 s24, $0x1;
	s25 =	sshrl.u32 s10, $0x2;
	s11 =	smov.u32 @p0 s4  }
0xc: {  	s6 =	sadd.s32 s7, s6;
	s7 =	smul.u32 $0x50, s23;
	s12 =	ssub.s32 s24, s12  }
0xd: {  	s15 =	sadd.s32 s25, s1;
	s11 =	sadd.s32 s11, s13;
	s23 =	simm.s32 $0x4  }
0xe: {  	s24 =	simm.s32 $0x17E00;
	s25 =	simm.s32 $0x1;
	s5 =	sadd.s32 $0x500, s7  }
0xf: {  	s6 =	sshrl.u32 s6, $0x3;
	s10 =	smax.u32 s12, $0x1;
	s5 =	smov.u32 @p0 s7  }
0x10: {  	s12 =	sor.u32 $0x1C05, s31;
	s15 =	sshrl.u32 s15, $0x3;
	s7 =	sshll.u32 s5, $0x4  }
0x11: {  	s0 =	sadd.s32 s6, s0;
	s5 =	sadd.s32 s8, s7;
	s26 =	sor.u32 $0x10, s7  }
0x12: {  	s6 =	sadd.s32 s9, s7;
	s7 =	sadd.s32 s8, s26;
	s30 =	sadd.s32 s9, s26  }
0x13: {  	s9 =	sadd.s32 $0x66600, s0;
	s13 =	sadd.s32 $0x20, s5;
	[dreg:$0x3] =	wrdreg s7  }
0x14: {  	s14 =	sadd.s32 $0x20, s6;
	s26 =	simm.s32 $0x2;
	[dreg:$0x4] =	wrdreg s30  }
.LBB2_1:
0x15: {  	[spmem:s15], [sflag:s12] =	dma.local [hbm:s11], $0x2780  }
0x16: {  	_ =	swait.ge [sflag:s16], $0x2780  }
0x17: {  	[sflag:s16] =	ssyncset.done $0x0  }
0x18: {  	[sflag:s16] =	ssyncadd.s32 $0xFFFFD880  }
0x19: {  	[bflag:$0x0] =	sbarrier.arrive $0xFFFF  }
0x1a: {  	[tilespmem:s17], [sflag:$0x5] =	stream.linear.gather [hbm4b:s5+s3], $0x80, $0x38;
	[tilespmem:$0x1BE00] =	vst v63  }
0x1b: {  	_ =	swait.ge [sflag:s16], $0x80  }
0x1c: {  	[sflag:s16] =	ssyncset.done $0x0  }
0x1d: {  	[sflag:s16] =	ssyncadd.s32 $0xFFFFFF80  }
0x1e: {  	[tilespmem:s18], [sflag:$0x5] =	stream.linear.gather [hbm4b:s6+s3], $0x80, $0x38;
	[tilespmem:$0x1BE00] =	vst v63  }
0x1f: {  	_ =	swait.ge [sflag:s16], $0x80  }
0x20: {  	[sflag:s16] =	ssyncset.done $0x0  }
0x21: {  	[sflag:s16] =	ssyncadd.s32 $0xFFFFFF80  }
0x22: {  	[tilespmem:s20], [sflag:$0x1] =	stream.indirect.gather [hbm4b:s4+s19], $0x80, s17, s19, $0xb8;
	[tilespmem:$0x1BE00] =	vst v63  }
0x23: {  	s30 =	smov.u32 s14;
	s0 =	rddreg [dreg:$0x3]  }
0x24: {  	[tilespmem:s21], [sflag:$0x4] =	stream.linear.gather [hbm4b:s0+s3], $0x80, $0x38;
	[tilespmem:$0x1BE00] =	vst v63  }
0x25: {  	s31 =	smov.u32 s13;
	s8 =	rddreg [dreg:$0x4];
	s0 =	simm.s32 $0x0  }
0x26: {  	[tilespmem:s22], [sflag:$0x4] =	stream.linear.gather [hbm4b:s8+s3], $0x80, $0x38;
	[tilespmem:$0x1BE00] =	vst v63  }
.LBB2_2:
0x27: {  	s2 =	sand.u32 $0x1, s0  }
0x28: {  	p0 =	seq.s32 s2, $0x1  }
0x29: {  	s2 =	simm.s32 @!p0 $0x4  }
0x2a: {  	_ =	swait.ge @!p0 [sflag:s2], $0x80  }
0x2b: {  	[sflag:s2] =	ssyncset.done @!p0 $0x0  }
0x2c: {  	[sflag:s2] =	ssyncadd.s32 @!p0 $0xFFFFFF80  }
0x2d: {  	_ =	swait.ge @!p0 [sflag:s2], $0x80  }
0x2e: {  	s7 =	simm.s32 @!p0 $0x13D00;
	[sflag:s2] =	ssyncset.done @!p0 $0x0  }
0x2f: {  	s8 =	simm.s32 @!p0 $0x17E00;
	[sflag:s2] =	ssyncadd.s32 @!p0 $0xFFFFFF80;
	s2 =	simm.s32 @!p0 $0x80  }
0x30: {  	[tilespmem:s8], [sflag:$0x2] =	stream.indirect.gather @!p0 [hbm4b:s4+s2], $0x80, s7, s2, $0xb8;
	[tilespmem:$0x1BE00] =	vst v63  }
0x31: {  	s7 =	simm.s32 @!p0 $0x1  }
0x32: {  	_ =	swait.ge @!p0 [sflag:s7], $0x4000  }
0x33: {  	[sflag:s7] =	ssyncset.done @!p0 $0x0  }
0x34: {  	s8 =	simm.s32 @!p0 $0x13E00;
	[sflag:s7] =	ssyncadd.s32 @!p0 $0xFFFFC000;
	s7 =	simm.s32 @!p0 $0x13C80  }
0x35: {  	[spmem:s1] =	stream.indirect.scatter.add.f32 @!p0 [tilespmem:s8], [sflag:$0x5], $0x80, s7, s2, $0xb8;
	[tilespmem:$0x1BE00] =	vst v63  }
0x36: {  	s2 =	simm.s32 @!p0 $0x5  }
0x37: {  	_ =	swait.ge @!p0 [sflag:s2], $0x4000  }
0x38: {  	[sflag:s2] =	ssyncset.done @!p0 $0x0  }
0x39: {  	s8 =	simm.s32 @!p0 $0x13C00;
	[sflag:s2] =	ssyncadd.s32 @!p0 $0xFFFFC000;
	s2 =	simm.s32 @!p0 $0x0  }
0x3a: {  	[tilespmem:s8], [sflag:$0x3] =	stream.linear.gather @!p0 [hbm4b:s31+s2], $0x80, $0x38;
	[tilespmem:$0x1BE00] =	vst v63  }
0x3b: {  	_ = 	snop  }
0x3c: {  	[tilespmem:s7], [sflag:$0x3] =	stream.linear.gather @!p0 [hbm4b:s30+s2], $0x80, $0x38;
	[tilespmem:$0x1BE00] =	vst v63  }
0x3d: {  	s2 =	sand.u32 @!p0 $0x1, s0  }
0x3e: {  	p1 =	seq.s32 @!p0 s2, $0x0  }
0x3f: {  	p0 =	por p0, !p1  }
0x40: {  	_ =	swait.ge @p0 [sflag:s28], $0x80  }
0x41: {  	[sflag:s28] =	ssyncset.done @p0 $0x0  }
0x42: {  	[sflag:s28] =	ssyncadd.s32 @p0 $0xFFFFFF80  }
0x43: {  	_ =	swait.ge @p0 [sflag:s28], $0x80  }
0x44: {  	[sflag:s28] =	ssyncset.done @p0 $0x0  }
0x45: {  	[sflag:s28] =	ssyncadd.s32 @p0 $0xFFFFFF80  }
0x46: {  	[tilespmem:s20], [sflag:$0x1] =	stream.indirect.gather @p0 [hbm4b:s4+s19], $0x80, s17, s19, $0xb8;
	[tilespmem:$0x1BE00] =	vst v63  }
0x47: {  	_ =	swait.ge @p0 [sflag:s26], $0x4000  }
0x48: {  	[sflag:s26] =	ssyncset.done @p0 $0x0  }
0x49: {  	[sflag:s26] =	ssyncadd.s32 @p0 $0xFFFFC000  }
0x4a: {  	[spmem:s1] =	stream.indirect.scatter.add.f32 @p0 [tilespmem:s24], [sflag:$0x5], $0x80, s22, s19, $0xb8;
	[tilespmem:$0x1BE00] =	vst v63  }
0x4b: {  	_ =	swait.ge @p0 [sflag:s16], $0x4000  }
0x4c: {  	[sflag:s16] =	ssyncset.done @p0 $0x0  }
0x4d: {  	[sflag:s16] =	ssyncadd.s32 @p0 $0xFFFFC000  }
0x4e: {  	[tilespmem:s21], [sflag:$0x4] =	stream.linear.gather @p0 [hbm4b:s31+s3], $0x80, $0x38;
	[tilespmem:$0x1BE00] =	vst v63  }
0x4f: {  	s0 =	sadd.s32 $0x1, s0  }
0x50: {  	[tilespmem:s22], [sflag:$0x4] =	stream.linear.gather @p0 [hbm4b:s30+s3], $0x80, $0x38;
	[tilespmem:$0x1BE00] =	vst v63  }
0x51: {  	p0 =	sne.s32 s0, $0x4E  }
.Ltmp0:
0x52: {  	_ = 	snop;
	(pc) =	sbr.rel @p0 .LBB2_2-.Ltmp0, $2  }
0x53: {  	_ =	sdelay $0x2  }
0x54: {  	s31 =	sadd.s32 $0x10, s31;
	s30 =	sadd.s32 $0x10, s30  }
0x55: {  	_ =	swait.ge [sflag:s23], $0x80  }
0x56: {  	[sflag:s23] =	ssyncset.done $0x0  }
0x57: {  	[sflag:s23] =	ssyncadd.s32 $0xFFFFFF80  }
0x58: {  	_ =	swait.ge [sflag:s23], $0x80  }
0x59: {  	[sflag:s23] =	ssyncset.done $0x0  }
0x5a: {  	[sflag:s23] =	ssyncadd.s32 $0xFFFFFF80  }
0x5b: {  	[tilespmem:s24], [sflag:$0x2] =	stream.indirect.gather [hbm4b:s4+s19], $0x80, s21, s19, $0xb8;
	[tilespmem:$0x1BE00] =	vst v63  }
0x5c: {  	_ =	swait.ge [sflag:s25], $0x4000  }
0x5d: {  	[sflag:s25] =	ssyncset.done $0x0  }
0x5e: {  	[sflag:s25] =	ssyncadd.s32 $0xFFFFC000  }
0x5f: {  	[spmem:s1] =	stream.indirect.scatter.add.f32 [tilespmem:s20], [sflag:$0x5], $0x80, s18, s19, $0xb8;
	[tilespmem:$0x1BE00] =	vst v63  }
0x60: {  	_ =	swait.ge [sflag:s16], $0x4000  }
0x61: {  	[sflag:s16] =	ssyncset.done $0x0  }
0x62: {  	[sflag:s16] =	ssyncadd.s32 $0xFFFFC000  }
0x63: {  	_ =	swait.ge [sflag:s26], $0x4000  }
0x64: {  	[sflag:s26] =	ssyncset.done $0x0  }
0x65: {  	[sflag:s26] =	ssyncadd.s32 $0xFFFFC000  }
0x66: {  	[spmem:s1] =	stream.indirect.scatter.add.f32 [tilespmem:s24], [sflag:$0x5], $0x80, s22, s19, $0xb8;
	[tilespmem:$0x1BE00] =	vst v63  }
0x67: {  	_ =	swait.ge [sflag:s16], $0x4000  }
0x68: {  	s29 =	sadd.s32 $0x1, s29;
	[sflag:s16] =	ssyncset.done $0x0  }
0x69: {  	p0 =	sne.s32 s29, s10;
	[sflag:s16] =	ssyncadd.s32 $0xFFFFC000  }
.Ltmp1:
0x6a: {  	[bflag:$0x0] =	sbarrier.arrive $0xFFFF;
	(pc) =	sbr.rel @p0 .LBB2_1-.Ltmp1, $4  }
0x6b: {  	[hbm:s9], [sflag:s12] =	dma.local [spmem:s15], $0x2780  }
0x6c: {  	_ =	swait.ge [sflag:s16], $0x2780  }
0x6d: {  	[sflag:s16] =	ssyncset.done $0x0  }
0x6e: {  	[sflag:s16] =	ssyncadd.s32 $0xFFFFD880  }
0x6f: {  	_ =	sfence.sel $0x180000  }
0x70: {  	[bflag:$0x0] =	sbarrier.arrive $0xFFFF  }
0x71: {  	_ =	strace $0x9000004D  }
0x72: {  	s0 =	stileid.u32;
	[bflag:$0x2] =	sbarrier.arrive $0xFFFF  }
0x73: {  	p0 =	sne.s32 s0, $0x0;
	s0 =	rddreg [dreg:$0x2]  }
0x74: {  	s0 =	sadd.s32 @!p0 $0x100000, s0  }
0x75: {  	[sflag:s0] =	ssyncadd.tile.s32 @!p0 $0x1;
	_ =	shalt  }
.Lfunc_end2:
_tile_overlayer_lowered:
.L_overlay_start_2:
0x76: {  	(tag) =	ssettag $0x2  }
0x77: {  	s0 =	rddreg [dreg:$0x0];
	s2 =	stileid.u32  }
0x78: {  	s1 =	rddreg [dreg:$0x1];
	p0 =	sne.s32 s2, $0x0  }
0x79: {  	s3 =	rddreg [dreg:$0x2];
	[bflag:$0x3] =	sbarrier.arrive $0xFFFF;
	s2 =	simm.s32 @!p0 $0x1C05  }
0x7a: {  	[timem:s3], [sflag:s2] =	dma.local @!p0 [hbm:s0], s1  }
0x7b: {  	s0 =	simm.s32 @!p0 $0x5  }
0x7c: {  	_ =	swait.ge @!p0 [sflag:s0], s1  }
0x7d: {  	s1 =	ssub.s32 @!p0 $0x0, s1;
	[sflag:s0] =	ssyncset.done @!p0 $0x0  }
0x7e: {  	[sflag:s0] =	ssyncadd.s32 @!p0 s1  }
0x7f: {  	[bflag:$0x3] =	sbarrier.arrive $0xFFFF  }
0x80: {  	_ =	shalt  }

// kernel: _run.19.cloned.1.call-start
scs
__scs_entry_jumppad:
0x0: {  	(pc) =	sbr.rel $0x88, $3  }
0x1: {  	(tag) =	ssettag $0x0;
	lr =	simm.s32 $0x1  }
0x2: {  	[smem:$0x3F94] =	sst lr;
	_ =	strace $0xD0000000  }
0x3: {  	_ = 	snop  }
0x4: {  	_ = 	snop  }
0x5: {  	_ = 	snop  }
0x6: {  	_ = 	snop  }
0x7: {  	_ = 	snop  }
__scs_overlays_trampoline_lowered:
0x8: {  	[smem:$0x3FA3] =	sst s0  }
0x9: {  	[smem:$0x3FA4] =	sst s1  }
0xa: {  	[smem:$0x3FA5] =	sst s2  }
0xb: {  	[smem:$0x3FA6] =	sst s3  }
0xc: {  	[smem:$0x3FA7] =	sst s4  }
0xd: {  	[smem:$0x3FA8] =	sst s5  }
0xe: {  	[smem:$0x3FA9] =	sst s6  }
0xf: {  	[smem:$0x3FAA] =	sst s7  }
0x10: {  	[smem:$0x3FAB] =	sst s8  }
0x11: {  	[smem:$0x3FAC] =	sst s9;
	s0 =	simm.s32 @!p0 $0x0  }
0x12: {  	s1 =	sld [smem:$0x3F92];
	s0 =	simm.s32 @p0 $0x1  }
0x13: {  	[smem:$0x3FAD] =	sst s0;
	s0 =	simm.s32 @!p1 $0x0  }
0x14: {  	s2 =	sld [smem:$0x3F91];
	s0 =	simm.s32 @p1 $0x1  }
0x15: {  	[smem:$0x3FAE] =	sst s0;
	s0 =	simm.s32 @!p2 $0x0  }
0x16: {  	s3 =	sld [smem:$0x3FDB];
	s0 =	simm.s32 @p2 $0x1  }
0x17: {  	s4 =	simm.s32 $0x1BF5;
	[smem:$0x3FB0] =	sst s0  }
0x18: {  	s0 =	sld [smem:$0x3F93];
	_ =	swait.ge [sflag:s4], $0x0  }
0x19: {  	s7 =	sld [smem:$0x3F94]  }
0x1a: {  	s8 =	sadd.s32 $0xFFFFE003, lr  }
0x1b: {  	s9 =	sadd.s32 $0xFFFFFEF7, lr;
	s5 =	simm.s32 $0xFFFFFFFF;
	p2 =	slt.u32 s8, $0xFFFFF086  }
0x1c: {  	p1 =	slt.u32 s9, $0xF7A;
	s5 =	simm.s32 @!p2 $0x0  }
0x1d: {  	s5 =	simm.s32 @p1 $0x1;
	p0 =	seq.s32 s7, s2  }
0x1e: {  	s7 =	smul.u32 @!p0 $0xF7A, s2;
	p2 =	seq.s32 @!p0 s5, $0x0  }
0x1f: {  	s9 =	smul.u32 $0xF7A, s1;
	s8 =	simm.s32 @!p0 $0x1BF5;
	p2 =	por !p2, p0  }
0x20: {  	[sflag:s8] =	ssyncset.s32 @!p0 $0xFFFFF086;
	s6 =	sadd.s32 @!p0 s3, s7;
	s7 =	simm.s32 @!p0 $0x108  }
0x21: {  	s3 =	sadd.s32 s3, s9;
	s6 =	sadd.s32 @!p0 $0x88, s6;
	s7 =	simm.s32 @p2 $0x1082  }
0x22: {  	[simem:s7], [sflag:s8] =	dma.local @!p0 [hbm:s6], $0xF7A  }
0x23: {  	s9 =	sor.u32 $0xD0000000, s2;
	s6 =	simm.s32 $0x108;
	_ =	swait.ge @!p0 [sflag:s8], $0x0  }
0x24: {  	s3 =	sadd.s32 $0x88, s3;
	s6 =	simm.s32 @!p1 $0x1082;
	[sflag:s4] =	ssyncset.s32 $0xFFFFF086  }
0x25: {  	[simem:s6], [sflag:s4] =	dma.local [hbm:s3], $0xF7A  }
0x26: {  	[smem:$0x3F94] =	sst s1;
	(tag) =	ssettag s2;
	_ =	strace s9  }
0x27: {  	s1 =	sld [smem:$0x3FA4]  }
0x28: {  	s2 =	sld [smem:$0x3FA5]  }
0x29: {  	s4 =	sld [smem:$0x3FA7]  }
0x2a: {  	p0 =	seq.s32 s5, $0x0;
	s5 =	sld [smem:$0x3FA8]  }
0x2b: {  	s6 =	sld [smem:$0x3FA9]  }
0x2c: {  	s7 =	sld [smem:$0x3FAA]  }
0x2d: {  	s3 =	simm.s32 $0x108;
	s8 =	sld [smem:$0x3FAB]  }
0x2e: {  	s3 =	simm.s32 @!p0 $0x1082;
	s9 =	sld [smem:$0x3FAC]  }
0x2f: {  	lr =	sadd.s32 s0, s3;
	s0 =	sld [smem:$0x3FA3]  }
0x30: {  	s3 =	sld [smem:$0x3FA6]  }
0x31: {  	[smem:$0x3FAF] =	sst s10  }
0x32: {  	s10 =	sld [smem:$0x3FAD];
	_ =	sdelay $0x3  }
0x33: {  	p0 =	seq.s32 s10, $0x1;
	s10 =	sld [smem:$0x3FAF];
	_ =	sdelay $0x3  }
0x34: {  	[smem:$0x3FAF] =	sst s10  }
0x35: {  	s10 =	sld [smem:$0x3FAE];
	_ =	sdelay $0x3  }
0x36: {  	p1 =	seq.s32 s10, $0x1;
	s10 =	sld [smem:$0x3FAF];
	_ =	sdelay $0x3  }
0x37: {  	[smem:$0x3FAF] =	sst s10  }
0x38: {  	s10 =	sld [smem:$0x3FB0]  }
0x39: {  	_ = 	snop;
	(pc) =	sbr.ind lr, $3  }
0x3a: {  	_ = 	snop  }
0x3b: {  	_ = 	snop  }
0x3c: {  	p2 =	seq.s32 s10, $0x1;
	s10 =	sld [smem:$0x3FAF]  }
0x3d: {  	_ =	shalt  }
0x3e: {  	_ =	shalt  }
0x3f: {  	_ =	shalt  }
0x40: {  	_ =	shalt  }
0x41: {  	_ =	shalt  }
0x42: {  	_ =	shalt  }
0x43: {  	_ =	shalt  }
0x44: {  	_ =	shalt  }
0x45: {  	_ =	shalt  }
0x46: {  	_ =	shalt  }
0x47: {  	_ =	shalt  }
0x48: {  	_ =	shalt  }
0x49: {  	_ =	shalt  }
0x4a: {  	_ =	shalt  }
0x4b: {  	_ =	shalt  }
0x4c: {  	_ =	shalt  }
0x4d: {  	_ =	shalt  }
0x4e: {  	_ =	shalt  }
0x4f: {  	_ =	shalt  }
0x50: {  	_ =	shalt  }
0x51: {  	_ =	shalt  }
0x52: {  	_ =	shalt  }
0x53: {  	_ =	shalt  }
0x54: {  	_ =	shalt  }
0x55: {  	_ =	shalt  }
0x56: {  	_ =	shalt  }
0x57: {  	_ =	shalt  }
0x58: {  	_ =	shalt  }
0x59: {  	_ =	shalt  }
0x5a: {  	_ =	shalt  }
0x5b: {  	_ =	shalt  }
0x5c: {  	_ =	shalt  }
0x5d: {  	_ =	shalt  }
0x5e: {  	_ =	shalt  }
0x5f: {  	_ =	shalt  }
0x60: {  	_ =	shalt  }
0x61: {  	_ =	shalt  }
0x62: {  	_ =	shalt  }
0x63: {  	_ =	shalt  }
0x64: {  	_ =	shalt  }
0x65: {  	_ =	shalt  }
0x66: {  	_ =	shalt  }
0x67: {  	_ =	shalt  }
0x68: {  	_ =	shalt  }
0x69: {  	_ =	shalt  }
0x6a: {  	_ =	shalt  }
0x6b: {  	_ =	shalt  }
0x6c: {  	_ =	shalt  }
0x6d: {  	_ =	shalt  }
0x6e: {  	_ =	shalt  }
0x6f: {  	_ =	shalt  }
0x70: {  	_ =	shalt  }
0x71: {  	_ =	shalt  }
0x72: {  	_ =	shalt  }
0x73: {  	_ =	shalt  }
0x74: {  	_ =	shalt  }
0x75: {  	_ =	shalt  }
0x76: {  	_ =	shalt  }
0x77: {  	_ =	shalt  }
0x78: {  	_ =	shalt  }
0x79: {  	_ =	shalt  }
0x7a: {  	_ =	shalt  }
0x7b: {  	_ =	shalt  }
0x7c: {  	_ =	shalt  }
0x7d: {  	_ =	shalt  }
0x7e: {  	_ =	shalt  }
0x7f: {  	_ =	shalt  }
0x80: {  	_ =	shalt  }
0x81: {  	_ =	shalt  }
0x82: {  	_ =	shalt  }
0x83: {  	_ =	shalt  }
0x84: {  	_ =	shalt  }
0x85: {  	_ =	shalt  }
0x86: {  	_ =	shalt  }
0x87: {  	_ =	shalt  }
.Lfunc_end0:
.L_simem_size_0:
called_computation.3_lowered:
.L_overlay_start_0:
0x88: {  	s2 =	sld [smem:$0x3FD9]  }
0x89: {  	s3 =	sld [smem:$0x3FFE];
	_ =	sdelay $0x1  }
0x8a: {  	s1 =	srdreg.scid  }
0x8b: {  	s0 =	sand.u32 $0x1, s1  }
0x8c: {  	s16 =	sshll.u32 s0, $0xA;
	s2 =	sadd.s32 s3, s2  }
0x8d: {  	s2 =	sadd.s32 s2, s16  }
0x8e: {  	[smem:$0x3FBB] =	sst s2  }
0x8f: {  	_ = 	snop  }
0x90: {  	(tm) =	ssettm $0x1  }
0x91: {  	s17 =	sld [smem:$0x3FFB];
	_ =	sdelay $0x3  }
0x92: {  	_ =	strace s17  }
0x93: {  	s2 =	sld [smem:$0x3FFC];
	_ =	sdelay $0x3  }
0x94: {  	_ =	strace s2  }
0x95: {  	s2 =	sld [smem:$0x3FFD];
	_ =	sdelay $0x3  }
0x96: {  	_ =	strace s2  }
0x97: {  	_ =	strace $0x8FFFFFFF  }
0x98: {  	s18 =	sld [smem:$0x3FDB];
	_ =	sdelay $0x1  }
0x99: {  	s19 =	simm.s32 $_scs_section_size  }
0x9a: {  	s4 =	simm.s32 $_size__tile_overlayer_lowered;
	s5 =	simm.s32 $_tile_overlayer_lowered  }
0x9b: {  	s22 =	simm.s32 $0x1BFF;
	s21 =	sshll.u32 s5, $0x1;
	s2 =	sadd.s32 s19, s18  }
0x9c: {  	s6 =	simm.s32 $0x0;
	s20 =	sshll.u32 s4, $0x1;
	s4 =	sadd.s32 s21, s2  }
0x9d: {  	[timem:s6], [sflag:s22] =	dma.local [hbm:s4], s20  }
0x9e: {  	_ =	swait.ge [sflag:s22], s20  }
0x9f: {  	s3 =	ssub.s32 $0x0, s20;
	[sflag:s22] =	ssyncset.done $0x0  }
0xa0: {  	[sflag:s22] =	ssyncadd.s32 s3;
	_ =	sdelay $0x1  }
0xa1: {  	s23 =	simm.s32 $0x1B8B  }
0xa2: {  	_ =	swait.ge [sflag:s23], $0x1  }
0xa3: {  	[sflag:s23] =	ssyncset.done $0x0  }
0xa4: {  	s25 =	simm.s32 $0x1B8E;
	s24 =	sld [smem:$0x3FFE];
	[sflag:s23] =	ssyncadd.s32 $0xFFFFFFFF  }
0xa5: {  	s26 =	simm.s32 $execute0_lowered;
	[smem:$0x3FD2] =	sst s25  }
0xa6: {  	s4 =	sshll.u32 s26, $0x1;
	_ =	strace $0x8000004F;
	[dreg:$0x1] =	wrdreg $0xFFFFFFFF  }
0xa7: {  	s28 =	simm.s32 $_size_execute0_lowered;
	s2 =	sadd.s32 s2, s4;
	[dreg:$0x0] =	wrdreg $0x0  }
0xa8: {  	s4 =	sshll.u32 s28, $0x1;
	[dreg:$0x2] =	wrdreg s2  }
0xa9: {  	[dreg:$0x3] =	wrdreg s4  }
0xaa: {  	[dreg:$0x4] =	wrdreg $0xC0  }
0xab: {  	_ =	task [dreg:s6], $0x5FFFF  }
0xac: {  	[dreg:$0x1] =	wrdreg $0xFFFFFFFF  }
0xad: {  	[dreg:$0x0] =	wrdreg $0x60  }
0xae: {  	[dreg:$0x2] =	wrdreg s24  }
0xaf: {  	[dreg:$0x3] =	wrdreg $0x0  }
0xb0: {  	[dreg:$0x4] =	wrdreg $0x9  }
0xb1: {  	_ =	task.clear_ibuf [dreg:s6], $0x5FFFF;
	_ =	strace $0x9000004F  }
0xb2: {  	s29 =	simm.s32 $0x9;
	_ =	strace $0x80000051  }
0xb3: {  	_ =	swait.ge [sflag:s29], $0x1  }
0xb4: {  	[sflag:s29] =	ssyncadd.s32 $0xFFFFFFFF  }
0xb5: {  	_ =	strace $0x90000051  }
0xb6: {  	_ =	sfence  }
0xb7: {  	s30 =	sld [smem:$0x0];
	_ =	sdelay $0x2  }
0xb8: {  	s31 =	sshll.u32 s1, $0xD;
	s1 =	sshrl.u32 s1, $0x2  }
0xb9: {  	s3 =	sand.u32 $0x4000, s31;
	s1 =	sadd.s32 s1, s30  }
0xba: {  	s0 =	sor.u32 s3, s0;
	s1 =	sshll.u32 s1, $0x11  }
0xbb: {  	s0 =	sor.u32 s1, s0  }
0xbc: {  	s0 =	sadd.s32 $0x8F2B, s0  }
0xbd: {  	[sflag:s0] =	ssyncadd.remote.s32 $0x1  }
0xbe: {  	_ =	sfence.sel $0xFFFF  }
0xbf: {  	[dreg:$0x0] =	wrdreg $0xFFFFFFFF;
	(pc) =	sbr.abs _section_cstart, $3  }
0xc0: {  	[dreg:$0x1] =	wrdreg $0xFFFFFFFF  }
0xc1: {  	_ =	task.clear_ibuf [dreg:s6], $0x2FFFF;
	_ =	strace $0x9FFFFFFF  }
0xc2: {  	(tm) =	ssettm $0x7FFFFFFF  }
0xc3: {  	_ =	shalt  }
tec
execute0_lowered:
.L_overlay_start_1:
0x0: {  	(tag) =	ssettag $0x1  }
0x1: {  	s0 =	rddreg [dreg:$0x0]  }
0x2: {  	s1 =	rddreg [dreg:$0x1];
	s2 =	srdreg.scid;
	s3 =	simm.s32 $0x0  }
0x3: {  	s23 =	stileid.u32;
	s16 =	simm.s32 $0x5;
	s17 =	simm.s32 $0x13C00  }
0x4: {  	s18 =	simm.s32 $0x13C80;
	s19 =	simm.s32 $0x80;
	s20 =	simm.s32 $0x13E00  }
0x5: {  	s21 =	simm.s32 $0x13D00;
	s22 =	simm.s32 $0x13D80;
	s28 =	simm.s32 $0x3  }
0x6: {  	s29 =	simm.s32 $0x0;
	s5 =	sand.u32 $0x1, s2;
	s7 =	smul.u32 $0x13C00, s23  }
0x7: {  	[smem:$0x7FF] =	sst s3;
	s4 =	sadd.s32 $0x3EE00, s0;
	s10 =	smul.u32 $0x4F000, s23  }
0x8: {  	s11 =	sadd.s32 $0x17600, s0;
	s8 =	sadd.s32 $0x3600, s0;
	s13 =	smul.u32 $0x2780, s23  }
0x9: {  	s9 =	sadd.s32 $0xD600, s0;
	s31 =	sshll.u32 s23, $0x6;
	s6 =	smul.u32 $0x13C000, s5  }
0xa: {  	_ =	strace $0x80000050;
	s24 =	ssub.s32 $0x2, s5;
	p0 =	seq.s32 s5, $0x0  }
0xb: {  	s12 =	sshrl.u32 s24, $0x1;
	s25 =	sshrl.u32 s10, $0x2;
	s11 =	smov.u32 @p0 s4  }
0xc: {  	s6 =	sadd.s32 s7, s6;
	s7 =	smul.u32 $0x50, s23;
	s12 =	ssub.s32 s24, s12  }
0xd: {  	s15 =	sadd.s32 s25, s1;
	s11 =	sadd.s32 s11, s13;
	s23 =	simm.s32 $0x4  }
0xe: {  	s24 =	simm.s32 $0x17E00;
	s25 =	simm.s32 $0x1;
	s5 =	sadd.s32 $0x500, s7  }
0xf: {  	s6 =	sshrl.u32 s6, $0x3;
	s10 =	smax.u32 s12, $0x1;
	s5 =	smov.u32 @p0 s7  }
0x10: {  	s12 =	sor.u32 $0x1C05, s31;
	s15 =	sshrl.u32 s15, $0x3;
	s7 =	sshll.u32 s5, $0x4  }
0x11: {  	s0 =	sadd.s32 s6, s0;
	s5 =	sadd.s32 s8, s7;
	s26 =	sor.u32 $0x10, s7  }
0x12: {  	s6 =	sadd.s32 s9, s7;
	s7 =	sadd.s32 s8, s26;
	s30 =	sadd.s32 s9, s26  }
0x13: {  	s9 =	sadd.s32 $0x66600, s0;
	s13 =	sadd.s32 $0x20, s5;
	[dreg:$0x3] =	wrdreg s7  }
0x14: {  	s14 =	sadd.s32 $0x20, s6;
	s26 =	simm.s32 $0x2;
	[dreg:$0x4] =	wrdreg s30  }
.LBB2_1:
0x15: {  	[spmem:s15], [sflag:s12] =	dma.local [hbm:s11], $0x2780  }
0x16: {  	_ =	swait.ge [sflag:s16], $0x2780  }
0x17: {  	[sflag:s16] =	ssyncset.done $0x0  }
0x18: {  	[sflag:s16] =	ssyncadd.s32 $0xFFFFD880  }
0x19: {  	[bflag:$0x0] =	sbarrier.arrive $0xFFFF  }
0x1a: {  	[tilespmem:s17], [sflag:$0x5] =	stream.linear.gather [hbm4b:s5+s3], $0x80, $0x38;
	[tilespmem:$0x1BE00] =	vst v63  }
0x1b: {  	_ =	swait.ge [sflag:s16], $0x80  }
0x1c: {  	[sflag:s16] =	ssyncset.done $0x0  }
0x1d: {  	[sflag:s16] =	ssyncadd.s32 $0xFFFFFF80  }
0x1e: {  	[tilespmem:s18], [sflag:$0x5] =	stream.linear.gather [hbm4b:s6+s3], $0x80, $0x38;
	[tilespmem:$0x1BE00] =	vst v63  }
0x1f: {  	_ =	swait.ge [sflag:s16], $0x80  }
0x20: {  	[sflag:s16] =	ssyncset.done $0x0  }
0x21: {  	[sflag:s16] =	ssyncadd.s32 $0xFFFFFF80  }
0x22: {  	[tilespmem:s20], [sflag:$0x1] =	stream.indirect.gather [hbm4b:s4+s19], $0x80, s17, s19, $0xb8;
	[tilespmem:$0x1BE00] =	vst v63  }
0x23: {  	s30 =	smov.u32 s14;
	s0 =	rddreg [dreg:$0x3]  }
0x24: {  	[tilespmem:s21], [sflag:$0x4] =	stream.linear.gather [hbm4b:s0+s3], $0x80, $0x38;
	[tilespmem:$0x1BE00] =	vst v63  }
0x25: {  	s31 =	smov.u32 s13;
	s8 =	rddreg [dreg:$0x4];
	s0 =	simm.s32 $0x0  }
0x26: {  	[tilespmem:s22], [sflag:$0x4] =	stream.linear.gather [hbm4b:s8+s3], $0x80, $0x38;
	[tilespmem:$0x1BE00] =	vst v63  }
.LBB2_2:
0x27: {  	s2 =	sand.u32 $0x1, s0  }
0x28: {  	p0 =	seq.s32 s2, $0x1  }
0x29: {  	s2 =	simm.s32 @!p0 $0x4  }
0x2a: {  	_ =	swait.ge @!p0 [sflag:s2], $0x80  }
0x2b: {  	[sflag:s2] =	ssyncset.done @!p0 $0x0  }
0x2c: {  	[sflag:s2] =	ssyncadd.s32 @!p0 $0xFFFFFF80  }
0x2d: {  	_ =	swait.ge @!p0 [sflag:s2], $0x80  }
0x2e: {  	s7 =	simm.s32 @!p0 $0x13D00;
	[sflag:s2] =	ssyncset.done @!p0 $0x0  }
0x2f: {  	s8 =	simm.s32 @!p0 $0x17E00;
	[sflag:s2] =	ssyncadd.s32 @!p0 $0xFFFFFF80;
	s2 =	simm.s32 @!p0 $0x80  }
0x30: {  	[tilespmem:s8], [sflag:$0x2] =	stream.indirect.gather @!p0 [hbm4b:s4+s2], $0x80, s7, s2, $0xb8;
	[tilespmem:$0x1BE00] =	vst v63  }
0x31: {  	s7 =	simm.s32 @!p0 $0x1  }
0x32: {  	_ =	swait.ge @!p0 [sflag:s7], $0x4000  }
0x33: {  	[sflag:s7] =	ssyncset.done @!p0 $0x0  }
0x34: {  	s8 =	simm.s32 @!p0 $0x13E00;
	[sflag:s7] =	ssyncadd.s32 @!p0 $0xFFFFC000;
	s7 =	simm.s32 @!p0 $0x13C80  }
0x35: {  	[spmem:s1] =	stream.indirect.scatter.add.f32 @!p0 [tilespmem:s8], [sflag:$0x5], $0x80, s7, s2, $0xb8;
	[tilespmem:$0x1BE00] =	vst v63  }
0x36: {  	s2 =	simm.s32 @!p0 $0x5  }
0x37: {  	_ =	swait.ge @!p0 [sflag:s2], $0x4000  }
0x38: {  	[sflag:s2] =	ssyncset.done @!p0 $0x0  }
0x39: {  	s8 =	simm.s32 @!p0 $0x13C00;
	[sflag:s2] =	ssyncadd.s32 @!p0 $0xFFFFC000;
	s2 =	simm.s32 @!p0 $0x0  }
0x3a: {  	[tilespmem:s8], [sflag:$0x3] =	stream.linear.gather @!p0 [hbm4b:s31+s2], $0x80, $0x38;
	[tilespmem:$0x1BE00] =	vst v63  }
0x3b: {  	_ = 	snop  }
0x3c: {  	[tilespmem:s7], [sflag:$0x3] =	stream.linear.gather @!p0 [hbm4b:s30+s2], $0x80, $0x38;
	[tilespmem:$0x1BE00] =	vst v63  }
0x3d: {  	s2 =	sand.u32 @!p0 $0x1, s0  }
0x3e: {  	p1 =	seq.s32 @!p0 s2, $0x0  }
0x3f: {  	p0 =	por p0, !p1  }
0x40: {  	_ =	swait.ge @p0 [sflag:s28], $0x80  }
0x41: {  	[sflag:s28] =	ssyncset.done @p0 $0x0  }
0x42: {  	[sflag:s28] =	ssyncadd.s32 @p0 $0xFFFFFF80  }
0x43: {  	_ =	swait.ge @p0 [sflag:s28], $0x80  }
0x44: {  	[sflag:s28] =	ssyncset.done @p0 $0x0  }
0x45: {  	[sflag:s28] =	ssyncadd.s32 @p0 $0xFFFFFF80  }
0x46: {  	[tilespmem:s20], [sflag:$0x1] =	stream.indirect.gather @p0 [hbm4b:s4+s19], $0x80, s17, s19, $0xb8;
	[tilespmem:$0x1BE00] =	vst v63  }
0x47: {  	_ =	swait.ge @p0 [sflag:s26], $0x4000  }
0x48: {  	[sflag:s26] =	ssyncset.done @p0 $0x0  }
0x49: {  	[sflag:s26] =	ssyncadd.s32 @p0 $0xFFFFC000  }
0x4a: {  	[spmem:s1] =	stream.indirect.scatter.add.f32 @p0 [tilespmem:s24], [sflag:$0x5], $0x80, s22, s19, $0xb8;
	[tilespmem:$0x1BE00] =	vst v63  }
0x4b: {  	_ =	swait.ge @p0 [sflag:s16], $0x4000  }
0x4c: {  	[sflag:s16] =	ssyncset.done @p0 $0x0  }
0x4d: {  	[sflag:s16] =	ssyncadd.s32 @p0 $0xFFFFC000  }
0x4e: {  	[tilespmem:s21], [sflag:$0x4] =	stream.linear.gather @p0 [hbm4b:s31+s3], $0x80, $0x38;
	[tilespmem:$0x1BE00] =	vst v63  }
0x4f: {  	s0 =	sadd.s32 $0x1, s0  }
0x50: {  	[tilespmem:s22], [sflag:$0x4] =	stream.linear.gather @p0 [hbm4b:s30+s3], $0x80, $0x38;
	[tilespmem:$0x1BE00] =	vst v63  }
0x51: {  	p0 =	sne.s32 s0, $0x4E  }
.Ltmp0:
0x52: {  	_ = 	snop;
	(pc) =	sbr.rel @p0 .LBB2_2-.Ltmp0, $2  }
0x53: {  	_ =	sdelay $0x2  }
0x54: {  	s31 =	sadd.s32 $0x10, s31;
	s30 =	sadd.s32 $0x10, s30  }
0x55: {  	_ =	swait.ge [sflag:s23], $0x80  }
0x56: {  	[sflag:s23] =	ssyncset.done $0x0  }
0x57: {  	[sflag:s23] =	ssyncadd.s32 $0xFFFFFF80  }
0x58: {  	_ =	swait.ge [sflag:s23], $0x80  }
0x59: {  	[sflag:s23] =	ssyncset.done $0x0  }
0x5a: {  	[sflag:s23] =	ssyncadd.s32 $0xFFFFFF80  }
0x5b: {  	[tilespmem:s24], [sflag:$0x2] =	stream.indirect.gather [hbm4b:s4+s19], $0x80, s21, s19, $0xb8;
	[tilespmem:$0x1BE00] =	vst v63  }
0x5c: {  	_ =	swait.ge [sflag:s25], $0x4000  }
0x5d: {  	[sflag:s25] =	ssyncset.done $0x0  }
0x5e: {  	[sflag:s25] =	ssyncadd.s32 $0xFFFFC000  }
0x5f: {  	[spmem:s1] =	stream.indirect.scatter.add.f32 [tilespmem:s20], [sflag:$0x5], $0x80, s18, s19, $0xb8;
	[tilespmem:$0x1BE00] =	vst v63  }
0x60: {  	_ =	swait.ge [sflag:s16], $0x4000  }
0x61: {  	[sflag:s16] =	ssyncset.done $0x0  }
0x62: {  	[sflag:s16] =	ssyncadd.s32 $0xFFFFC000  }
0x63: {  	_ =	swait.ge [sflag:s26], $0x4000  }
0x64: {  	[sflag:s26] =	ssyncset.done $0x0  }
0x65: {  	[sflag:s26] =	ssyncadd.s32 $0xFFFFC000  }
0x66: {  	[spmem:s1] =	stream.indirect.scatter.add.f32 [tilespmem:s24], [sflag:$0x5], $0x80, s22, s19, $0xb8;
	[tilespmem:$0x1BE00] =	vst v63  }
0x67: {  	_ =	swait.ge [sflag:s16], $0x4000  }
0x68: {  	s29 =	sadd.s32 $0x1, s29;
	[sflag:s16] =	ssyncset.done $0x0  }
0x69: {  	p0 =	sne.s32 s29, s10;
	[sflag:s16] =	ssyncadd.s32 $0xFFFFC000  }
.Ltmp1:
0x6a: {  	[bflag:$0x0] =	sbarrier.arrive $0xFFFF;
	(pc) =	sbr.rel @p0 .LBB2_1-.Ltmp1, $4  }
0x6b: {  	[hbm:s9], [sflag:s12] =	dma.local [spmem:s15], $0x2780  }
0x6c: {  	_ =	swait.ge [sflag:s16], $0x2780  }
0x6d: {  	[sflag:s16] =	ssyncset.done $0x0  }
0x6e: {  	[sflag:s16] =	ssyncadd.s32 $0xFFFFD880  }
0x6f: {  	_ =	sfence.sel $0x180000  }
0x70: {  	[bflag:$0x0] =	sbarrier.arrive $0xFFFF  }
0x71: {  	_ =	strace $0x90000050  }
0x72: {  	s0 =	stileid.u32;
	[bflag:$0x2] =	sbarrier.arrive $0xFFFF  }
0x73: {  	p0 =	sne.s32 s0, $0x0;
	s0 =	rddreg [dreg:$0x2]  }
0x74: {  	s0 =	sadd.s32 @!p0 $0x100000, s0  }
0x75: {  	[sflag:s0] =	ssyncadd.tile.s32 @!p0 $0x1;
	_ =	shalt  }
.Lfunc_end2:
_tile_overlayer_lowered:
.L_overlay_start_2:
0x76: {  	(tag) =	ssettag $0x2  }
0x77: {  	s0 =	rddreg [dreg:$0x0];
	s2 =	stileid.u32  }
0x78: {  	s1 =	rddreg [dreg:$0x1];
	p0 =	sne.s32 s2, $0x0  }
0x79: {  	s3 =	rddreg [dreg:$0x2];
	[bflag:$0x3] =	sbarrier.arrive $0xFFFF;
	s2 =	simm.s32 @!p0 $0x1C05  }
0x7a: {  	[timem:s3], [sflag:s2] =	dma.local @!p0 [hbm:s0], s1  }
0x7b: {  	s0 =	simm.s32 @!p0 $0x5  }
0x7c: {  	_ =	swait.ge @!p0 [sflag:s0], s1  }
0x7d: {  	s1 =	ssub.s32 @!p0 $0x0, s1;
	[sflag:s0] =	ssyncset.done @!p0 $0x0  }
0x7e: {  	[sflag:s0] =	ssyncadd.s32 @!p0 s1  }
0x7f: {  	[bflag:$0x3] =	sbarrier.arrive $0xFFFF  }
0x80: {  	_ =	shalt  }

</sc_bundles>
